<compile_context>
chip_gen: v7x
topology: tpu7x:2x2x1
jax: 0.10.2.dev20260603
libtpu: 0.0.44.dev20260713+nightly
codegen_flags: <defaults>
</compile_context>

<pallas_src>
import functools

import jax
import jax.numpy as jnp
from jax import lax
from jax.experimental import pallas as pl
from jax.experimental.pallas import tpu as pltpu
from jax.experimental.pallas import tpu_sc as plsc

NC = 2
NS = 16
NW = NC * NS
L = 16

NBUF = 4


def _gather_kernel(B0, S, d, b_per_w):
    assert b_per_w == 128 and d == 64
    KT = d // 8
    mesh = plsc.VectorSubcoreMesh(
        core_axis_name="c", subcore_axis_name="s", num_cores=NC, num_subcores=NS
    )

    @functools.partial(
        pl.kernel,
        mesh=mesh,
        compiler_params=pltpu.CompilerParams(
            use_tc_tiling_on_sc=False, needs_layout_passes=False
        ),
        out_type=jax.ShapeDtypeStruct((S, KT, NW, 8, 128), jnp.float32),
        scratch_types=[
            pltpu.VMEM((b_per_w, S), jnp.int32),
            pltpu.VMEM((S * b_per_w,), jnp.int32),
            pltpu.VMEM((NBUF, b_per_w, d), jnp.float32),
            pltpu.VMEM((NBUF, KT, 8, 129), jnp.float32),
            pltpu.SemaphoreType.DMA((NBUF,)),
            pltpu.SemaphoreType.DMA((NBUF,)),
        ],
    )
    def k(idx_hbm, table_hbm, out_hbm, idx_v, idx_t, rows_v, obuf, gsem, wsem):
        table_flat = table_hbm.at[0]
        wid = lax.axis_index("s") * NC + lax.axis_index("c")
        base_b = wid * b_per_w
        pltpu.sync_copy(idx_hbm.at[pl.ds(base_b, b_per_w)], idx_v)

        iota = lax.iota(jnp.int32, L)

        @plsc.parallel_loop(0, S, unroll=8)
        def _tr_idx(s):
            sf = jnp.full((L,), s, jnp.int32)
            for g in range(b_per_w // L):
                bs = iota + (L * g)
                vals = plsc.load_gather(idx_v, [bs, sf])
                plsc.store_scatter(idx_t, [s * b_per_w + (L * g) + iota], vals)

        def gather_desc(j, slot):
            return pltpu.make_async_copy(
                table_flat.at[idx_t.at[pl.ds(j * b_per_w, b_per_w)]],
                rows_v.at[slot],
                gsem.at[slot],
            )

        def write_desc(j, slot):
            return pltpu.make_async_copy(
                obuf.at[slot].at[:, :, pl.ds(0, 128)],
                out_hbm.at[j, :, wid],
                wsem.at[slot],
            )

        kg_vecs = [
            ((iota + L * kg) >> 3, (iota + L * kg) & 7) for kg in range(d // L)
        ]

        def transpose_chunk(u):
            @plsc.parallel_loop(0, b_per_w, unroll=8)
            def _tr(bs):
                bsv = jnp.full((L,), bs, jnp.int32)
                for kg, (kkv, ksv) in enumerate(kg_vecs):
                    vals = rows_v.at[u][bs, pl.ds(L * kg, L)]
                    plsc.store_scatter(obuf.at[u], [kkv, ksv, bsv], vals)

        for j0 in range(NBUF - 1):
            gather_desc(j0, j0).start()

        def body(g, carry):
            for u in range(NBUF):
                j = g * NBUF + u
                pu = (u + NBUF - 1) % NBUF
                gather_desc(j, u).wait()

                @pl.when(j > 1)
                def _retire_write():
                    write_desc(j - 2, (u + NBUF - 2) % NBUF).wait()

                @pl.when(j + NBUF - 1 < S)
                def _prefetch():
                    gather_desc(j + NBUF - 1, pu).start()

                transpose_chunk(u)
                write_desc(j, u).start()

            return carry

        lax.fori_loop(0, S // NBUF, body, 0)
        write_desc(S - 2, (S - 2) % NBUF).wait()
        write_desc(S - 1, (S - 1) % NBUF).wait()

    return k


def kernel(indices_, tables):
    num_pages, page_size, d = tables.shape
    B0, S = indices_.shape
    b_per_w = B0 // NW
    assert B0 % NW == 0 and S % NBUF == 0

    idx = indices_.astype(jnp.int32)
    r = _gather_kernel(B0, S, d, b_per_w)(idx, tables)
    return jnp.transpose(r, (2, 4, 0, 1, 3)).reshape(B0, S, d)

# --- scband reference (transcript-rebuilt; emitter-appended) ---
"""Pipeline reference for scband-large-embedding-72404558676652 (READ-ONLY COPY).

The authoritative reference and input builder live on the scoring server;
editing this copy changes nothing except your own understanding.
"""

import jax, jax.numpy as jnp
import numpy as np

NUM_EMBEDDINGS = 1000000
EMBED_DIM = 64
NUM_PAGES = 4
PAGE_SIZE = (NUM_EMBEDDINGS + NUM_PAGES - 1) // NUM_PAGES  # 250000
BATCH = 4096
SEQ = 200

def setup_inputs(seed: int = 0) -> dict:
    key = jax.random.key(seed)
    k1, k2 = jax.random.split(key)
    indices_ = jax.random.randint(k1, (BATCH, SEQ), 0, NUM_EMBEDDINGS, dtype=jnp.int64 if jax.config.jax_enable_x64 else jnp.int32)
    # paged embedding tables, one page per (virtual) device, stacked
    tables = jax.random.normal(k2, (NUM_PAGES, PAGE_SIZE, EMBED_DIM), dtype=jnp.float32) * 0.02
    return {"indices_": indices_, "tables": tables}

def reference(indices_, tables):
    # Faithful translation of LargeEmbedding.forward: flatten indices,
    # per-page masked select + local-offset embedding lookup, then
    # index_copy back into the flat output buffer.
    num_pages, page_size, d = tables.shape
    flat = indices_.reshape(-1)
    y = jnp.zeros((flat.shape[0], d), dtype=jnp.float32)
    page_offset = 0
    for i in range(num_pages):
        mask = (flat >= page_offset) & (flat < page_offset + page_size)
        local = jnp.clip(flat - page_offset, 0, page_size - 1)
        v = jnp.take(tables[i], local, axis=0)
        y = jnp.where(mask[:, None], v, y)
        page_offset += page_size
    return y.reshape(indices_.shape[0], indices_.shape[1], d)

if __name__ == "__main__":
    import jax
    _d = setup_inputs()
    print(jax.jit(kernel)(*tuple(_d.values())))

</pallas_src>

<mosaic_0001>
#map = affine_map<(d0, d1) -> (0, 0)>
#map1 = affine_map<(d0, d1) -> (0, 0, 0)>
#map2 = affine_map<(d0, d1) -> (0, 0, 0, 0, 0)>
module attributes {stable_mosaic.version = 14 : i64} {
  func.func @k(%arg0: i32, %arg1: i32, %arg2: memref<4096x200xi32, #tpu.memory_space<hbm>>, %arg3: memref<4x250000x64xf32, #tpu.memory_space<hbm>>, %arg4: memref<200x8x32x8x128xf32, #tpu.memory_space<hbm>>, %arg5: memref<128x200xi32, #tpu.memory_space<vmem>>, %arg6: memref<25600xi32, #tpu.memory_space<vmem>>, %arg7: memref<4x128x64xf32, #tpu.memory_space<vmem>>, %arg8: memref<4x8x8x129xf32, #tpu.memory_space<vmem>>, %arg9: memref<4x!tpu.dma_semaphore, #tpu.memory_space<semaphore_mem>>, %arg10: memref<4x!tpu.dma_semaphore, #tpu.memory_space<semaphore_mem>>) attributes {dimension_semantics = [#tpu.dimension_semantics<core_parallel>, #tpu.dimension_semantics<subcore_parallel>], iteration_bounds = array<i64: 2, 16>, scalar_prefetch = 0 : i64, scratch_operands = 6 : i64, tpu.core_type = #tpu.core_type<sc_vector_subcore>, window_params = [{transform_indices = #map}, {transform_indices = #map1}, {transform_indices = #map2}]} {
    %mul3A = arith.constant 2 : i32
    %mul3A_0 = arith.muli %arg1, %mul3A : i32
    %add3A = arith.addi %mul3A_0, %arg0 : i32
    %mul3A_1 = arith.constant 128 : i32
    %mul3A_2 = arith.muli %add3A, %mul3A_1 : i32
    "tpu.region"() ({
      %run_scoped3A = tpu.sem_alloc : memref<!tpu.dma_semaphore, #tpu.memory_space<semaphore_mem>>
      %dma_start3A_175 = arith.constant 0 : i32
      %dma_start3A_176 = tpu.memref_slice %arg2[%mul3A_2, %dma_start3A_175] : memref<4096x200xi32, #tpu.memory_space<hbm>> -> memref<128x200xi32, #tpu.memory_space<hbm>>
      %dma_start3A_177 = arith.constant 0 : i32
      %dma_start3A_178 = tpu.memref_slice %arg2[%mul3A_2, %dma_start3A_177] : memref<4096x200xi32, #tpu.memory_space<hbm>> -> memref<128x200xi32, #tpu.memory_space<hbm>>
      tpu.enqueue_dma source(%dma_start3A_178 : memref<128x200xi32, #tpu.memory_space<hbm>>) target(%arg5 : memref<128x200xi32, #tpu.memory_space<vmem>>) target_semaphore(%run_scoped3A : memref<!tpu.dma_semaphore, #tpu.memory_space<semaphore_mem>>)
      %dma_wait3A_179 = arith.constant 0 : i32
      %dma_wait3A_180 = tpu.memref_slice %arg2[%mul3A_2, %dma_wait3A_179] : memref<4096x200xi32, #tpu.memory_space<hbm>> -> memref<128x200xi32, #tpu.memory_space<hbm>>
      %dma_wait3A_181 = arith.constant 0 : i32
      %dma_wait3A_182 = tpu.memref_slice %arg2[%mul3A_2, %dma_wait3A_181] : memref<4096x200xi32, #tpu.memory_space<hbm>> -> memref<128x200xi32, #tpu.memory_space<hbm>>
      tpu.wait_dma2 semaphore(%run_scoped3A : memref<!tpu.dma_semaphore, #tpu.memory_space<semaphore_mem>>) src(%dma_wait3A_182 : memref<128x200xi32, #tpu.memory_space<hbm>>) dst(%arg5 : memref<128x200xi32, #tpu.memory_space<vmem>>)
      tpu.yield
    }) : () -> ()
    %iota3A = tpu.iota {dimensions = array<i32: 0>} : vector<16xi32>
    %parallel_loop3A = arith.constant 0 : i32
    %parallel_loop3A_3 = arith.constant 200 : i32
    %parallel_loop3A_4 = arith.constant 1 : i32
    scf.for %parallel_loop3A_175 = %parallel_loop3A to %parallel_loop3A_3 step %parallel_loop3A_4  : i32 {
      %parallel_loop3A_176 = vector.broadcast %parallel_loop3A_175 : i32 to vector<16xi32>
      %parallel_loop3A_177 = arith.constant 0 : i32
      %parallel_loop3A_178 = vector.broadcast %parallel_loop3A_177 : i32 to vector<16xi32>
      %parallel_loop3A_179 = arith.addi %iota3A, %parallel_loop3A_178 : vector<16xi32>
      %parallel_loop3A_180 = tpu.vector_load_idx %arg5[%parallel_loop3A_179, %parallel_loop3A_176] : memref<128x200xi32, #tpu.memory_space<vmem>>[vector<16xi32>, vector<16xi32>], vector<16xi32>,
      %parallel_loop3A_181 = arith.constant 128 : i32
      %parallel_loop3A_182 = arith.muli %parallel_loop3A_175, %parallel_loop3A_181 : i32
      %parallel_loop3A_183 = arith.constant 0 : i32
      %parallel_loop3A_184 = arith.addi %parallel_loop3A_182, %parallel_loop3A_183 : i32
      %parallel_loop3A_185 = vector.broadcast %parallel_loop3A_184 : i32 to vector<16xi32>
      %parallel_loop3A_186 = arith.addi %parallel_loop3A_185, %iota3A : vector<16xi32>
      tpu.vector_store_idx %arg6[%parallel_loop3A_186], %parallel_loop3A_180 : memref<25600xi32, #tpu.memory_space<vmem>>[vector<16xi32>], vector<16xi32>,
      %parallel_loop3A_187 = arith.constant 16 : i32
      %parallel_loop3A_188 = vector.broadcast %parallel_loop3A_187 : i32 to vector<16xi32>
      %parallel_loop3A_189 = arith.addi %iota3A, %parallel_loop3A_188 : vector<16xi32>
      %parallel_loop3A_190 = tpu.vector_load_idx %arg5[%parallel_loop3A_189, %parallel_loop3A_176] : memref<128x200xi32, #tpu.memory_space<vmem>>[vector<16xi32>, vector<16xi32>], vector<16xi32>,
      %parallel_loop3A_191 = arith.constant 128 : i32
      %parallel_loop3A_192 = arith.muli %parallel_loop3A_175, %parallel_loop3A_191 : i32
      %parallel_loop3A_193 = arith.constant 16 : i32
      %parallel_loop3A_194 = arith.addi %parallel_loop3A_192, %parallel_loop3A_193 : i32
      %parallel_loop3A_195 = vector.broadcast %parallel_loop3A_194 : i32 to vector<16xi32>
      %parallel_loop3A_196 = arith.addi %parallel_loop3A_195, %iota3A : vector<16xi32>
      tpu.vector_store_idx %arg6[%parallel_loop3A_196], %parallel_loop3A_190 : memref<25600xi32, #tpu.memory_space<vmem>>[vector<16xi32>], vector<16xi32>,
      %parallel_loop3A_197 = arith.constant 32 : i32
      %parallel_loop3A_198 = vector.broadcast %parallel_loop3A_197 : i32 to vector<16xi32>
      %parallel_loop3A_199 = arith.addi %iota3A, %parallel_loop3A_198 : vector<16xi32>
      %parallel_loop3A_200 = tpu.vector_load_idx %arg5[%parallel_loop3A_199, %parallel_loop3A_176] : memref<128x200xi32, #tpu.memory_space<vmem>>[vector<16xi32>, vector<16xi32>], vector<16xi32>,
      %parallel_loop3A_201 = arith.constant 128 : i32
      %parallel_loop3A_202 = arith.muli %parallel_loop3A_175, %parallel_loop3A_201 : i32
      %parallel_loop3A_203 = arith.constant 32 : i32
      %parallel_loop3A_204 = arith.addi %parallel_loop3A_202, %parallel_loop3A_203 : i32
      %parallel_loop3A_205 = vector.broadcast %parallel_loop3A_204 : i32 to vector<16xi32>
      %parallel_loop3A_206 = arith.addi %parallel_loop3A_205, %iota3A : vector<16xi32>
      tpu.vector_store_idx %arg6[%parallel_loop3A_206], %parallel_loop3A_200 : memref<25600xi32, #tpu.memory_space<vmem>>[vector<16xi32>], vector<16xi32>,
      %parallel_loop3A_207 = arith.constant 48 : i32
      %parallel_loop3A_208 = vector.broadcast %parallel_loop3A_207 : i32 to vector<16xi32>
      %parallel_loop3A_209 = arith.addi %iota3A, %parallel_loop3A_208 : vector<16xi32>
      %parallel_loop3A_210 = tpu.vector_load_idx %arg5[%parallel_loop3A_209, %parallel_loop3A_176] : memref<128x200xi32, #tpu.memory_space<vmem>>[vector<16xi32>, vector<16xi32>], vector<16xi32>,
      %parallel_loop3A_211 = arith.constant 128 : i32
      %parallel_loop3A_212 = arith.muli %parallel_loop3A_175, %parallel_loop3A_211 : i32
      %parallel_loop3A_213 = arith.constant 48 : i32
      %parallel_loop3A_214 = arith.addi %parallel_loop3A_212, %parallel_loop3A_213 : i32
      %parallel_loop3A_215 = vector.broadcast %parallel_loop3A_214 : i32 to vector<16xi32>
      %parallel_loop3A_216 = arith.addi %parallel_loop3A_215, %iota3A : vector<16xi32>
      tpu.vector_store_idx %arg6[%parallel_loop3A_216], %parallel_loop3A_210 : memref<25600xi32, #tpu.memory_space<vmem>>[vector<16xi32>], vector<16xi32>,
      %parallel_loop3A_217 = arith.constant 64 : i32
      %parallel_loop3A_218 = vector.broadcast %parallel_loop3A_217 : i32 to vector<16xi32>
      %parallel_loop3A_219 = arith.addi %iota3A, %parallel_loop3A_218 : vector<16xi32>
      %parallel_loop3A_220 = tpu.vector_load_idx %arg5[%parallel_loop3A_219, %parallel_loop3A_176] : memref<128x200xi32, #tpu.memory_space<vmem>>[vector<16xi32>, vector<16xi32>], vector<16xi32>,
      %parallel_loop3A_221 = arith.constant 128 : i32
      %parallel_loop3A_222 = arith.muli %parallel_loop3A_175, %parallel_loop3A_221 : i32
      %parallel_loop3A_223 = arith.constant 64 : i32
      %parallel_loop3A_224 = arith.addi %parallel_loop3A_222, %parallel_loop3A_223 : i32
      %parallel_loop3A_225 = vector.broadcast %parallel_loop3A_224 : i32 to vector<16xi32>
      %parallel_loop3A_226 = arith.addi %parallel_loop3A_225, %iota3A : vector<16xi32>
      tpu.vector_store_idx %arg6[%parallel_loop3A_226], %parallel_loop3A_220 : memref<25600xi32, #tpu.memory_space<vmem>>[vector<16xi32>], vector<16xi32>,
      %parallel_loop3A_227 = arith.constant 80 : i32
      %parallel_loop3A_228 = vector.broadcast %parallel_loop3A_227 : i32 to vector<16xi32>
      %parallel_loop3A_229 = arith.addi %iota3A, %parallel_loop3A_228 : vector<16xi32>
      %parallel_loop3A_230 = tpu.vector_load_idx %arg5[%parallel_loop3A_229, %parallel_loop3A_176] : memref<128x200xi32, #tpu.memory_space<vmem>>[vector<16xi32>, vector<16xi32>], vector<16xi32>,
      %parallel_loop3A_231 = arith.constant 128 : i32
      %parallel_loop3A_232 = arith.muli %parallel_loop3A_175, %parallel_loop3A_231 : i32
      %parallel_loop3A_233 = arith.constant 80 : i32
      %parallel_loop3A_234 = arith.addi %parallel_loop3A_232, %parallel_loop3A_233 : i32
      %parallel_loop3A_235 = vector.broadcast %parallel_loop3A_234 : i32 to vector<16xi32>
      %parallel_loop3A_236 = arith.addi %parallel_loop3A_235, %iota3A : vector<16xi32>
      tpu.vector_store_idx %arg6[%parallel_loop3A_236], %parallel_loop3A_230 : memref<25600xi32, #tpu.memory_space<vmem>>[vector<16xi32>], vector<16xi32>,
      %parallel_loop3A_237 = arith.constant 96 : i32
      %parallel_loop3A_238 = vector.broadcast %parallel_loop3A_237 : i32 to vector<16xi32>
      %parallel_loop3A_239 = arith.addi %iota3A, %parallel_loop3A_238 : vector<16xi32>
      %parallel_loop3A_240 = tpu.vector_load_idx %arg5[%parallel_loop3A_239, %parallel_loop3A_176] : memref<128x200xi32, #tpu.memory_space<vmem>>[vector<16xi32>, vector<16xi32>], vector<16xi32>,
      %parallel_loop3A_241 = arith.constant 128 : i32
      %parallel_loop3A_242 = arith.muli %parallel_loop3A_175, %parallel_loop3A_241 : i32
      %parallel_loop3A_243 = arith.constant 96 : i32
      %parallel_loop3A_244 = arith.addi %parallel_loop3A_242, %parallel_loop3A_243 : i32
      %parallel_loop3A_245 = vector.broadcast %parallel_loop3A_244 : i32 to vector<16xi32>
      %parallel_loop3A_246 = arith.addi %parallel_loop3A_245, %iota3A : vector<16xi32>
      tpu.vector_store_idx %arg6[%parallel_loop3A_246], %parallel_loop3A_240 : memref<25600xi32, #tpu.memory_space<vmem>>[vector<16xi32>], vector<16xi32>,
      %parallel_loop3A_247 = arith.constant 112 : i32
      %parallel_loop3A_248 = vector.broadcast %parallel_loop3A_247 : i32 to vector<16xi32>
      %parallel_loop3A_249 = arith.addi %iota3A, %parallel_loop3A_248 : vector<16xi32>
      %parallel_loop3A_250 = tpu.vector_load_idx %arg5[%parallel_loop3A_249, %parallel_loop3A_176] : memref<128x200xi32, #tpu.memory_space<vmem>>[vector<16xi32>, vector<16xi32>], vector<16xi32>,
      %parallel_loop3A_251 = arith.constant 128 : i32
      %parallel_loop3A_252 = arith.muli %parallel_loop3A_175, %parallel_loop3A_251 : i32
      %parallel_loop3A_253 = arith.constant 112 : i32
      %parallel_loop3A_254 = arith.addi %parallel_loop3A_252, %parallel_loop3A_253 : i32
      %parallel_loop3A_255 = vector.broadcast %parallel_loop3A_254 : i32 to vector<16xi32>
      %parallel_loop3A_256 = arith.addi %parallel_loop3A_255, %iota3A : vector<16xi32>
      tpu.vector_store_idx %arg6[%parallel_loop3A_256], %parallel_loop3A_250 : memref<25600xi32, #tpu.memory_space<vmem>>[vector<16xi32>], vector<16xi32>,
    } {sc.loop_unroll_factor = 8 : i64, sc.parallel_access}
    %add3A_5 = arith.constant 0 : i32
    %add3A_6 = vector.broadcast %add3A_5 : i32 to vector<16xi32>
    %add3A_7 = arith.addi %iota3A, %add3A_6 : vector<16xi32>
    %shift_right_arithmetic3A = arith.constant 3 : i32
    %shift_right_arithmetic3A_8 = vector.broadcast %shift_right_arithmetic3A : i32 to vector<16xi32>
    %shift_right_arithmetic3A_9 = arith.shrsi %add3A_7, %shift_right_arithmetic3A_8 : vector<16xi32>
    %add3A_10 = arith.constant 0 : i32
    %add3A_11 = vector.broadcast %add3A_10 : i32 to vector<16xi32>
    %add3A_12 = arith.addi %iota3A, %add3A_11 : vector<16xi32>
    %and3A = arith.constant 7 : i32
    %and3A_13 = vector.broadcast %and3A : i32 to vector<16xi32>
    %and3A_14 = arith.andi %add3A_12, %and3A_13 : vector<16xi32>
    %add3A_15 = arith.constant 16 : i32
    %add3A_16 = vector.broadcast %add3A_15 : i32 to vector<16xi32>
    %add3A_17 = arith.addi %iota3A, %add3A_16 : vector<16xi32>
    %shift_right_arithmetic3A_18 = arith.constant 3 : i32
    %shift_right_arithmetic3A_19 = vector.broadcast %shift_right_arithmetic3A_18 : i32 to vector<16xi32>
    %shift_right_arithmetic3A_20 = arith.shrsi %add3A_17, %shift_right_arithmetic3A_19 : vector<16xi32>
    %add3A_21 = arith.constant 16 : i32
    %add3A_22 = vector.broadcast %add3A_21 : i32 to vector<16xi32>
    %add3A_23 = arith.addi %iota3A, %add3A_22 : vector<16xi32>
    %and3A_24 = arith.constant 7 : i32
    %and3A_25 = vector.broadcast %and3A_24 : i32 to vector<16xi32>
    %and3A_26 = arith.andi %add3A_23, %and3A_25 : vector<16xi32>
    %add3A_27 = arith.constant 32 : i32
    %add3A_28 = vector.broadcast %add3A_27 : i32 to vector<16xi32>
    %add3A_29 = arith.addi %iota3A, %add3A_28 : vector<16xi32>
    %shift_right_arithmetic3A_30 = arith.constant 3 : i32
    %shift_right_arithmetic3A_31 = vector.broadcast %shift_right_arithmetic3A_30 : i32 to vector<16xi32>
    %shift_right_arithmetic3A_32 = arith.shrsi %add3A_29, %shift_right_arithmetic3A_31 : vector<16xi32>
    %add3A_33 = arith.constant 32 : i32
    %add3A_34 = vector.broadcast %add3A_33 : i32 to vector<16xi32>
    %add3A_35 = arith.addi %iota3A, %add3A_34 : vector<16xi32>
    %and3A_36 = arith.constant 7 : i32
    %and3A_37 = vector.broadcast %and3A_36 : i32 to vector<16xi32>
    %and3A_38 = arith.andi %add3A_35, %and3A_37 : vector<16xi32>
    %add3A_39 = arith.constant 48 : i32
    %add3A_40 = vector.broadcast %add3A_39 : i32 to vector<16xi32>
    %add3A_41 = arith.addi %iota3A, %add3A_40 : vector<16xi32>
    %shift_right_arithmetic3A_42 = arith.constant 3 : i32
    %shift_right_arithmetic3A_43 = vector.broadcast %shift_right_arithmetic3A_42 : i32 to vector<16xi32>
    %shift_right_arithmetic3A_44 = arith.shrsi %add3A_41, %shift_right_arithmetic3A_43 : vector<16xi32>
    %add3A_45 = arith.constant 48 : i32
    %add3A_46 = vector.broadcast %add3A_45 : i32 to vector<16xi32>
    %add3A_47 = arith.addi %iota3A, %add3A_46 : vector<16xi32>
    %and3A_48 = arith.constant 7 : i32
    %and3A_49 = vector.broadcast %and3A_48 : i32 to vector<16xi32>
    %and3A_50 = arith.andi %add3A_47, %and3A_49 : vector<16xi32>
    %dma_start3A = arith.constant 0 : i32
    %dma_start3A_51 = arith.constant 0 : i32
    %dma_start3A_52 = arith.constant 0 : i32
    %dma_start3A_53 = arith.constant 0 : i32
    %dma_start3A_54 = arith.constant 0 : i32
    %dma_start3A_55 = tpu.memref_slice %arg7[%dma_start3A_51, %dma_start3A_53, %dma_start3A_54] : memref<4x128x64xf32, #tpu.memory_space<vmem>> -> memref<1x128x64xf32, #tpu.memory_space<vmem>>
    %dma_start3A_56 = tpu.memref_squeeze %dma_start3A_55 : memref<1x128x64xf32, #tpu.memory_space<vmem>> -> memref<128x64xf32, #tpu.memory_space<vmem>>
    %dma_start3A_57 = arith.constant 0 : i32
    %dma_start3A_58 = tpu.memref_slice %arg6[%dma_start3A_57] : memref<25600xi32, #tpu.memory_space<vmem>> -> memref<128xi32, #tpu.memory_space<vmem>>
    %dma_start3A_59 = arith.constant 0 : i32
    %dma_start3A_60 = arith.constant 0 : i32
    %dma_start3A_61 = tpu.memref_slice %arg3[%dma_start3A, %dma_start3A_59, %dma_start3A_60] : memref<4x250000x64xf32, #tpu.memory_space<hbm>> -> memref<1x250000x64xf32, #tpu.memory_space<hbm>>
    %dma_start3A_62 = tpu.memref_squeeze %dma_start3A_61 : memref<1x250000x64xf32, #tpu.memory_space<hbm>> -> memref<250000x64xf32, #tpu.memory_space<hbm>>
    %dma_start3A_63 = arith.constant 0 : i32
    %dma_start3A_64 = arith.constant 0 : i32
    %dma_start3A_65 = tpu.memref_slice %dma_start3A_62[%dma_start3A_63, %dma_start3A_64] : memref<250000x64xf32, #tpu.memory_space<hbm>> -> memref<250000x64xf32, #tpu.memory_space<hbm>>
    %dma_start3A_66 = tpu.memref_slice %arg9[%dma_start3A_52] : memref<4x!tpu.dma_semaphore, #tpu.memory_space<semaphore_mem>> -> memref<1x!tpu.dma_semaphore, #tpu.memory_space<semaphore_mem>>
    %dma_start3A_67 = tpu.memref_squeeze %dma_start3A_66 : memref<1x!tpu.dma_semaphore, #tpu.memory_space<semaphore_mem>> -> memref<!tpu.dma_semaphore, #tpu.memory_space<semaphore_mem>>
    tpu.enqueue_indirect_dma source(%dma_start3A_65 : memref<250000x64xf32, #tpu.memory_space<hbm>>) target(%dma_start3A_56 : memref<128x64xf32, #tpu.memory_space<vmem>>) offsets(%dma_start3A_58 : memref<128xi32, #tpu.memory_space<vmem>>) semaphore(%dma_start3A_67 : memref<!tpu.dma_semaphore, #tpu.memory_space<semaphore_mem>>)
    %dma_start3A_68 = arith.constant 0 : i32
    %dma_start3A_69 = arith.constant 1 : i32
    %dma_start3A_70 = arith.constant 1 : i32
    %dma_start3A_71 = arith.constant 0 : i32
    %dma_start3A_72 = arith.constant 0 : i32
    %dma_start3A_73 = tpu.memref_slice %arg7[%dma_start3A_69, %dma_start3A_71, %dma_start3A_72] : memref<4x128x64xf32, #tpu.memory_space<vmem>> -> memref<1x128x64xf32, #tpu.memory_space<vmem>>
    %dma_start3A_74 = tpu.memref_squeeze %dma_start3A_73 : memref<1x128x64xf32, #tpu.memory_space<vmem>> -> memref<128x64xf32, #tpu.memory_space<vmem>>
    %dma_start3A_75 = arith.constant 128 : i32
    %dma_start3A_76 = tpu.memref_slice %arg6[%dma_start3A_75] : memref<25600xi32, #tpu.memory_space<vmem>> -> memref<128xi32, #tpu.memory_space<vmem>>
    %dma_start3A_77 = arith.constant 0 : i32
    %dma_start3A_78 = arith.constant 0 : i32
    %dma_start3A_79 = tpu.memref_slice %arg3[%dma_start3A_68, %dma_start3A_77, %dma_start3A_78] : memref<4x250000x64xf32, #tpu.memory_space<hbm>> -> memref<1x250000x64xf32, #tpu.memory_space<hbm>>
    %dma_start3A_80 = tpu.memref_squeeze %dma_start3A_79 : memref<1x250000x64xf32, #tpu.memory_space<hbm>> -> memref<250000x64xf32, #tpu.memory_space<hbm>>
    %dma_start3A_81 = arith.constant 0 : i32
    %dma_start3A_82 = arith.constant 0 : i32
    %dma_start3A_83 = tpu.memref_slice %dma_start3A_80[%dma_start3A_81, %dma_start3A_82] : memref<250000x64xf32, #tpu.memory_space<hbm>> -> memref<250000x64xf32, #tpu.memory_space<hbm>>
    %dma_start3A_84 = tpu.memref_slice %arg9[%dma_start3A_70] : memref<4x!tpu.dma_semaphore, #tpu.memory_space<semaphore_mem>> -> memref<1x!tpu.dma_semaphore, #tpu.memory_space<semaphore_mem>>
    %dma_start3A_85 = tpu.memref_squeeze %dma_start3A_84 : memref<1x!tpu.dma_semaphore, #tpu.memory_space<semaphore_mem>> -> memref<!tpu.dma_semaphore, #tpu.memory_space<semaphore_mem>>
    tpu.enqueue_indirect_dma source(%dma_start3A_83 : memref<250000x64xf32, #tpu.memory_space<hbm>>) target(%dma_start3A_74 : memref<128x64xf32, #tpu.memory_space<vmem>>) offsets(%dma_start3A_76 : memref<128xi32, #tpu.memory_space<vmem>>) semaphore(%dma_start3A_85 : memref<!tpu.dma_semaphore, #tpu.memory_space<semaphore_mem>>)
    %dma_start3A_86 = arith.constant 0 : i32
    %dma_start3A_87 = arith.constant 2 : i32
    %dma_start3A_88 = arith.constant 2 : i32
    %dma_start3A_89 = arith.constant 0 : i32
    %dma_start3A_90 = arith.constant 0 : i32
    %dma_start3A_91 = tpu.memref_slice %arg7[%dma_start3A_87, %dma_start3A_89, %dma_start3A_90] : memref<4x128x64xf32, #tpu.memory_space<vmem>> -> memref<1x128x64xf32, #tpu.memory_space<vmem>>
    %dma_start3A_92 = tpu.memref_squeeze %dma_start3A_91 : memref<1x128x64xf32, #tpu.memory_space<vmem>> -> memref<128x64xf32, #tpu.memory_space<vmem>>
    %dma_start3A_93 = arith.constant 256 : i32
    %dma_start3A_94 = tpu.memref_slice %arg6[%dma_start3A_93] : memref<25600xi32, #tpu.memory_space<vmem>> -> memref<128xi32, #tpu.memory_space<vmem>>
    %dma_start3A_95 = arith.constant 0 : i32
    %dma_start3A_96 = arith.constant 0 : i32
    %dma_start3A_97 = tpu.memref_slice %arg3[%dma_start3A_86, %dma_start3A_95, %dma_start3A_96] : memref<4x250000x64xf32, #tpu.memory_space<hbm>> -> memref<1x250000x64xf32, #tpu.memory_space<hbm>>
    %dma_start3A_98 = tpu.memref_squeeze %dma_start3A_97 : memref<1x250000x64xf32, #tpu.memory_space<hbm>> -> memref<250000x64xf32, #tpu.memory_space<hbm>>
    %dma_start3A_99 = arith.constant 0 : i32
    %dma_start3A_100 = arith.constant 0 : i32
    %dma_start3A_101 = tpu.memref_slice %dma_start3A_98[%dma_start3A_99, %dma_start3A_100] : memref<250000x64xf32, #tpu.memory_space<hbm>> -> memref<250000x64xf32, #tpu.memory_space<hbm>>
    %dma_start3A_102 = tpu.memref_slice %arg9[%dma_start3A_88] : memref<4x!tpu.dma_semaphore, #tpu.memory_space<semaphore_mem>> -> memref<1x!tpu.dma_semaphore, #tpu.memory_space<semaphore_mem>>
    %dma_start3A_103 = tpu.memref_squeeze %dma_start3A_102 : memref<1x!tpu.dma_semaphore, #tpu.memory_space<semaphore_mem>> -> memref<!tpu.dma_semaphore, #tpu.memory_space<semaphore_mem>>
    tpu.enqueue_indirect_dma source(%dma_start3A_101 : memref<250000x64xf32, #tpu.memory_space<hbm>>) target(%dma_start3A_92 : memref<128x64xf32, #tpu.memory_space<vmem>>) offsets(%dma_start3A_94 : memref<128xi32, #tpu.memory_space<vmem>>) semaphore(%dma_start3A_103 : memref<!tpu.dma_semaphore, #tpu.memory_space<semaphore_mem>>)
    %scan3A = arith.constant 0 : i32
    %scan3A_104 = arith.constant 0 : i32
    %scan3A_105 = arith.constant 0 : i32
    %scan3A_106 = arith.constant 50 : i32
    %scan3A_107 = arith.addi %scan3A_105, %scan3A_106 : i32
    %scan3A_108 = arith.constant 1 : i32
    scf.for %scan3A_175 = %scan3A_105 to %scan3A_107 step %scan3A_108  : i32 {
      %mul3A_176 = arith.constant 4 : i32
      %mul3A_177 = arith.muli %scan3A_175, %mul3A_176 : i32
      %add3A_178 = arith.constant 0 : i32
      %add3A_179 = arith.addi %mul3A_177, %add3A_178 : i32
      %mul3A_180 = arith.constant 128 : i32
      %mul3A_181 = arith.muli %add3A_179, %mul3A_180 : i32
      %dma_wait3A_182 = arith.constant 0 : i32
      %dma_wait3A_183 = arith.constant 0 : i32
      %dma_wait3A_184 = arith.constant 0 : i32
      %dma_wait3A_185 = arith.constant 0 : i32
      %dma_wait3A_186 = tpu.memref_slice %arg7[%dma_wait3A_182, %dma_wait3A_184, %dma_wait3A_185] : memref<4x128x64xf32, #tpu.memory_space<vmem>> -> memref<1x128x64xf32, #tpu.memory_space<vmem>>
      %dma_wait3A_187 = tpu.memref_squeeze %dma_wait3A_186 : memref<1x128x64xf32, #tpu.memory_space<vmem>> -> memref<128x64xf32, #tpu.memory_space<vmem>>
      %dma_wait3A_188 = tpu.memref_slice %arg6[%mul3A_181] : memref<25600xi32, #tpu.memory_space<vmem>> -> memref<128xi32, #tpu.memory_space<vmem>>
      %dma_wait3A_189 = arith.constant 0 : i32
      %dma_wait3A_190 = arith.constant 0 : i32
      %dma_wait3A_191 = tpu.memref_slice %arg3[%scan3A_104, %dma_wait3A_189, %dma_wait3A_190] : memref<4x250000x64xf32, #tpu.memory_space<hbm>> -> memref<1x250000x64xf32, #tpu.memory_space<hbm>>
      %dma_wait3A_192 = tpu.memref_squeeze %dma_wait3A_191 : memref<1x250000x64xf32, #tpu.memory_space<hbm>> -> memref<250000x64xf32, #tpu.memory_space<hbm>>
      %dma_wait3A_193 = arith.constant 0 : i32
      %dma_wait3A_194 = arith.constant 0 : i32
      %dma_wait3A_195 = tpu.memref_slice %dma_wait3A_192[%dma_wait3A_193, %dma_wait3A_194] : memref<250000x64xf32, #tpu.memory_space<hbm>> -> memref<250000x64xf32, #tpu.memory_space<hbm>>
      %dma_wait3A_196 = tpu.memref_slice %arg9[%dma_wait3A_183] : memref<4x!tpu.dma_semaphore, #tpu.memory_space<semaphore_mem>> -> memref<1x!tpu.dma_semaphore, #tpu.memory_space<semaphore_mem>>
      %dma_wait3A_197 = tpu.memref_squeeze %dma_wait3A_196 : memref<1x!tpu.dma_semaphore, #tpu.memory_space<semaphore_mem>> -> memref<!tpu.dma_semaphore, #tpu.memory_space<semaphore_mem>>
      tpu.wait_indirect_dma semaphore(%dma_wait3A_197 : memref<!tpu.dma_semaphore, #tpu.memory_space<semaphore_mem>>) src(%dma_wait3A_195 : memref<250000x64xf32, #tpu.memory_space<hbm>>) dst(%dma_wait3A_187 : memref<128x64xf32, #tpu.memory_space<vmem>>)
      %gt3A = arith.constant 1 : i32
      %gt3A_198 = arith.cmpi sgt, %add3A_179, %gt3A : i32
      %convert_element_type3A = arith.extui %gt3A_198 : i1 to i32
      %cond3A = arith.constant 0 : i32
      %cond3A_199 = arith.cmpi ne, %convert_element_type3A, %cond3A : i32
      scf.if %cond3A_199 {
        %sub3A_455 = arith.constant 2 : i32
        %sub3A_456 = arith.subi %add3A_179, %sub3A_455 : i32
        %dma_wait3A_457 = arith.constant 2 : i32
        %dma_wait3A_458 = arith.constant 2 : i32
        %dma_wait3A_459 = arith.constant 0 : i32
        %dma_wait3A_460 = arith.constant 0 : i32
        %dma_wait3A_461 = arith.constant 0 : i32
        %dma_wait3A_462 = tpu.memref_slice %arg8[%dma_wait3A_457, %dma_wait3A_459, %dma_wait3A_460, %dma_wait3A_461] : memref<4x8x8x129xf32, #tpu.memory_space<vmem>> -> memref<1x8x8x129xf32, #tpu.memory_space<vmem>>
        %dma_wait3A_463 = tpu.memref_squeeze %dma_wait3A_462 : memref<1x8x8x129xf32, #tpu.memory_space<vmem>> -> memref<8x8x129xf32, #tpu.memory_space<vmem>>
        %dma_wait3A_464 = arith.constant 0 : i32
        %dma_wait3A_465 = arith.constant 0 : i32
        %dma_wait3A_466 = arith.constant 0 : i32
        %dma_wait3A_467 = tpu.memref_slice %dma_wait3A_463[%dma_wait3A_464, %dma_wait3A_465, %dma_wait3A_466] : memref<8x8x129xf32, #tpu.memory_space<vmem>> -> memref<8x8x128xf32, #tpu.memory_space<vmem>>
        %dma_wait3A_468 = arith.constant 0 : i32
        %dma_wait3A_469 = arith.constant 0 : i32
        %dma_wait3A_470 = arith.constant 0 : i32
        %dma_wait3A_471 = tpu.memref_slice %arg4[%sub3A_456, %dma_wait3A_468, %add3A, %dma_wait3A_469, %dma_wait3A_470] : memref<200x8x32x8x128xf32, #tpu.memory_space<hbm>> -> memref<1x8x1x8x128xf32, #tpu.memory_space<hbm>>
        %dma_wait3A_472 = tpu.memref_squeeze %dma_wait3A_471 : memref<1x8x1x8x128xf32, #tpu.memory_space<hbm>> -> memref<8x8x128xf32, #tpu.memory_space<hbm>>
        %dma_wait3A_473 = tpu.memref_slice %arg10[%dma_wait3A_458] : memref<4x!tpu.dma_semaphore, #tpu.memory_space<semaphore_mem>> -> memref<1x!tpu.dma_semaphore, #tpu.memory_space<semaphore_mem>>
        %dma_wait3A_474 = tpu.memref_squeeze %dma_wait3A_473 : memref<1x!tpu.dma_semaphore, #tpu.memory_space<semaphore_mem>> -> memref<!tpu.dma_semaphore, #tpu.memory_space<semaphore_mem>>
        %dma_wait3A_475 = arith.constant 0 : i32
        %dma_wait3A_476 = arith.constant 0 : i32
        %dma_wait3A_477 = arith.constant 0 : i32
        %dma_wait3A_478 = tpu.memref_slice %arg4[%sub3A_456, %dma_wait3A_475, %add3A, %dma_wait3A_476, %dma_wait3A_477] : memref<200x8x32x8x128xf32, #tpu.memory_space<hbm>> -> memref<1x8x1x8x128xf32, #tpu.memory_space<hbm>>
        %dma_wait3A_479 = tpu.memref_squeeze %dma_wait3A_478 : memref<1x8x1x8x128xf32, #tpu.memory_space<hbm>> -> memref<8x8x128xf32, #tpu.memory_space<hbm>>
        %dma_wait3A_480 = arith.constant 0 : i32
        %dma_wait3A_481 = arith.constant 0 : i32
        %dma_wait3A_482 = arith.constant 0 : i32
        %dma_wait3A_483 = tpu.memref_slice %arg8[%dma_wait3A_457, %dma_wait3A_480, %dma_wait3A_481, %dma_wait3A_482] : memref<4x8x8x129xf32, #tpu.memory_space<vmem>> -> memref<1x8x8x129xf32, #tpu.memory_space<vmem>>
        %dma_wait3A_484 = tpu.memref_squeeze %dma_wait3A_483 : memref<1x8x8x129xf32, #tpu.memory_space<vmem>> -> memref<8x8x129xf32, #tpu.memory_space<vmem>>
        %dma_wait3A_485 = arith.constant 0 : i32
        %dma_wait3A_486 = arith.constant 0 : i32
        %dma_wait3A_487 = arith.constant 0 : i32
        %dma_wait3A_488 = tpu.memref_slice %dma_wait3A_484[%dma_wait3A_485, %dma_wait3A_486, %dma_wait3A_487] : memref<8x8x129xf32, #tpu.memory_space<vmem>> -> memref<8x8x128xf32, #tpu.memory_space<vmem>>
        tpu.wait_dma2 semaphore(%dma_wait3A_474 : memref<!tpu.dma_semaphore, #tpu.memory_space<semaphore_mem>>) src(%dma_wait3A_488 : memref<8x8x128xf32, #tpu.memory_space<vmem>>) dst(%dma_wait3A_479 : memref<8x8x128xf32, #tpu.memory_space<hbm>>)
      } else {
      }
      %add3A_200 = arith.constant 4 : i32
      %add3A_201 = arith.addi %add3A_179, %add3A_200 : i32
      %sub3A = arith.constant 1 : i32
      %sub3A_202 = arith.subi %add3A_201, %sub3A : i32
      %lt3A = arith.constant 200 : i32
      %lt3A_203 = arith.cmpi slt, %sub3A_202, %lt3A : i32
      %convert_element_type3A_204 = arith.extui %lt3A_203 : i1 to i32
      %cond3A_205 = arith.constant 0 : i32
      %cond3A_206 = arith.cmpi ne, %convert_element_type3A_204, %cond3A_205 : i32
      scf.if %cond3A_206 {
        %add3A_455 = arith.constant 4 : i32
        %add3A_456 = arith.addi %add3A_179, %add3A_455 : i32
        %sub3A_457 = arith.constant 1 : i32
        %sub3A_458 = arith.subi %add3A_456, %sub3A_457 : i32
        %mul3A_459 = arith.constant 128 : i32
        %mul3A_460 = arith.muli %sub3A_458, %mul3A_459 : i32
        %dma_start3A_461 = arith.constant 3 : i32
        %dma_start3A_462 = arith.constant 3 : i32
        %dma_start3A_463 = arith.constant 0 : i32
        %dma_start3A_464 = arith.constant 0 : i32
        %dma_start3A_465 = tpu.memref_slice %arg7[%dma_start3A_461, %dma_start3A_463, %dma_start3A_464] : memref<4x128x64xf32, #tpu.memory_space<vmem>> -> memref<1x128x64xf32, #tpu.memory_space<vmem>>
        %dma_start3A_466 = tpu.memref_squeeze %dma_start3A_465 : memref<1x128x64xf32, #tpu.memory_space<vmem>> -> memref<128x64xf32, #tpu.memory_space<vmem>>
        %dma_start3A_467 = tpu.memref_slice %arg6[%mul3A_460] : memref<25600xi32, #tpu.memory_space<vmem>> -> memref<128xi32, #tpu.memory_space<vmem>>
        %dma_start3A_468 = arith.constant 0 : i32
        %dma_start3A_469 = arith.constant 0 : i32
        %dma_start3A_470 = tpu.memref_slice %arg3[%scan3A_104, %dma_start3A_468, %dma_start3A_469] : memref<4x250000x64xf32, #tpu.memory_space<hbm>> -> memref<1x250000x64xf32, #tpu.memory_space<hbm>>
        %dma_start3A_471 = tpu.memref_squeeze %dma_start3A_470 : memref<1x250000x64xf32, #tpu.memory_space<hbm>> -> memref<250000x64xf32, #tpu.memory_space<hbm>>
        %dma_start3A_472 = arith.constant 0 : i32
        %dma_start3A_473 = arith.constant 0 : i32
        %dma_start3A_474 = tpu.memref_slice %dma_start3A_471[%dma_start3A_472, %dma_start3A_473] : memref<250000x64xf32, #tpu.memory_space<hbm>> -> memref<250000x64xf32, #tpu.memory_space<hbm>>
        %dma_start3A_475 = tpu.memref_slice %arg9[%dma_start3A_462] : memref<4x!tpu.dma_semaphore, #tpu.memory_space<semaphore_mem>> -> memref<1x!tpu.dma_semaphore, #tpu.memory_space<semaphore_mem>>
        %dma_start3A_476 = tpu.memref_squeeze %dma_start3A_475 : memref<1x!tpu.dma_semaphore, #tpu.memory_space<semaphore_mem>> -> memref<!tpu.dma_semaphore, #tpu.memory_space<semaphore_mem>>
        tpu.enqueue_indirect_dma source(%dma_start3A_474 : memref<250000x64xf32, #tpu.memory_space<hbm>>) target(%dma_start3A_466 : memref<128x64xf32, #tpu.memory_space<vmem>>) offsets(%dma_start3A_467 : memref<128xi32, #tpu.memory_space<vmem>>) semaphore(%dma_start3A_476 : memref<!tpu.dma_semaphore, #tpu.memory_space<semaphore_mem>>)
      } else {
      }
      %parallel_loop3A_207 = arith.constant 0 : i32
      %parallel_loop3A_208 = arith.constant 128 : i32
      %parallel_loop3A_209 = arith.constant 1 : i32
      scf.for %parallel_loop3A_455 = %parallel_loop3A_207 to %parallel_loop3A_208 step %parallel_loop3A_209  : i32 {
        %parallel_loop3A_456 = vector.broadcast %parallel_loop3A_455 : i32 to vector<16xi32>
        %parallel_loop3A_457 = arith.constant 0 : i32
        %parallel_loop3A_458 = arith.constant 0 : i32
        %parallel_loop3A_459 = arith.constant 0 : i32
        %parallel_loop3A_460 = tpu.memref_slice %arg7[%parallel_loop3A_457, %parallel_loop3A_458, %parallel_loop3A_459] : memref<4x128x64xf32, #tpu.memory_space<vmem>> -> memref<1x128x64xf32, #tpu.memory_space<vmem>>
        %parallel_loop3A_461 = tpu.memref_squeeze %parallel_loop3A_460 : memref<1x128x64xf32, #tpu.memory_space<vmem>> -> memref<128x64xf32, #tpu.memory_space<vmem>>
        %parallel_loop3A_462 = arith.index_cast %parallel_loop3A_455 : i32 to index
        %parallel_loop3A_463 = arith.constant 0 : index
        %parallel_loop3A_464 = tpu.vector_load %parallel_loop3A_461[%parallel_loop3A_462, %parallel_loop3A_463] {strides = array<i32>} : memref<128x64xf32, #tpu.memory_space<vmem>>, vector<16xf32>,
        %parallel_loop3A_465 = arith.constant 0 : i32
        %parallel_loop3A_466 = arith.constant 0 : i32
        %parallel_loop3A_467 = arith.constant 0 : i32
        %parallel_loop3A_468 = arith.constant 0 : i32
        %parallel_loop3A_469 = tpu.memref_slice %arg8[%parallel_loop3A_465, %parallel_loop3A_466, %parallel_loop3A_467, %parallel_loop3A_468] : memref<4x8x8x129xf32, #tpu.memory_space<vmem>> -> memref<1x8x8x129xf32, #tpu.memory_space<vmem>>
        %parallel_loop3A_470 = tpu.memref_squeeze %parallel_loop3A_469 : memref<1x8x8x129xf32, #tpu.memory_space<vmem>> -> memref<8x8x129xf32, #tpu.memory_space<vmem>>
        tpu.vector_store_idx %parallel_loop3A_470[%shift_right_arithmetic3A_9, %and3A_14, %parallel_loop3A_456], %parallel_loop3A_464 : memref<8x8x129xf32, #tpu.memory_space<vmem>>[vector<16xi32>, vector<16xi32>, vector<16xi32>], vector<16xf32>,
        %parallel_loop3A_471 = arith.constant 0 : i32
        %parallel_loop3A_472 = arith.constant 0 : i32
        %parallel_loop3A_473 = arith.constant 0 : i32
        %parallel_loop3A_474 = tpu.memref_slice %arg7[%parallel_loop3A_471, %parallel_loop3A_472, %parallel_loop3A_473] : memref<4x128x64xf32, #tpu.memory_space<vmem>> -> memref<1x128x64xf32, #tpu.memory_space<vmem>>
        %parallel_loop3A_475 = tpu.memref_squeeze %parallel_loop3A_474 : memref<1x128x64xf32, #tpu.memory_space<vmem>> -> memref<128x64xf32, #tpu.memory_space<vmem>>
        %parallel_loop3A_476 = arith.index_cast %parallel_loop3A_455 : i32 to index
        %parallel_loop3A_477 = arith.constant 16 : index
        %parallel_loop3A_478 = tpu.vector_load %parallel_loop3A_475[%parallel_loop3A_476, %parallel_loop3A_477] {strides = array<i32>} : memref<128x64xf32, #tpu.memory_space<vmem>>, vector<16xf32>,
        %parallel_loop3A_479 = arith.constant 0 : i32
        %parallel_loop3A_480 = arith.constant 0 : i32
        %parallel_loop3A_481 = arith.constant 0 : i32
        %parallel_loop3A_482 = arith.constant 0 : i32
        %parallel_loop3A_483 = tpu.memref_slice %arg8[%parallel_loop3A_479, %parallel_loop3A_480, %parallel_loop3A_481, %parallel_loop3A_482] : memref<4x8x8x129xf32, #tpu.memory_space<vmem>> -> memref<1x8x8x129xf32, #tpu.memory_space<vmem>>
        %parallel_loop3A_484 = tpu.memref_squeeze %parallel_loop3A_483 : memref<1x8x8x129xf32, #tpu.memory_space<vmem>> -> memref<8x8x129xf32, #tpu.memory_space<vmem>>
        tpu.vector_store_idx %parallel_loop3A_484[%shift_right_arithmetic3A_20, %and3A_26, %parallel_loop3A_456], %parallel_loop3A_478 : memref<8x8x129xf32, #tpu.memory_space<vmem>>[vector<16xi32>, vector<16xi32>, vector<16xi32>], vector<16xf32>,
        %parallel_loop3A_485 = arith.constant 0 : i32
        %parallel_loop3A_486 = arith.constant 0 : i32
        %parallel_loop3A_487 = arith.constant 0 : i32
        %parallel_loop3A_488 = tpu.memref_slice %arg7[%parallel_loop3A_485, %parallel_loop3A_486, %parallel_loop3A_487] : memref<4x128x64xf32, #tpu.memory_space<vmem>> -> memref<1x128x64xf32, #tpu.memory_space<vmem>>
        %parallel_loop3A_489 = tpu.memref_squeeze %parallel_loop3A_488 : memref<1x128x64xf32, #tpu.memory_space<vmem>> -> memref<128x64xf32, #tpu.memory_space<vmem>>
        %parallel_loop3A_490 = arith.index_cast %parallel_loop3A_455 : i32 to index
        %parallel_loop3A_491 = arith.constant 32 : index
        %parallel_loop3A_492 = tpu.vector_load %parallel_loop3A_489[%parallel_loop3A_490, %parallel_loop3A_491] {strides = array<i32>} : memref<128x64xf32, #tpu.memory_space<vmem>>, vector<16xf32>,
        %parallel_loop3A_493 = arith.constant 0 : i32
        %parallel_loop3A_494 = arith.constant 0 : i32
        %parallel_loop3A_495 = arith.constant 0 : i32
        %parallel_loop3A_496 = arith.constant 0 : i32
        %parallel_loop3A_497 = tpu.memref_slice %arg8[%parallel_loop3A_493, %parallel_loop3A_494, %parallel_loop3A_495, %parallel_loop3A_496] : memref<4x8x8x129xf32, #tpu.memory_space<vmem>> -> memref<1x8x8x129xf32, #tpu.memory_space<vmem>>
        %parallel_loop3A_498 = tpu.memref_squeeze %parallel_loop3A_497 : memref<1x8x8x129xf32, #tpu.memory_space<vmem>> -> memref<8x8x129xf32, #tpu.memory_space<vmem>>
        tpu.vector_store_idx %parallel_loop3A_498[%shift_right_arithmetic3A_32, %and3A_38, %parallel_loop3A_456], %parallel_loop3A_492 : memref<8x8x129xf32, #tpu.memory_space<vmem>>[vector<16xi32>, vector<16xi32>, vector<16xi32>], vector<16xf32>,
        %parallel_loop3A_499 = arith.constant 0 : i32
        %parallel_loop3A_500 = arith.constant 0 : i32
        %parallel_loop3A_501 = arith.constant 0 : i32
        %parallel_loop3A_502 = tpu.memref_slice %arg7[%parallel_loop3A_499, %parallel_loop3A_500, %parallel_loop3A_501] : memref<4x128x64xf32, #tpu.memory_space<vmem>> -> memref<1x128x64xf32, #tpu.memory_space<vmem>>
        %parallel_loop3A_503 = tpu.memref_squeeze %parallel_loop3A_502 : memref<1x128x64xf32, #tpu.memory_space<vmem>> -> memref<128x64xf32, #tpu.memory_space<vmem>>
        %parallel_loop3A_504 = arith.index_cast %parallel_loop3A_455 : i32 to index
        %parallel_loop3A_505 = arith.constant 48 : index
        %parallel_loop3A_506 = tpu.vector_load %parallel_loop3A_503[%parallel_loop3A_504, %parallel_loop3A_505] {strides = array<i32>} : memref<128x64xf32, #tpu.memory_space<vmem>>, vector<16xf32>,
        %parallel_loop3A_507 = arith.constant 0 : i32
        %parallel_loop3A_508 = arith.constant 0 : i32
        %parallel_loop3A_509 = arith.constant 0 : i32
        %parallel_loop3A_510 = arith.constant 0 : i32
        %parallel_loop3A_511 = tpu.memref_slice %arg8[%parallel_loop3A_507, %parallel_loop3A_508, %parallel_loop3A_509, %parallel_loop3A_510] : memref<4x8x8x129xf32, #tpu.memory_space<vmem>> -> memref<1x8x8x129xf32, #tpu.memory_space<vmem>>
        %parallel_loop3A_512 = tpu.memref_squeeze %parallel_loop3A_511 : memref<1x8x8x129xf32, #tpu.memory_space<vmem>> -> memref<8x8x129xf32, #tpu.memory_space<vmem>>
        tpu.vector_store_idx %parallel_loop3A_512[%shift_right_arithmetic3A_44, %and3A_50, %parallel_loop3A_456], %parallel_loop3A_506 : memref<8x8x129xf32, #tpu.memory_space<vmem>>[vector<16xi32>, vector<16xi32>, vector<16xi32>], vector<16xf32>,
      } {sc.loop_unroll_factor = 8 : i64, sc.parallel_access}
      %dma_start3A_210 = arith.constant 0 : i32
      %dma_start3A_211 = arith.constant 0 : i32
      %dma_start3A_212 = arith.constant 0 : i32
      %dma_start3A_213 = arith.constant 0 : i32
      %dma_start3A_214 = arith.constant 0 : i32
      %dma_start3A_215 = tpu.memref_slice %arg8[%dma_start3A_210, %dma_start3A_212, %dma_start3A_213, %dma_start3A_214] : memref<4x8x8x129xf32, #tpu.memory_space<vmem>> -> memref<1x8x8x129xf32, #tpu.memory_space<vmem>>
      %dma_start3A_216 = tpu.memref_squeeze %dma_start3A_215 : memref<1x8x8x129xf32, #tpu.memory_space<vmem>> -> memref<8x8x129xf32, #tpu.memory_space<vmem>>
      %dma_start3A_217 = arith.constant 0 : i32
      %dma_start3A_218 = arith.constant 0 : i32
      %dma_start3A_219 = arith.constant 0 : i32
      %dma_start3A_220 = tpu.memref_slice %dma_start3A_216[%dma_start3A_217, %dma_start3A_218, %dma_start3A_219] : memref<8x8x129xf32, #tpu.memory_space<vmem>> -> memref<8x8x128xf32, #tpu.memory_space<vmem>>
      %dma_start3A_221 = arith.constant 0 : i32
      %dma_start3A_222 = arith.constant 0 : i32
      %dma_start3A_223 = arith.constant 0 : i32
      %dma_start3A_224 = tpu.memref_slice %arg4[%add3A_179, %dma_start3A_221, %add3A, %dma_start3A_222, %dma_start3A_223] : memref<200x8x32x8x128xf32, #tpu.memory_space<hbm>> -> memref<1x8x1x8x128xf32, #tpu.memory_space<hbm>>
      %dma_start3A_225 = tpu.memref_squeeze %dma_start3A_224 : memref<1x8x1x8x128xf32, #tpu.memory_space<hbm>> -> memref<8x8x128xf32, #tpu.memory_space<hbm>>
      %dma_start3A_226 = tpu.memref_slice %arg10[%dma_start3A_211] : memref<4x!tpu.dma_semaphore, #tpu.memory_space<semaphore_mem>> -> memref<1x!tpu.dma_semaphore, #tpu.memory_space<semaphore_mem>>
      %dma_start3A_227 = tpu.memref_squeeze %dma_start3A_226 : memref<1x!tpu.dma_semaphore, #tpu.memory_space<semaphore_mem>> -> memref<!tpu.dma_semaphore, #tpu.memory_space<semaphore_mem>>
      %dma_start3A_228 = arith.constant 0 : i32
      %dma_start3A_229 = arith.constant 0 : i32
      %dma_start3A_230 = arith.constant 0 : i32
      %dma_start3A_231 = tpu.memref_slice %arg4[%add3A_179, %dma_start3A_228, %add3A, %dma_start3A_229, %dma_start3A_230] : memref<200x8x32x8x128xf32, #tpu.memory_space<hbm>> -> memref<1x8x1x8x128xf32, #tpu.memory_space<hbm>>
      %dma_start3A_232 = tpu.memref_squeeze %dma_start3A_231 : memref<1x8x1x8x128xf32, #tpu.memory_space<hbm>> -> memref<8x8x128xf32, #tpu.memory_space<hbm>>
      %dma_start3A_233 = arith.constant 0 : i32
      %dma_start3A_234 = arith.constant 0 : i32
      %dma_start3A_235 = arith.constant 0 : i32
      %dma_start3A_236 = tpu.memref_slice %arg8[%dma_start3A_210, %dma_start3A_233, %dma_start3A_234, %dma_start3A_235] : memref<4x8x8x129xf32, #tpu.memory_space<vmem>> -> memref<1x8x8x129xf32, #tpu.memory_space<vmem>>
      %dma_start3A_237 = tpu.memref_squeeze %dma_start3A_236 : memref<1x8x8x129xf32, #tpu.memory_space<vmem>> -> memref<8x8x129xf32, #tpu.memory_space<vmem>>
      %dma_start3A_238 = arith.constant 0 : i32
      %dma_start3A_239 = arith.constant 0 : i32
      %dma_start3A_240 = arith.constant 0 : i32
      %dma_start3A_241 = tpu.memref_slice %dma_start3A_237[%dma_start3A_238, %dma_start3A_239, %dma_start3A_240] : memref<8x8x129xf32, #tpu.memory_space<vmem>> -> memref<8x8x128xf32, #tpu.memory_space<vmem>>
      tpu.enqueue_dma source(%dma_start3A_241 : memref<8x8x128xf32, #tpu.memory_space<vmem>>) target(%dma_start3A_232 : memref<8x8x128xf32, #tpu.memory_space<hbm>>) target_semaphore(%dma_start3A_227 : memref<!tpu.dma_semaphore, #tpu.memory_space<semaphore_mem>>)
      %mul3A_242 = arith.constant 4 : i32
      %mul3A_243 = arith.muli %scan3A_175, %mul3A_242 : i32
      %add3A_244 = arith.constant 1 : i32
      %add3A_245 = arith.addi %mul3A_243, %add3A_244 : i32
      %mul3A_246 = arith.constant 128 : i32
      %mul3A_247 = arith.muli %add3A_245, %mul3A_246 : i32
      %dma_wait3A_248 = arith.constant 1 : i32
      %dma_wait3A_249 = arith.constant 1 : i32
      %dma_wait3A_250 = arith.constant 0 : i32
      %dma_wait3A_251 = arith.constant 0 : i32
      %dma_wait3A_252 = tpu.memref_slice %arg7[%dma_wait3A_248, %dma_wait3A_250, %dma_wait3A_251] : memref<4x128x64xf32, #tpu.memory_space<vmem>> -> memref<1x128x64xf32, #tpu.memory_space<vmem>>
      %dma_wait3A_253 = tpu.memref_squeeze %dma_wait3A_252 : memref<1x128x64xf32, #tpu.memory_space<vmem>> -> memref<128x64xf32, #tpu.memory_space<vmem>>
      %dma_wait3A_254 = tpu.memref_slice %arg6[%mul3A_247] : memref<25600xi32, #tpu.memory_space<vmem>> -> memref<128xi32, #tpu.memory_space<vmem>>
      %dma_wait3A_255 = arith.constant 0 : i32
      %dma_wait3A_256 = arith.constant 0 : i32
      %dma_wait3A_257 = tpu.memref_slice %arg3[%scan3A_104, %dma_wait3A_255, %dma_wait3A_256] : memref<4x250000x64xf32, #tpu.memory_space<hbm>> -> memref<1x250000x64xf32, #tpu.memory_space<hbm>>
      %dma_wait3A_258 = tpu.memref_squeeze %dma_wait3A_257 : memref<1x250000x64xf32, #tpu.memory_space<hbm>> -> memref<250000x64xf32, #tpu.memory_space<hbm>>
      %dma_wait3A_259 = arith.constant 0 : i32
      %dma_wait3A_260 = arith.constant 0 : i32
      %dma_wait3A_261 = tpu.memref_slice %dma_wait3A_258[%dma_wait3A_259, %dma_wait3A_260] : memref<250000x64xf32, #tpu.memory_space<hbm>> -> memref<250000x64xf32, #tpu.memory_space<hbm>>
      %dma_wait3A_262 = tpu.memref_slice %arg9[%dma_wait3A_249] : memref<4x!tpu.dma_semaphore, #tpu.memory_space<semaphore_mem>> -> memref<1x!tpu.dma_semaphore, #tpu.memory_space<semaphore_mem>>
      %dma_wait3A_263 = tpu.memref_squeeze %dma_wait3A_262 : memref<1x!tpu.dma_semaphore, #tpu.memory_space<semaphore_mem>> -> memref<!tpu.dma_semaphore, #tpu.memory_space<semaphore_mem>>
      tpu.wait_indirect_dma semaphore(%dma_wait3A_263 : memref<!tpu.dma_semaphore, #tpu.memory_space<semaphore_mem>>) src(%dma_wait3A_261 : memref<250000x64xf32, #tpu.memory_space<hbm>>) dst(%dma_wait3A_253 : memref<128x64xf32, #tpu.memory_space<vmem>>)
      %gt3A_264 = arith.constant 1 : i32
      %gt3A_265 = arith.cmpi sgt, %add3A_245, %gt3A_264 : i32
      %convert_element_type3A_266 = arith.extui %gt3A_265 : i1 to i32
      %cond3A_267 = arith.constant 0 : i32
      %cond3A_268 = arith.cmpi ne, %convert_element_type3A_266, %cond3A_267 : i32
      scf.if %cond3A_268 {
        %sub3A_455 = arith.constant 2 : i32
        %sub3A_456 = arith.subi %add3A_245, %sub3A_455 : i32
        %dma_wait3A_457 = arith.constant 3 : i32
        %dma_wait3A_458 = arith.constant 3 : i32
        %dma_wait3A_459 = arith.constant 0 : i32
        %dma_wait3A_460 = arith.constant 0 : i32
        %dma_wait3A_461 = arith.constant 0 : i32
        %dma_wait3A_462 = tpu.memref_slice %arg8[%dma_wait3A_457, %dma_wait3A_459, %dma_wait3A_460, %dma_wait3A_461] : memref<4x8x8x129xf32, #tpu.memory_space<vmem>> -> memref<1x8x8x129xf32, #tpu.memory_space<vmem>>
        %dma_wait3A_463 = tpu.memref_squeeze %dma_wait3A_462 : memref<1x8x8x129xf32, #tpu.memory_space<vmem>> -> memref<8x8x129xf32, #tpu.memory_space<vmem>>
        %dma_wait3A_464 = arith.constant 0 : i32
        %dma_wait3A_465 = arith.constant 0 : i32
        %dma_wait3A_466 = arith.constant 0 : i32
        %dma_wait3A_467 = tpu.memref_slice %dma_wait3A_463[%dma_wait3A_464, %dma_wait3A_465, %dma_wait3A_466] : memref<8x8x129xf32, #tpu.memory_space<vmem>> -> memref<8x8x128xf32, #tpu.memory_space<vmem>>
        %dma_wait3A_468 = arith.constant 0 : i32
        %dma_wait3A_469 = arith.constant 0 : i32
        %dma_wait3A_470 = arith.constant 0 : i32
        %dma_wait3A_471 = tpu.memref_slice %arg4[%sub3A_456, %dma_wait3A_468, %add3A, %dma_wait3A_469, %dma_wait3A_470] : memref<200x8x32x8x128xf32, #tpu.memory_space<hbm>> -> memref<1x8x1x8x128xf32, #tpu.memory_space<hbm>>
        %dma_wait3A_472 = tpu.memref_squeeze %dma_wait3A_471 : memref<1x8x1x8x128xf32, #tpu.memory_space<hbm>> -> memref<8x8x128xf32, #tpu.memory_space<hbm>>
        %dma_wait3A_473 = tpu.memref_slice %arg10[%dma_wait3A_458] : memref<4x!tpu.dma_semaphore, #tpu.memory_space<semaphore_mem>> -> memref<1x!tpu.dma_semaphore, #tpu.memory_space<semaphore_mem>>
        %dma_wait3A_474 = tpu.memref_squeeze %dma_wait3A_473 : memref<1x!tpu.dma_semaphore, #tpu.memory_space<semaphore_mem>> -> memref<!tpu.dma_semaphore, #tpu.memory_space<semaphore_mem>>
        %dma_wait3A_475 = arith.constant 0 : i32
        %dma_wait3A_476 = arith.constant 0 : i32
        %dma_wait3A_477 = arith.constant 0 : i32
        %dma_wait3A_478 = tpu.memref_slice %arg4[%sub3A_456, %dma_wait3A_475, %add3A, %dma_wait3A_476, %dma_wait3A_477] : memref<200x8x32x8x128xf32, #tpu.memory_space<hbm>> -> memref<1x8x1x8x128xf32, #tpu.memory_space<hbm>>
        %dma_wait3A_479 = tpu.memref_squeeze %dma_wait3A_478 : memref<1x8x1x8x128xf32, #tpu.memory_space<hbm>> -> memref<8x8x128xf32, #tpu.memory_space<hbm>>
        %dma_wait3A_480 = arith.constant 0 : i32
        %dma_wait3A_481 = arith.constant 0 : i32
        %dma_wait3A_482 = arith.constant 0 : i32
        %dma_wait3A_483 = tpu.memref_slice %arg8[%dma_wait3A_457, %dma_wait3A_480, %dma_wait3A_481, %dma_wait3A_482] : memref<4x8x8x129xf32, #tpu.memory_space<vmem>> -> memref<1x8x8x129xf32, #tpu.memory_space<vmem>>
        %dma_wait3A_484 = tpu.memref_squeeze %dma_wait3A_483 : memref<1x8x8x129xf32, #tpu.memory_space<vmem>> -> memref<8x8x129xf32, #tpu.memory_space<vmem>>
        %dma_wait3A_485 = arith.constant 0 : i32
        %dma_wait3A_486 = arith.constant 0 : i32
        %dma_wait3A_487 = arith.constant 0 : i32
        %dma_wait3A_488 = tpu.memref_slice %dma_wait3A_484[%dma_wait3A_485, %dma_wait3A_486, %dma_wait3A_487] : memref<8x8x129xf32, #tpu.memory_space<vmem>> -> memref<8x8x128xf32, #tpu.memory_space<vmem>>
        tpu.wait_dma2 semaphore(%dma_wait3A_474 : memref<!tpu.dma_semaphore, #tpu.memory_space<semaphore_mem>>) src(%dma_wait3A_488 : memref<8x8x128xf32, #tpu.memory_space<vmem>>) dst(%dma_wait3A_479 : memref<8x8x128xf32, #tpu.memory_space<hbm>>)
      } else {
      }
      %add3A_269 = arith.constant 4 : i32
      %add3A_270 = arith.addi %add3A_245, %add3A_269 : i32
      %sub3A_271 = arith.constant 1 : i32
      %sub3A_272 = arith.subi %add3A_270, %sub3A_271 : i32
      %lt3A_273 = arith.constant 200 : i32
      %lt3A_274 = arith.cmpi slt, %sub3A_272, %lt3A_273 : i32
      %convert_element_type3A_275 = arith.extui %lt3A_274 : i1 to i32
      %cond3A_276 = arith.constant 0 : i32
      %cond3A_277 = arith.cmpi ne, %convert_element_type3A_275, %cond3A_276 : i32
      scf.if %cond3A_277 {
        %add3A_455 = arith.constant 4 : i32
        %add3A_456 = arith.addi %add3A_245, %add3A_455 : i32
        %sub3A_457 = arith.constant 1 : i32
        %sub3A_458 = arith.subi %add3A_456, %sub3A_457 : i32
        %mul3A_459 = arith.constant 128 : i32
        %mul3A_460 = arith.muli %sub3A_458, %mul3A_459 : i32
        %dma_start3A_461 = arith.constant 0 : i32
        %dma_start3A_462 = arith.constant 0 : i32
        %dma_start3A_463 = arith.constant 0 : i32
        %dma_start3A_464 = arith.constant 0 : i32
        %dma_start3A_465 = tpu.memref_slice %arg7[%dma_start3A_461, %dma_start3A_463, %dma_start3A_464] : memref<4x128x64xf32, #tpu.memory_space<vmem>> -> memref<1x128x64xf32, #tpu.memory_space<vmem>>
        %dma_start3A_466 = tpu.memref_squeeze %dma_start3A_465 : memref<1x128x64xf32, #tpu.memory_space<vmem>> -> memref<128x64xf32, #tpu.memory_space<vmem>>
        %dma_start3A_467 = tpu.memref_slice %arg6[%mul3A_460] : memref<25600xi32, #tpu.memory_space<vmem>> -> memref<128xi32, #tpu.memory_space<vmem>>
        %dma_start3A_468 = arith.constant 0 : i32
        %dma_start3A_469 = arith.constant 0 : i32
        %dma_start3A_470 = tpu.memref_slice %arg3[%scan3A_104, %dma_start3A_468, %dma_start3A_469] : memref<4x250000x64xf32, #tpu.memory_space<hbm>> -> memref<1x250000x64xf32, #tpu.memory_space<hbm>>
        %dma_start3A_471 = tpu.memref_squeeze %dma_start3A_470 : memref<1x250000x64xf32, #tpu.memory_space<hbm>> -> memref<250000x64xf32, #tpu.memory_space<hbm>>
        %dma_start3A_472 = arith.constant 0 : i32
        %dma_start3A_473 = arith.constant 0 : i32
        %dma_start3A_474 = tpu.memref_slice %dma_start3A_471[%dma_start3A_472, %dma_start3A_473] : memref<250000x64xf32, #tpu.memory_space<hbm>> -> memref<250000x64xf32, #tpu.memory_space<hbm>>
        %dma_start3A_475 = tpu.memref_slice %arg9[%dma_start3A_462] : memref<4x!tpu.dma_semaphore, #tpu.memory_space<semaphore_mem>> -> memref<1x!tpu.dma_semaphore, #tpu.memory_space<semaphore_mem>>
        %dma_start3A_476 = tpu.memref_squeeze %dma_start3A_475 : memref<1x!tpu.dma_semaphore, #tpu.memory_space<semaphore_mem>> -> memref<!tpu.dma_semaphore, #tpu.memory_space<semaphore_mem>>
        tpu.enqueue_indirect_dma source(%dma_start3A_474 : memref<250000x64xf32, #tpu.memory_space<hbm>>) target(%dma_start3A_466 : memref<128x64xf32, #tpu.memory_space<vmem>>) offsets(%dma_start3A_467 : memref<128xi32, #tpu.memory_space<vmem>>) semaphore(%dma_start3A_476 : memref<!tpu.dma_semaphore, #tpu.memory_space<semaphore_mem>>)
      } else {
      }
      %parallel_loop3A_278 = arith.constant 0 : i32
      %parallel_loop3A_279 = arith.constant 128 : i32
      %parallel_loop3A_280 = arith.constant 1 : i32
      scf.for %parallel_loop3A_455 = %parallel_loop3A_278 to %parallel_loop3A_279 step %parallel_loop3A_280  : i32 {
        %parallel_loop3A_456 = vector.broadcast %parallel_loop3A_455 : i32 to vector<16xi32>
        %parallel_loop3A_457 = arith.constant 1 : i32
        %parallel_loop3A_458 = arith.constant 0 : i32
        %parallel_loop3A_459 = arith.constant 0 : i32
        %parallel_loop3A_460 = tpu.memref_slice %arg7[%parallel_loop3A_457, %parallel_loop3A_458, %parallel_loop3A_459] : memref<4x128x64xf32, #tpu.memory_space<vmem>> -> memref<1x128x64xf32, #tpu.memory_space<vmem>>
        %parallel_loop3A_461 = tpu.memref_squeeze %parallel_loop3A_460 : memref<1x128x64xf32, #tpu.memory_space<vmem>> -> memref<128x64xf32, #tpu.memory_space<vmem>>
        %parallel_loop3A_462 = arith.index_cast %parallel_loop3A_455 : i32 to index
        %parallel_loop3A_463 = arith.constant 0 : index
        %parallel_loop3A_464 = tpu.vector_load %parallel_loop3A_461[%parallel_loop3A_462, %parallel_loop3A_463] {strides = array<i32>} : memref<128x64xf32, #tpu.memory_space<vmem>>, vector<16xf32>,
        %parallel_loop3A_465 = arith.constant 1 : i32
        %parallel_loop3A_466 = arith.constant 0 : i32
        %parallel_loop3A_467 = arith.constant 0 : i32
        %parallel_loop3A_468 = arith.constant 0 : i32
        %parallel_loop3A_469 = tpu.memref_slice %arg8[%parallel_loop3A_465, %parallel_loop3A_466, %parallel_loop3A_467, %parallel_loop3A_468] : memref<4x8x8x129xf32, #tpu.memory_space<vmem>> -> memref<1x8x8x129xf32, #tpu.memory_space<vmem>>
        %parallel_loop3A_470 = tpu.memref_squeeze %parallel_loop3A_469 : memref<1x8x8x129xf32, #tpu.memory_space<vmem>> -> memref<8x8x129xf32, #tpu.memory_space<vmem>>
        tpu.vector_store_idx %parallel_loop3A_470[%shift_right_arithmetic3A_9, %and3A_14, %parallel_loop3A_456], %parallel_loop3A_464 : memref<8x8x129xf32, #tpu.memory_space<vmem>>[vector<16xi32>, vector<16xi32>, vector<16xi32>], vector<16xf32>,
        %parallel_loop3A_471 = arith.constant 1 : i32
        %parallel_loop3A_472 = arith.constant 0 : i32
        %parallel_loop3A_473 = arith.constant 0 : i32
        %parallel_loop3A_474 = tpu.memref_slice %arg7[%parallel_loop3A_471, %parallel_loop3A_472, %parallel_loop3A_473] : memref<4x128x64xf32, #tpu.memory_space<vmem>> -> memref<1x128x64xf32, #tpu.memory_space<vmem>>
        %parallel_loop3A_475 = tpu.memref_squeeze %parallel_loop3A_474 : memref<1x128x64xf32, #tpu.memory_space<vmem>> -> memref<128x64xf32, #tpu.memory_space<vmem>>
        %parallel_loop3A_476 = arith.index_cast %parallel_loop3A_455 : i32 to index
        %parallel_loop3A_477 = arith.constant 16 : index
        %parallel_loop3A_478 = tpu.vector_load %parallel_loop3A_475[%parallel_loop3A_476, %parallel_loop3A_477] {strides = array<i32>} : memref<128x64xf32, #tpu.memory_space<vmem>>, vector<16xf32>,
        %parallel_loop3A_479 = arith.constant 1 : i32
        %parallel_loop3A_480 = arith.constant 0 : i32
        %parallel_loop3A_481 = arith.constant 0 : i32
        %parallel_loop3A_482 = arith.constant 0 : i32
        %parallel_loop3A_483 = tpu.memref_slice %arg8[%parallel_loop3A_479, %parallel_loop3A_480, %parallel_loop3A_481, %parallel_loop3A_482] : memref<4x8x8x129xf32, #tpu.memory_space<vmem>> -> memref<1x8x8x129xf32, #tpu.memory_space<vmem>>
        %parallel_loop3A_484 = tpu.memref_squeeze %parallel_loop3A_483 : memref<1x8x8x129xf32, #tpu.memory_space<vmem>> -> memref<8x8x129xf32, #tpu.memory_space<vmem>>
        tpu.vector_store_idx %parallel_loop3A_484[%shift_right_arithmetic3A_20, %and3A_26, %parallel_loop3A_456], %parallel_loop3A_478 : memref<8x8x129xf32, #tpu.memory_space<vmem>>[vector<16xi32>, vector<16xi32>, vector<16xi32>], vector<16xf32>,
        %parallel_loop3A_485 = arith.constant 1 : i32
        %parallel_loop3A_486 = arith.constant 0 : i32
        %parallel_loop3A_487 = arith.constant 0 : i32
        %parallel_loop3A_488 = tpu.memref_slice %arg7[%parallel_loop3A_485, %parallel_loop3A_486, %parallel_loop3A_487] : memref<4x128x64xf32, #tpu.memory_space<vmem>> -> memref<1x128x64xf32, #tpu.memory_space<vmem>>
        %parallel_loop3A_489 = tpu.memref_squeeze %parallel_loop3A_488 : memref<1x128x64xf32, #tpu.memory_space<vmem>> -> memref<128x64xf32, #tpu.memory_space<vmem>>
        %parallel_loop3A_490 = arith.index_cast %parallel_loop3A_455 : i32 to index
        %parallel_loop3A_491 = arith.constant 32 : index
        %parallel_loop3A_492 = tpu.vector_load %parallel_loop3A_489[%parallel_loop3A_490, %parallel_loop3A_491] {strides = array<i32>} : memref<128x64xf32, #tpu.memory_space<vmem>>, vector<16xf32>,
        %parallel_loop3A_493 = arith.constant 1 : i32
        %parallel_loop3A_494 = arith.constant 0 : i32
        %parallel_loop3A_495 = arith.constant 0 : i32
        %parallel_loop3A_496 = arith.constant 0 : i32
        %parallel_loop3A_497 = tpu.memref_slice %arg8[%parallel_loop3A_493, %parallel_loop3A_494, %parallel_loop3A_495, %parallel_loop3A_496] : memref<4x8x8x129xf32, #tpu.memory_space<vmem>> -> memref<1x8x8x129xf32, #tpu.memory_space<vmem>>
        %parallel_loop3A_498 = tpu.memref_squeeze %parallel_loop3A_497 : memref<1x8x8x129xf32, #tpu.memory_space<vmem>> -> memref<8x8x129xf32, #tpu.memory_space<vmem>>
        tpu.vector_store_idx %parallel_loop3A_498[%shift_right_arithmetic3A_32, %and3A_38, %parallel_loop3A_456], %parallel_loop3A_492 : memref<8x8x129xf32, #tpu.memory_space<vmem>>[vector<16xi32>, vector<16xi32>, vector<16xi32>], vector<16xf32>,
        %parallel_loop3A_499 = arith.constant 1 : i32
        %parallel_loop3A_500 = arith.constant 0 : i32
        %parallel_loop3A_501 = arith.constant 0 : i32
        %parallel_loop3A_502 = tpu.memref_slice %arg7[%parallel_loop3A_499, %parallel_loop3A_500, %parallel_loop3A_501] : memref<4x128x64xf32, #tpu.memory_space<vmem>> -> memref<1x128x64xf32, #tpu.memory_space<vmem>>
        %parallel_loop3A_503 = tpu.memref_squeeze %parallel_loop3A_502 : memref<1x128x64xf32, #tpu.memory_space<vmem>> -> memref<128x64xf32, #tpu.memory_space<vmem>>
        %parallel_loop3A_504 = arith.index_cast %parallel_loop3A_455 : i32 to index
        %parallel_loop3A_505 = arith.constant 48 : index
        %parallel_loop3A_506 = tpu.vector_load %parallel_loop3A_503[%parallel_loop3A_504, %parallel_loop3A_505] {strides = array<i32>} : memref<128x64xf32, #tpu.memory_space<vmem>>, vector<16xf32>,
        %parallel_loop3A_507 = arith.constant 1 : i32
        %parallel_loop3A_508 = arith.constant 0 : i32
        %parallel_loop3A_509 = arith.constant 0 : i32
        %parallel_loop3A_510 = arith.constant 0 : i32
        %parallel_loop3A_511 = tpu.memref_slice %arg8[%parallel_loop3A_507, %parallel_loop3A_508, %parallel_loop3A_509, %parallel_loop3A_510] : memref<4x8x8x129xf32, #tpu.memory_space<vmem>> -> memref<1x8x8x129xf32, #tpu.memory_space<vmem>>
        %parallel_loop3A_512 = tpu.memref_squeeze %parallel_loop3A_511 : memref<1x8x8x129xf32, #tpu.memory_space<vmem>> -> memref<8x8x129xf32, #tpu.memory_space<vmem>>
        tpu.vector_store_idx %parallel_loop3A_512[%shift_right_arithmetic3A_44, %and3A_50, %parallel_loop3A_456], %parallel_loop3A_506 : memref<8x8x129xf32, #tpu.memory_space<vmem>>[vector<16xi32>, vector<16xi32>, vector<16xi32>], vector<16xf32>,
      } {sc.loop_unroll_factor = 8 : i64, sc.parallel_access}
      %dma_start3A_281 = arith.constant 1 : i32
      %dma_start3A_282 = arith.constant 1 : i32
      %dma_start3A_283 = arith.constant 0 : i32
      %dma_start3A_284 = arith.constant 0 : i32
      %dma_start3A_285 = arith.constant 0 : i32
      %dma_start3A_286 = tpu.memref_slice %arg8[%dma_start3A_281, %dma_start3A_283, %dma_start3A_284, %dma_start3A_285] : memref<4x8x8x129xf32, #tpu.memory_space<vmem>> -> memref<1x8x8x129xf32, #tpu.memory_space<vmem>>
      %dma_start3A_287 = tpu.memref_squeeze %dma_start3A_286 : memref<1x8x8x129xf32, #tpu.memory_space<vmem>> -> memref<8x8x129xf32, #tpu.memory_space<vmem>>
      %dma_start3A_288 = arith.constant 0 : i32
      %dma_start3A_289 = arith.constant 0 : i32
      %dma_start3A_290 = arith.constant 0 : i32
      %dma_start3A_291 = tpu.memref_slice %dma_start3A_287[%dma_start3A_288, %dma_start3A_289, %dma_start3A_290] : memref<8x8x129xf32, #tpu.memory_space<vmem>> -> memref<8x8x128xf32, #tpu.memory_space<vmem>>
      %dma_start3A_292 = arith.constant 0 : i32
      %dma_start3A_293 = arith.constant 0 : i32
      %dma_start3A_294 = arith.constant 0 : i32
      %dma_start3A_295 = tpu.memref_slice %arg4[%add3A_245, %dma_start3A_292, %add3A, %dma_start3A_293, %dma_start3A_294] : memref<200x8x32x8x128xf32, #tpu.memory_space<hbm>> -> memref<1x8x1x8x128xf32, #tpu.memory_space<hbm>>
      %dma_start3A_296 = tpu.memref_squeeze %dma_start3A_295 : memref<1x8x1x8x128xf32, #tpu.memory_space<hbm>> -> memref<8x8x128xf32, #tpu.memory_space<hbm>>
      %dma_start3A_297 = tpu.memref_slice %arg10[%dma_start3A_282] : memref<4x!tpu.dma_semaphore, #tpu.memory_space<semaphore_mem>> -> memref<1x!tpu.dma_semaphore, #tpu.memory_space<semaphore_mem>>
      %dma_start3A_298 = tpu.memref_squeeze %dma_start3A_297 : memref<1x!tpu.dma_semaphore, #tpu.memory_space<semaphore_mem>> -> memref<!tpu.dma_semaphore, #tpu.memory_space<semaphore_mem>>
      %dma_start3A_299 = arith.constant 0 : i32
      %dma_start3A_300 = arith.constant 0 : i32
      %dma_start3A_301 = arith.constant 0 : i32
      %dma_start3A_302 = tpu.memref_slice %arg4[%add3A_245, %dma_start3A_299, %add3A, %dma_start3A_300, %dma_start3A_301] : memref<200x8x32x8x128xf32, #tpu.memory_space<hbm>> -> memref<1x8x1x8x128xf32, #tpu.memory_space<hbm>>
      %dma_start3A_303 = tpu.memref_squeeze %dma_start3A_302 : memref<1x8x1x8x128xf32, #tpu.memory_space<hbm>> -> memref<8x8x128xf32, #tpu.memory_space<hbm>>
      %dma_start3A_304 = arith.constant 0 : i32
      %dma_start3A_305 = arith.constant 0 : i32
      %dma_start3A_306 = arith.constant 0 : i32
      %dma_start3A_307 = tpu.memref_slice %arg8[%dma_start3A_281, %dma_start3A_304, %dma_start3A_305, %dma_start3A_306] : memref<4x8x8x129xf32, #tpu.memory_space<vmem>> -> memref<1x8x8x129xf32, #tpu.memory_space<vmem>>
      %dma_start3A_308 = tpu.memref_squeeze %dma_start3A_307 : memref<1x8x8x129xf32, #tpu.memory_space<vmem>> -> memref<8x8x129xf32, #tpu.memory_space<vmem>>
      %dma_start3A_309 = arith.constant 0 : i32
      %dma_start3A_310 = arith.constant 0 : i32
      %dma_start3A_311 = arith.constant 0 : i32
      %dma_start3A_312 = tpu.memref_slice %dma_start3A_308[%dma_start3A_309, %dma_start3A_310, %dma_start3A_311] : memref<8x8x129xf32, #tpu.memory_space<vmem>> -> memref<8x8x128xf32, #tpu.memory_space<vmem>>
      tpu.enqueue_dma source(%dma_start3A_312 : memref<8x8x128xf32, #tpu.memory_space<vmem>>) target(%dma_start3A_303 : memref<8x8x128xf32, #tpu.memory_space<hbm>>) target_semaphore(%dma_start3A_298 : memref<!tpu.dma_semaphore, #tpu.memory_space<semaphore_mem>>)
      %mul3A_313 = arith.constant 4 : i32
      %mul3A_314 = arith.muli %scan3A_175, %mul3A_313 : i32
      %add3A_315 = arith.constant 2 : i32
      %add3A_316 = arith.addi %mul3A_314, %add3A_315 : i32
      %mul3A_317 = arith.constant 128 : i32
      %mul3A_318 = arith.muli %add3A_316, %mul3A_317 : i32
      %dma_wait3A_319 = arith.constant 2 : i32
      %dma_wait3A_320 = arith.constant 2 : i32
      %dma_wait3A_321 = arith.constant 0 : i32
      %dma_wait3A_322 = arith.constant 0 : i32
      %dma_wait3A_323 = tpu.memref_slice %arg7[%dma_wait3A_319, %dma_wait3A_321, %dma_wait3A_322] : memref<4x128x64xf32, #tpu.memory_space<vmem>> -> memref<1x128x64xf32, #tpu.memory_space<vmem>>
      %dma_wait3A_324 = tpu.memref_squeeze %dma_wait3A_323 : memref<1x128x64xf32, #tpu.memory_space<vmem>> -> memref<128x64xf32, #tpu.memory_space<vmem>>
      %dma_wait3A_325 = tpu.memref_slice %arg6[%mul3A_318] : memref<25600xi32, #tpu.memory_space<vmem>> -> memref<128xi32, #tpu.memory_space<vmem>>
      %dma_wait3A_326 = arith.constant 0 : i32
      %dma_wait3A_327 = arith.constant 0 : i32
      %dma_wait3A_328 = tpu.memref_slice %arg3[%scan3A_104, %dma_wait3A_326, %dma_wait3A_327] : memref<4x250000x64xf32, #tpu.memory_space<hbm>> -> memref<1x250000x64xf32, #tpu.memory_space<hbm>>
      %dma_wait3A_329 = tpu.memref_squeeze %dma_wait3A_328 : memref<1x250000x64xf32, #tpu.memory_space<hbm>> -> memref<250000x64xf32, #tpu.memory_space<hbm>>
      %dma_wait3A_330 = arith.constant 0 : i32
      %dma_wait3A_331 = arith.constant 0 : i32
      %dma_wait3A_332 = tpu.memref_slice %dma_wait3A_329[%dma_wait3A_330, %dma_wait3A_331] : memref<250000x64xf32, #tpu.memory_space<hbm>> -> memref<250000x64xf32, #tpu.memory_space<hbm>>
      %dma_wait3A_333 = tpu.memref_slice %arg9[%dma_wait3A_320] : memref<4x!tpu.dma_semaphore, #tpu.memory_space<semaphore_mem>> -> memref<1x!tpu.dma_semaphore, #tpu.memory_space<semaphore_mem>>
      %dma_wait3A_334 = tpu.memref_squeeze %dma_wait3A_333 : memref<1x!tpu.dma_semaphore, #tpu.memory_space<semaphore_mem>> -> memref<!tpu.dma_semaphore, #tpu.memory_space<semaphore_mem>>
      tpu.wait_indirect_dma semaphore(%dma_wait3A_334 : memref<!tpu.dma_semaphore, #tpu.memory_space<semaphore_mem>>) src(%dma_wait3A_332 : memref<250000x64xf32, #tpu.memory_space<hbm>>) dst(%dma_wait3A_324 : memref<128x64xf32, #tpu.memory_space<vmem>>)
      %gt3A_335 = arith.constant 1 : i32
      %gt3A_336 = arith.cmpi sgt, %add3A_316, %gt3A_335 : i32
      %convert_element_type3A_337 = arith.extui %gt3A_336 : i1 to i32
      %cond3A_338 = arith.constant 0 : i32
      %cond3A_339 = arith.cmpi ne, %convert_element_type3A_337, %cond3A_338 : i32
      scf.if %cond3A_339 {
        %sub3A_455 = arith.constant 2 : i32
        %sub3A_456 = arith.subi %add3A_316, %sub3A_455 : i32
        %dma_wait3A_457 = arith.constant 0 : i32
        %dma_wait3A_458 = arith.constant 0 : i32
        %dma_wait3A_459 = arith.constant 0 : i32
        %dma_wait3A_460 = arith.constant 0 : i32
        %dma_wait3A_461 = arith.constant 0 : i32
        %dma_wait3A_462 = tpu.memref_slice %arg8[%dma_wait3A_457, %dma_wait3A_459, %dma_wait3A_460, %dma_wait3A_461] : memref<4x8x8x129xf32, #tpu.memory_space<vmem>> -> memref<1x8x8x129xf32, #tpu.memory_space<vmem>>
        %dma_wait3A_463 = tpu.memref_squeeze %dma_wait3A_462 : memref<1x8x8x129xf32, #tpu.memory_space<vmem>> -> memref<8x8x129xf32, #tpu.memory_space<vmem>>
        %dma_wait3A_464 = arith.constant 0 : i32
        %dma_wait3A_465 = arith.constant 0 : i32
        %dma_wait3A_466 = arith.constant 0 : i32
        %dma_wait3A_467 = tpu.memref_slice %dma_wait3A_463[%dma_wait3A_464, %dma_wait3A_465, %dma_wait3A_466] : memref<8x8x129xf32, #tpu.memory_space<vmem>> -> memref<8x8x128xf32, #tpu.memory_space<vmem>>
        %dma_wait3A_468 = arith.constant 0 : i32
        %dma_wait3A_469 = arith.constant 0 : i32
        %dma_wait3A_470 = arith.constant 0 : i32
        %dma_wait3A_471 = tpu.memref_slice %arg4[%sub3A_456, %dma_wait3A_468, %add3A, %dma_wait3A_469, %dma_wait3A_470] : memref<200x8x32x8x128xf32, #tpu.memory_space<hbm>> -> memref<1x8x1x8x128xf32, #tpu.memory_space<hbm>>
        %dma_wait3A_472 = tpu.memref_squeeze %dma_wait3A_471 : memref<1x8x1x8x128xf32, #tpu.memory_space<hbm>> -> memref<8x8x128xf32, #tpu.memory_space<hbm>>
        %dma_wait3A_473 = tpu.memref_slice %arg10[%dma_wait3A_458] : memref<4x!tpu.dma_semaphore, #tpu.memory_space<semaphore_mem>> -> memref<1x!tpu.dma_semaphore, #tpu.memory_space<semaphore_mem>>
        %dma_wait3A_474 = tpu.memref_squeeze %dma_wait3A_473 : memref<1x!tpu.dma_semaphore, #tpu.memory_space<semaphore_mem>> -> memref<!tpu.dma_semaphore, #tpu.memory_space<semaphore_mem>>
        %dma_wait3A_475 = arith.constant 0 : i32
        %dma_wait3A_476 = arith.constant 0 : i32
        %dma_wait3A_477 = arith.constant 0 : i32
        %dma_wait3A_478 = tpu.memref_slice %arg4[%sub3A_456, %dma_wait3A_475, %add3A, %dma_wait3A_476, %dma_wait3A_477] : memref<200x8x32x8x128xf32, #tpu.memory_space<hbm>> -> memref<1x8x1x8x128xf32, #tpu.memory_space<hbm>>
        %dma_wait3A_479 = tpu.memref_squeeze %dma_wait3A_478 : memref<1x8x1x8x128xf32, #tpu.memory_space<hbm>> -> memref<8x8x128xf32, #tpu.memory_space<hbm>>
        %dma_wait3A_480 = arith.constant 0 : i32
        %dma_wait3A_481 = arith.constant 0 : i32
        %dma_wait3A_482 = arith.constant 0 : i32
        %dma_wait3A_483 = tpu.memref_slice %arg8[%dma_wait3A_457, %dma_wait3A_480, %dma_wait3A_481, %dma_wait3A_482] : memref<4x8x8x129xf32, #tpu.memory_space<vmem>> -> memref<1x8x8x129xf32, #tpu.memory_space<vmem>>
        %dma_wait3A_484 = tpu.memref_squeeze %dma_wait3A_483 : memref<1x8x8x129xf32, #tpu.memory_space<vmem>> -> memref<8x8x129xf32, #tpu.memory_space<vmem>>
        %dma_wait3A_485 = arith.constant 0 : i32
        %dma_wait3A_486 = arith.constant 0 : i32
        %dma_wait3A_487 = arith.constant 0 : i32
        %dma_wait3A_488 = tpu.memref_slice %dma_wait3A_484[%dma_wait3A_485, %dma_wait3A_486, %dma_wait3A_487] : memref<8x8x129xf32, #tpu.memory_space<vmem>> -> memref<8x8x128xf32, #tpu.memory_space<vmem>>
        tpu.wait_dma2 semaphore(%dma_wait3A_474 : memref<!tpu.dma_semaphore, #tpu.memory_space<semaphore_mem>>) src(%dma_wait3A_488 : memref<8x8x128xf32, #tpu.memory_space<vmem>>) dst(%dma_wait3A_479 : memref<8x8x128xf32, #tpu.memory_space<hbm>>)
      } else {
      }
      %add3A_340 = arith.constant 4 : i32
      %add3A_341 = arith.addi %add3A_316, %add3A_340 : i32
      %sub3A_342 = arith.constant 1 : i32
      %sub3A_343 = arith.subi %add3A_341, %sub3A_342 : i32
      %lt3A_344 = arith.constant 200 : i32
      %lt3A_345 = arith.cmpi slt, %sub3A_343, %lt3A_344 : i32
      %convert_element_type3A_346 = arith.extui %lt3A_345 : i1 to i32
      %cond3A_347 = arith.constant 0 : i32
      %cond3A_348 = arith.cmpi ne, %convert_element_type3A_346, %cond3A_347 : i32
      scf.if %cond3A_348 {
        %add3A_455 = arith.constant 4 : i32
        %add3A_456 = arith.addi %add3A_316, %add3A_455 : i32
        %sub3A_457 = arith.constant 1 : i32
        %sub3A_458 = arith.subi %add3A_456, %sub3A_457 : i32
        %mul3A_459 = arith.constant 128 : i32
        %mul3A_460 = arith.muli %sub3A_458, %mul3A_459 : i32
        %dma_start3A_461 = arith.constant 1 : i32
        %dma_start3A_462 = arith.constant 1 : i32
        %dma_start3A_463 = arith.constant 0 : i32
        %dma_start3A_464 = arith.constant 0 : i32
        %dma_start3A_465 = tpu.memref_slice %arg7[%dma_start3A_461, %dma_start3A_463, %dma_start3A_464] : memref<4x128x64xf32, #tpu.memory_space<vmem>> -> memref<1x128x64xf32, #tpu.memory_space<vmem>>
        %dma_start3A_466 = tpu.memref_squeeze %dma_start3A_465 : memref<1x128x64xf32, #tpu.memory_space<vmem>> -> memref<128x64xf32, #tpu.memory_space<vmem>>
        %dma_start3A_467 = tpu.memref_slice %arg6[%mul3A_460] : memref<25600xi32, #tpu.memory_space<vmem>> -> memref<128xi32, #tpu.memory_space<vmem>>
        %dma_start3A_468 = arith.constant 0 : i32
        %dma_start3A_469 = arith.constant 0 : i32
        %dma_start3A_470 = tpu.memref_slice %arg3[%scan3A_104, %dma_start3A_468, %dma_start3A_469] : memref<4x250000x64xf32, #tpu.memory_space<hbm>> -> memref<1x250000x64xf32, #tpu.memory_space<hbm>>
        %dma_start3A_471 = tpu.memref_squeeze %dma_start3A_470 : memref<1x250000x64xf32, #tpu.memory_space<hbm>> -> memref<250000x64xf32, #tpu.memory_space<hbm>>
        %dma_start3A_472 = arith.constant 0 : i32
        %dma_start3A_473 = arith.constant 0 : i32
        %dma_start3A_474 = tpu.memref_slice %dma_start3A_471[%dma_start3A_472, %dma_start3A_473] : memref<250000x64xf32, #tpu.memory_space<hbm>> -> memref<250000x64xf32, #tpu.memory_space<hbm>>
        %dma_start3A_475 = tpu.memref_slice %arg9[%dma_start3A_462] : memref<4x!tpu.dma_semaphore, #tpu.memory_space<semaphore_mem>> -> memref<1x!tpu.dma_semaphore, #tpu.memory_space<semaphore_mem>>
        %dma_start3A_476 = tpu.memref_squeeze %dma_start3A_475 : memref<1x!tpu.dma_semaphore, #tpu.memory_space<semaphore_mem>> -> memref<!tpu.dma_semaphore, #tpu.memory_space<semaphore_mem>>
        tpu.enqueue_indirect_dma source(%dma_start3A_474 : memref<250000x64xf32, #tpu.memory_space<hbm>>) target(%dma_start3A_466 : memref<128x64xf32, #tpu.memory_space<vmem>>) offsets(%dma_start3A_467 : memref<128xi32, #tpu.memory_space<vmem>>) semaphore(%dma_start3A_476 : memref<!tpu.dma_semaphore, #tpu.memory_space<semaphore_mem>>)
      } else {
      }
      %parallel_loop3A_349 = arith.constant 0 : i32
      %parallel_loop3A_350 = arith.constant 128 : i32
      %parallel_loop3A_351 = arith.constant 1 : i32
      scf.for %parallel_loop3A_455 = %parallel_loop3A_349 to %parallel_loop3A_350 step %parallel_loop3A_351  : i32 {
        %parallel_loop3A_456 = vector.broadcast %parallel_loop3A_455 : i32 to vector<16xi32>
        %parallel_loop3A_457 = arith.constant 2 : i32
        %parallel_loop3A_458 = arith.constant 0 : i32
        %parallel_loop3A_459 = arith.constant 0 : i32
        %parallel_loop3A_460 = tpu.memref_slice %arg7[%parallel_loop3A_457, %parallel_loop3A_458, %parallel_loop3A_459] : memref<4x128x64xf32, #tpu.memory_space<vmem>> -> memref<1x128x64xf32, #tpu.memory_space<vmem>>
        %parallel_loop3A_461 = tpu.memref_squeeze %parallel_loop3A_460 : memref<1x128x64xf32, #tpu.memory_space<vmem>> -> memref<128x64xf32, #tpu.memory_space<vmem>>
        %parallel_loop3A_462 = arith.index_cast %parallel_loop3A_455 : i32 to index
        %parallel_loop3A_463 = arith.constant 0 : index
        %parallel_loop3A_464 = tpu.vector_load %parallel_loop3A_461[%parallel_loop3A_462, %parallel_loop3A_463] {strides = array<i32>} : memref<128x64xf32, #tpu.memory_space<vmem>>, vector<16xf32>,
        %parallel_loop3A_465 = arith.constant 2 : i32
        %parallel_loop3A_466 = arith.constant 0 : i32
        %parallel_loop3A_467 = arith.constant 0 : i32
        %parallel_loop3A_468 = arith.constant 0 : i32
        %parallel_loop3A_469 = tpu.memref_slice %arg8[%parallel_loop3A_465, %parallel_loop3A_466, %parallel_loop3A_467, %parallel_loop3A_468] : memref<4x8x8x129xf32, #tpu.memory_space<vmem>> -> memref<1x8x8x129xf32, #tpu.memory_space<vmem>>
        %parallel_loop3A_470 = tpu.memref_squeeze %parallel_loop3A_469 : memref<1x8x8x129xf32, #tpu.memory_space<vmem>> -> memref<8x8x129xf32, #tpu.memory_space<vmem>>
        tpu.vector_store_idx %parallel_loop3A_470[%shift_right_arithmetic3A_9, %and3A_14, %parallel_loop3A_456], %parallel_loop3A_464 : memref<8x8x129xf32, #tpu.memory_space<vmem>>[vector<16xi32>, vector<16xi32>, vector<16xi32>], vector<16xf32>,
        %parallel_loop3A_471 = arith.constant 2 : i32
        %parallel_loop3A_472 = arith.constant 0 : i32
        %parallel_loop3A_473 = arith.constant 0 : i32
        %parallel_loop3A_474 = tpu.memref_slice %arg7[%parallel_loop3A_471, %parallel_loop3A_472, %parallel_loop3A_473] : memref<4x128x64xf32, #tpu.memory_space<vmem>> -> memref<1x128x64xf32, #tpu.memory_space<vmem>>
        %parallel_loop3A_475 = tpu.memref_squeeze %parallel_loop3A_474 : memref<1x128x64xf32, #tpu.memory_space<vmem>> -> memref<128x64xf32, #tpu.memory_space<vmem>>
        %parallel_loop3A_476 = arith.index_cast %parallel_loop3A_455 : i32 to index
        %parallel_loop3A_477 = arith.constant 16 : index
        %parallel_loop3A_478 = tpu.vector_load %parallel_loop3A_475[%parallel_loop3A_476, %parallel_loop3A_477] {strides = array<i32>} : memref<128x64xf32, #tpu.memory_space<vmem>>, vector<16xf32>,
        %parallel_loop3A_479 = arith.constant 2 : i32
        %parallel_loop3A_480 = arith.constant 0 : i32
        %parallel_loop3A_481 = arith.constant 0 : i32
        %parallel_loop3A_482 = arith.constant 0 : i32
        %parallel_loop3A_483 = tpu.memref_slice %arg8[%parallel_loop3A_479, %parallel_loop3A_480, %parallel_loop3A_481, %parallel_loop3A_482] : memref<4x8x8x129xf32, #tpu.memory_space<vmem>> -> memref<1x8x8x129xf32, #tpu.memory_space<vmem>>
        %parallel_loop3A_484 = tpu.memref_squeeze %parallel_loop3A_483 : memref<1x8x8x129xf32, #tpu.memory_space<vmem>> -> memref<8x8x129xf32, #tpu.memory_space<vmem>>
        tpu.vector_store_idx %parallel_loop3A_484[%shift_right_arithmetic3A_20, %and3A_26, %parallel_loop3A_456], %parallel_loop3A_478 : memref<8x8x129xf32, #tpu.memory_space<vmem>>[vector<16xi32>, vector<16xi32>, vector<16xi32>], vector<16xf32>,
        %parallel_loop3A_485 = arith.constant 2 : i32
        %parallel_loop3A_486 = arith.constant 0 : i32
        %parallel_loop3A_487 = arith.constant 0 : i32
        %parallel_loop3A_488 = tpu.memref_slice %arg7[%parallel_loop3A_485, %parallel_loop3A_486, %parallel_loop3A_487] : memref<4x128x64xf32, #tpu.memory_space<vmem>> -> memref<1x128x64xf32, #tpu.memory_space<vmem>>
        %parallel_loop3A_489 = tpu.memref_squeeze %parallel_loop3A_488 : memref<1x128x64xf32, #tpu.memory_space<vmem>> -> memref<128x64xf32, #tpu.memory_space<vmem>>
        %parallel_loop3A_490 = arith.index_cast %parallel_loop3A_455 : i32 to index
        %parallel_loop3A_491 = arith.constant 32 : index
        %parallel_loop3A_492 = tpu.vector_load %parallel_loop3A_489[%parallel_loop3A_490, %parallel_loop3A_491] {strides = array<i32>} : memref<128x64xf32, #tpu.memory_space<vmem>>, vector<16xf32>,
        %parallel_loop3A_493 = arith.constant 2 : i32
        %parallel_loop3A_494 = arith.constant 0 : i32
        %parallel_loop3A_495 = arith.constant 0 : i32
        %parallel_loop3A_496 = arith.constant 0 : i32
        %parallel_loop3A_497 = tpu.memref_slice %arg8[%parallel_loop3A_493, %parallel_loop3A_494, %parallel_loop3A_495, %parallel_loop3A_496] : memref<4x8x8x129xf32, #tpu.memory_space<vmem>> -> memref<1x8x8x129xf32, #tpu.memory_space<vmem>>
        %parallel_loop3A_498 = tpu.memref_squeeze %parallel_loop3A_497 : memref<1x8x8x129xf32, #tpu.memory_space<vmem>> -> memref<8x8x129xf32, #tpu.memory_space<vmem>>
        tpu.vector_store_idx %parallel_loop3A_498[%shift_right_arithmetic3A_32, %and3A_38, %parallel_loop3A_456], %parallel_loop3A_492 : memref<8x8x129xf32, #tpu.memory_space<vmem>>[vector<16xi32>, vector<16xi32>, vector<16xi32>], vector<16xf32>,
        %parallel_loop3A_499 = arith.constant 2 : i32
        %parallel_loop3A_500 = arith.constant 0 : i32
        %parallel_loop3A_501 = arith.constant 0 : i32
        %parallel_loop3A_502 = tpu.memref_slice %arg7[%parallel_loop3A_499, %parallel_loop3A_500, %parallel_loop3A_501] : memref<4x128x64xf32, #tpu.memory_space<vmem>> -> memref<1x128x64xf32, #tpu.memory_space<vmem>>
        %parallel_loop3A_503 = tpu.memref_squeeze %parallel_loop3A_502 : memref<1x128x64xf32, #tpu.memory_space<vmem>> -> memref<128x64xf32, #tpu.memory_space<vmem>>
        %parallel_loop3A_504 = arith.index_cast %parallel_loop3A_455 : i32 to index
        %parallel_loop3A_505 = arith.constant 48 : index
        %parallel_loop3A_506 = tpu.vector_load %parallel_loop3A_503[%parallel_loop3A_504, %parallel_loop3A_505] {strides = array<i32>} : memref<128x64xf32, #tpu.memory_space<vmem>>, vector<16xf32>,
        %parallel_loop3A_507 = arith.constant 2 : i32
        %parallel_loop3A_508 = arith.constant 0 : i32
        %parallel_loop3A_509 = arith.constant 0 : i32
        %parallel_loop3A_510 = arith.constant 0 : i32
        %parallel_loop3A_511 = tpu.memref_slice %arg8[%parallel_loop3A_507, %parallel_loop3A_508, %parallel_loop3A_509, %parallel_loop3A_510] : memref<4x8x8x129xf32, #tpu.memory_space<vmem>> -> memref<1x8x8x129xf32, #tpu.memory_space<vmem>>
        %parallel_loop3A_512 = tpu.memref_squeeze %parallel_loop3A_511 : memref<1x8x8x129xf32, #tpu.memory_space<vmem>> -> memref<8x8x129xf32, #tpu.memory_space<vmem>>
        tpu.vector_store_idx %parallel_loop3A_512[%shift_right_arithmetic3A_44, %and3A_50, %parallel_loop3A_456], %parallel_loop3A_506 : memref<8x8x129xf32, #tpu.memory_space<vmem>>[vector<16xi32>, vector<16xi32>, vector<16xi32>], vector<16xf32>,
      } {sc.loop_unroll_factor = 8 : i64, sc.parallel_access}
      %dma_start3A_352 = arith.constant 2 : i32
      %dma_start3A_353 = arith.constant 2 : i32
      %dma_start3A_354 = arith.constant 0 : i32
      %dma_start3A_355 = arith.constant 0 : i32
      %dma_start3A_356 = arith.constant 0 : i32
      %dma_start3A_357 = tpu.memref_slice %arg8[%dma_start3A_352, %dma_start3A_354, %dma_start3A_355, %dma_start3A_356] : memref<4x8x8x129xf32, #tpu.memory_space<vmem>> -> memref<1x8x8x129xf32, #tpu.memory_space<vmem>>
      %dma_start3A_358 = tpu.memref_squeeze %dma_start3A_357 : memref<1x8x8x129xf32, #tpu.memory_space<vmem>> -> memref<8x8x129xf32, #tpu.memory_space<vmem>>
      %dma_start3A_359 = arith.constant 0 : i32
      %dma_start3A_360 = arith.constant 0 : i32
      %dma_start3A_361 = arith.constant 0 : i32
      %dma_start3A_362 = tpu.memref_slice %dma_start3A_358[%dma_start3A_359, %dma_start3A_360, %dma_start3A_361] : memref<8x8x129xf32, #tpu.memory_space<vmem>> -> memref<8x8x128xf32, #tpu.memory_space<vmem>>
      %dma_start3A_363 = arith.constant 0 : i32
      %dma_start3A_364 = arith.constant 0 : i32
      %dma_start3A_365 = arith.constant 0 : i32
      %dma_start3A_366 = tpu.memref_slice %arg4[%add3A_316, %dma_start3A_363, %add3A, %dma_start3A_364, %dma_start3A_365] : memref<200x8x32x8x128xf32, #tpu.memory_space<hbm>> -> memref<1x8x1x8x128xf32, #tpu.memory_space<hbm>>
      %dma_start3A_367 = tpu.memref_squeeze %dma_start3A_366 : memref<1x8x1x8x128xf32, #tpu.memory_space<hbm>> -> memref<8x8x128xf32, #tpu.memory_space<hbm>>
      %dma_start3A_368 = tpu.memref_slice %arg10[%dma_start3A_353] : memref<4x!tpu.dma_semaphore, #tpu.memory_space<semaphore_mem>> -> memref<1x!tpu.dma_semaphore, #tpu.memory_space<semaphore_mem>>
      %dma_start3A_369 = tpu.memref_squeeze %dma_start3A_368 : memref<1x!tpu.dma_semaphore, #tpu.memory_space<semaphore_mem>> -> memref<!tpu.dma_semaphore, #tpu.memory_space<semaphore_mem>>
      %dma_start3A_370 = arith.constant 0 : i32
      %dma_start3A_371 = arith.constant 0 : i32
      %dma_start3A_372 = arith.constant 0 : i32
      %dma_start3A_373 = tpu.memref_slice %arg4[%add3A_316, %dma_start3A_370, %add3A, %dma_start3A_371, %dma_start3A_372] : memref<200x8x32x8x128xf32, #tpu.memory_space<hbm>> -> memref<1x8x1x8x128xf32, #tpu.memory_space<hbm>>
      %dma_start3A_374 = tpu.memref_squeeze %dma_start3A_373 : memref<1x8x1x8x128xf32, #tpu.memory_space<hbm>> -> memref<8x8x128xf32, #tpu.memory_space<hbm>>
      %dma_start3A_375 = arith.constant 0 : i32
      %dma_start3A_376 = arith.constant 0 : i32
      %dma_start3A_377 = arith.constant 0 : i32
      %dma_start3A_378 = tpu.memref_slice %arg8[%dma_start3A_352, %dma_start3A_375, %dma_start3A_376, %dma_start3A_377] : memref<4x8x8x129xf32, #tpu.memory_space<vmem>> -> memref<1x8x8x129xf32, #tpu.memory_space<vmem>>
      %dma_start3A_379 = tpu.memref_squeeze %dma_start3A_378 : memref<1x8x8x129xf32, #tpu.memory_space<vmem>> -> memref<8x8x129xf32, #tpu.memory_space<vmem>>
      %dma_start3A_380 = arith.constant 0 : i32
      %dma_start3A_381 = arith.constant 0 : i32
      %dma_start3A_382 = arith.constant 0 : i32
      %dma_start3A_383 = tpu.memref_slice %dma_start3A_379[%dma_start3A_380, %dma_start3A_381, %dma_start3A_382] : memref<8x8x129xf32, #tpu.memory_space<vmem>> -> memref<8x8x128xf32, #tpu.memory_space<vmem>>
      tpu.enqueue_dma source(%dma_start3A_383 : memref<8x8x128xf32, #tpu.memory_space<vmem>>) target(%dma_start3A_374 : memref<8x8x128xf32, #tpu.memory_space<hbm>>) target_semaphore(%dma_start3A_369 : memref<!tpu.dma_semaphore, #tpu.memory_space<semaphore_mem>>)
      %mul3A_384 = arith.constant 4 : i32
      %mul3A_385 = arith.muli %scan3A_175, %mul3A_384 : i32
      %add3A_386 = arith.constant 3 : i32
      %add3A_387 = arith.addi %mul3A_385, %add3A_386 : i32
      %mul3A_388 = arith.constant 128 : i32
      %mul3A_389 = arith.muli %add3A_387, %mul3A_388 : i32
      %dma_wait3A_390 = arith.constant 3 : i32
      %dma_wait3A_391 = arith.constant 3 : i32
      %dma_wait3A_392 = arith.constant 0 : i32
      %dma_wait3A_393 = arith.constant 0 : i32
      %dma_wait3A_394 = tpu.memref_slice %arg7[%dma_wait3A_390, %dma_wait3A_392, %dma_wait3A_393] : memref<4x128x64xf32, #tpu.memory_space<vmem>> -> memref<1x128x64xf32, #tpu.memory_space<vmem>>
      %dma_wait3A_395 = tpu.memref_squeeze %dma_wait3A_394 : memref<1x128x64xf32, #tpu.memory_space<vmem>> -> memref<128x64xf32, #tpu.memory_space<vmem>>
      %dma_wait3A_396 = tpu.memref_slice %arg6[%mul3A_389] : memref<25600xi32, #tpu.memory_space<vmem>> -> memref<128xi32, #tpu.memory_space<vmem>>
      %dma_wait3A_397 = arith.constant 0 : i32
      %dma_wait3A_398 = arith.constant 0 : i32
      %dma_wait3A_399 = tpu.memref_slice %arg3[%scan3A_104, %dma_wait3A_397, %dma_wait3A_398] : memref<4x250000x64xf32, #tpu.memory_space<hbm>> -> memref<1x250000x64xf32, #tpu.memory_space<hbm>>
      %dma_wait3A_400 = tpu.memref_squeeze %dma_wait3A_399 : memref<1x250000x64xf32, #tpu.memory_space<hbm>> -> memref<250000x64xf32, #tpu.memory_space<hbm>>
      %dma_wait3A_401 = arith.constant 0 : i32
      %dma_wait3A_402 = arith.constant 0 : i32
      %dma_wait3A_403 = tpu.memref_slice %dma_wait3A_400[%dma_wait3A_401, %dma_wait3A_402] : memref<250000x64xf32, #tpu.memory_space<hbm>> -> memref<250000x64xf32, #tpu.memory_space<hbm>>
      %dma_wait3A_404 = tpu.memref_slice %arg9[%dma_wait3A_391] : memref<4x!tpu.dma_semaphore, #tpu.memory_space<semaphore_mem>> -> memref<1x!tpu.dma_semaphore, #tpu.memory_space<semaphore_mem>>
      %dma_wait3A_405 = tpu.memref_squeeze %dma_wait3A_404 : memref<1x!tpu.dma_semaphore, #tpu.memory_space<semaphore_mem>> -> memref<!tpu.dma_semaphore, #tpu.memory_space<semaphore_mem>>
      tpu.wait_indirect_dma semaphore(%dma_wait3A_405 : memref<!tpu.dma_semaphore, #tpu.memory_space<semaphore_mem>>) src(%dma_wait3A_403 : memref<250000x64xf32, #tpu.memory_space<hbm>>) dst(%dma_wait3A_395 : memref<128x64xf32, #tpu.memory_space<vmem>>)
      %gt3A_406 = arith.constant 1 : i32
      %gt3A_407 = arith.cmpi sgt, %add3A_387, %gt3A_406 : i32
      %convert_element_type3A_408 = arith.extui %gt3A_407 : i1 to i32
      %cond3A_409 = arith.constant 0 : i32
      %cond3A_410 = arith.cmpi ne, %convert_element_type3A_408, %cond3A_409 : i32
      scf.if %cond3A_410 {
        %sub3A_455 = arith.constant 2 : i32
        %sub3A_456 = arith.subi %add3A_387, %sub3A_455 : i32
        %dma_wait3A_457 = arith.constant 1 : i32
        %dma_wait3A_458 = arith.constant 1 : i32
        %dma_wait3A_459 = arith.constant 0 : i32
        %dma_wait3A_460 = arith.constant 0 : i32
        %dma_wait3A_461 = arith.constant 0 : i32
        %dma_wait3A_462 = tpu.memref_slice %arg8[%dma_wait3A_457, %dma_wait3A_459, %dma_wait3A_460, %dma_wait3A_461] : memref<4x8x8x129xf32, #tpu.memory_space<vmem>> -> memref<1x8x8x129xf32, #tpu.memory_space<vmem>>
        %dma_wait3A_463 = tpu.memref_squeeze %dma_wait3A_462 : memref<1x8x8x129xf32, #tpu.memory_space<vmem>> -> memref<8x8x129xf32, #tpu.memory_space<vmem>>
        %dma_wait3A_464 = arith.constant 0 : i32
        %dma_wait3A_465 = arith.constant 0 : i32
        %dma_wait3A_466 = arith.constant 0 : i32
        %dma_wait3A_467 = tpu.memref_slice %dma_wait3A_463[%dma_wait3A_464, %dma_wait3A_465, %dma_wait3A_466] : memref<8x8x129xf32, #tpu.memory_space<vmem>> -> memref<8x8x128xf32, #tpu.memory_space<vmem>>
        %dma_wait3A_468 = arith.constant 0 : i32
        %dma_wait3A_469 = arith.constant 0 : i32
        %dma_wait3A_470 = arith.constant 0 : i32
        %dma_wait3A_471 = tpu.memref_slice %arg4[%sub3A_456, %dma_wait3A_468, %add3A, %dma_wait3A_469, %dma_wait3A_470] : memref<200x8x32x8x128xf32, #tpu.memory_space<hbm>> -> memref<1x8x1x8x128xf32, #tpu.memory_space<hbm>>
        %dma_wait3A_472 = tpu.memref_squeeze %dma_wait3A_471 : memref<1x8x1x8x128xf32, #tpu.memory_space<hbm>> -> memref<8x8x128xf32, #tpu.memory_space<hbm>>
        %dma_wait3A_473 = tpu.memref_slice %arg10[%dma_wait3A_458] : memref<4x!tpu.dma_semaphore, #tpu.memory_space<semaphore_mem>> -> memref<1x!tpu.dma_semaphore, #tpu.memory_space<semaphore_mem>>
        %dma_wait3A_474 = tpu.memref_squeeze %dma_wait3A_473 : memref<1x!tpu.dma_semaphore, #tpu.memory_space<semaphore_mem>> -> memref<!tpu.dma_semaphore, #tpu.memory_space<semaphore_mem>>
        %dma_wait3A_475 = arith.constant 0 : i32
        %dma_wait3A_476 = arith.constant 0 : i32
        %dma_wait3A_477 = arith.constant 0 : i32
        %dma_wait3A_478 = tpu.memref_slice %arg4[%sub3A_456, %dma_wait3A_475, %add3A, %dma_wait3A_476, %dma_wait3A_477] : memref<200x8x32x8x128xf32, #tpu.memory_space<hbm>> -> memref<1x8x1x8x128xf32, #tpu.memory_space<hbm>>
        %dma_wait3A_479 = tpu.memref_squeeze %dma_wait3A_478 : memref<1x8x1x8x128xf32, #tpu.memory_space<hbm>> -> memref<8x8x128xf32, #tpu.memory_space<hbm>>
        %dma_wait3A_480 = arith.constant 0 : i32
        %dma_wait3A_481 = arith.constant 0 : i32
        %dma_wait3A_482 = arith.constant 0 : i32
        %dma_wait3A_483 = tpu.memref_slice %arg8[%dma_wait3A_457, %dma_wait3A_480, %dma_wait3A_481, %dma_wait3A_482] : memref<4x8x8x129xf32, #tpu.memory_space<vmem>> -> memref<1x8x8x129xf32, #tpu.memory_space<vmem>>
        %dma_wait3A_484 = tpu.memref_squeeze %dma_wait3A_483 : memref<1x8x8x129xf32, #tpu.memory_space<vmem>> -> memref<8x8x129xf32, #tpu.memory_space<vmem>>
        %dma_wait3A_485 = arith.constant 0 : i32
        %dma_wait3A_486 = arith.constant 0 : i32
        %dma_wait3A_487 = arith.constant 0 : i32
        %dma_wait3A_488 = tpu.memref_slice %dma_wait3A_484[%dma_wait3A_485, %dma_wait3A_486, %dma_wait3A_487] : memref<8x8x129xf32, #tpu.memory_space<vmem>> -> memref<8x8x128xf32, #tpu.memory_space<vmem>>
        tpu.wait_dma2 semaphore(%dma_wait3A_474 : memref<!tpu.dma_semaphore, #tpu.memory_space<semaphore_mem>>) src(%dma_wait3A_488 : memref<8x8x128xf32, #tpu.memory_space<vmem>>) dst(%dma_wait3A_479 : memref<8x8x128xf32, #tpu.memory_space<hbm>>)
      } else {
      }
      %add3A_411 = arith.constant 4 : i32
      %add3A_412 = arith.addi %add3A_387, %add3A_411 : i32
      %sub3A_413 = arith.constant 1 : i32
      %sub3A_414 = arith.subi %add3A_412, %sub3A_413 : i32
      %lt3A_415 = arith.constant 200 : i32
      %lt3A_416 = arith.cmpi slt, %sub3A_414, %lt3A_415 : i32
      %convert_element_type3A_417 = arith.extui %lt3A_416 : i1 to i32
      %cond3A_418 = arith.constant 0 : i32
      %cond3A_419 = arith.cmpi ne, %convert_element_type3A_417, %cond3A_418 : i32
      scf.if %cond3A_419 {
        %add3A_455 = arith.constant 4 : i32
        %add3A_456 = arith.addi %add3A_387, %add3A_455 : i32
        %sub3A_457 = arith.constant 1 : i32
        %sub3A_458 = arith.subi %add3A_456, %sub3A_457 : i32
        %mul3A_459 = arith.constant 128 : i32
        %mul3A_460 = arith.muli %sub3A_458, %mul3A_459 : i32
        %dma_start3A_461 = arith.constant 2 : i32
        %dma_start3A_462 = arith.constant 2 : i32
        %dma_start3A_463 = arith.constant 0 : i32
        %dma_start3A_464 = arith.constant 0 : i32
        %dma_start3A_465 = tpu.memref_slice %arg7[%dma_start3A_461, %dma_start3A_463, %dma_start3A_464] : memref<4x128x64xf32, #tpu.memory_space<vmem>> -> memref<1x128x64xf32, #tpu.memory_space<vmem>>
        %dma_start3A_466 = tpu.memref_squeeze %dma_start3A_465 : memref<1x128x64xf32, #tpu.memory_space<vmem>> -> memref<128x64xf32, #tpu.memory_space<vmem>>
        %dma_start3A_467 = tpu.memref_slice %arg6[%mul3A_460] : memref<25600xi32, #tpu.memory_space<vmem>> -> memref<128xi32, #tpu.memory_space<vmem>>
        %dma_start3A_468 = arith.constant 0 : i32
        %dma_start3A_469 = arith.constant 0 : i32
        %dma_start3A_470 = tpu.memref_slice %arg3[%scan3A_104, %dma_start3A_468, %dma_start3A_469] : memref<4x250000x64xf32, #tpu.memory_space<hbm>> -> memref<1x250000x64xf32, #tpu.memory_space<hbm>>
        %dma_start3A_471 = tpu.memref_squeeze %dma_start3A_470 : memref<1x250000x64xf32, #tpu.memory_space<hbm>> -> memref<250000x64xf32, #tpu.memory_space<hbm>>
        %dma_start3A_472 = arith.constant 0 : i32
        %dma_start3A_473 = arith.constant 0 : i32
        %dma_start3A_474 = tpu.memref_slice %dma_start3A_471[%dma_start3A_472, %dma_start3A_473] : memref<250000x64xf32, #tpu.memory_space<hbm>> -> memref<250000x64xf32, #tpu.memory_space<hbm>>
        %dma_start3A_475 = tpu.memref_slice %arg9[%dma_start3A_462] : memref<4x!tpu.dma_semaphore, #tpu.memory_space<semaphore_mem>> -> memref<1x!tpu.dma_semaphore, #tpu.memory_space<semaphore_mem>>
        %dma_start3A_476 = tpu.memref_squeeze %dma_start3A_475 : memref<1x!tpu.dma_semaphore, #tpu.memory_space<semaphore_mem>> -> memref<!tpu.dma_semaphore, #tpu.memory_space<semaphore_mem>>
        tpu.enqueue_indirect_dma source(%dma_start3A_474 : memref<250000x64xf32, #tpu.memory_space<hbm>>) target(%dma_start3A_466 : memref<128x64xf32, #tpu.memory_space<vmem>>) offsets(%dma_start3A_467 : memref<128xi32, #tpu.memory_space<vmem>>) semaphore(%dma_start3A_476 : memref<!tpu.dma_semaphore, #tpu.memory_space<semaphore_mem>>)
      } else {
      }
      %parallel_loop3A_420 = arith.constant 0 : i32
      %parallel_loop3A_421 = arith.constant 128 : i32
      %parallel_loop3A_422 = arith.constant 1 : i32
      scf.for %parallel_loop3A_455 = %parallel_loop3A_420 to %parallel_loop3A_421 step %parallel_loop3A_422  : i32 {
        %parallel_loop3A_456 = vector.broadcast %parallel_loop3A_455 : i32 to vector<16xi32>
        %parallel_loop3A_457 = arith.constant 3 : i32
        %parallel_loop3A_458 = arith.constant 0 : i32
        %parallel_loop3A_459 = arith.constant 0 : i32
        %parallel_loop3A_460 = tpu.memref_slice %arg7[%parallel_loop3A_457, %parallel_loop3A_458, %parallel_loop3A_459] : memref<4x128x64xf32, #tpu.memory_space<vmem>> -> memref<1x128x64xf32, #tpu.memory_space<vmem>>
        %parallel_loop3A_461 = tpu.memref_squeeze %parallel_loop3A_460 : memref<1x128x64xf32, #tpu.memory_space<vmem>> -> memref<128x64xf32, #tpu.memory_space<vmem>>
        %parallel_loop3A_462 = arith.index_cast %parallel_loop3A_455 : i32 to index
        %parallel_loop3A_463 = arith.constant 0 : index
        %parallel_loop3A_464 = tpu.vector_load %parallel_loop3A_461[%parallel_loop3A_462, %parallel_loop3A_463] {strides = array<i32>} : memref<128x64xf32, #tpu.memory_space<vmem>>, vector<16xf32>,
        %parallel_loop3A_465 = arith.constant 3 : i32
        %parallel_loop3A_466 = arith.constant 0 : i32
        %parallel_loop3A_467 = arith.constant 0 : i32
        %parallel_loop3A_468 = arith.constant 0 : i32
        %parallel_loop3A_469 = tpu.memref_slice %arg8[%parallel_loop3A_465, %parallel_loop3A_466, %parallel_loop3A_467, %parallel_loop3A_468] : memref<4x8x8x129xf32, #tpu.memory_space<vmem>> -> memref<1x8x8x129xf32, #tpu.memory_space<vmem>>
        %parallel_loop3A_470 = tpu.memref_squeeze %parallel_loop3A_469 : memref<1x8x8x129xf32, #tpu.memory_space<vmem>> -> memref<8x8x129xf32, #tpu.memory_space<vmem>>
        tpu.vector_store_idx %parallel_loop3A_470[%shift_right_arithmetic3A_9, %and3A_14, %parallel_loop3A_456], %parallel_loop3A_464 : memref<8x8x129xf32, #tpu.memory_space<vmem>>[vector<16xi32>, vector<16xi32>, vector<16xi32>], vector<16xf32>,
        %parallel_loop3A_471 = arith.constant 3 : i32
        %parallel_loop3A_472 = arith.constant 0 : i32
        %parallel_loop3A_473 = arith.constant 0 : i32
        %parallel_loop3A_474 = tpu.memref_slice %arg7[%parallel_loop3A_471, %parallel_loop3A_472, %parallel_loop3A_473] : memref<4x128x64xf32, #tpu.memory_space<vmem>> -> memref<1x128x64xf32, #tpu.memory_space<vmem>>
        %parallel_loop3A_475 = tpu.memref_squeeze %parallel_loop3A_474 : memref<1x128x64xf32, #tpu.memory_space<vmem>> -> memref<128x64xf32, #tpu.memory_space<vmem>>
        %parallel_loop3A_476 = arith.index_cast %parallel_loop3A_455 : i32 to index
        %parallel_loop3A_477 = arith.constant 16 : index
        %parallel_loop3A_478 = tpu.vector_load %parallel_loop3A_475[%parallel_loop3A_476, %parallel_loop3A_477] {strides = array<i32>} : memref<128x64xf32, #tpu.memory_space<vmem>>, vector<16xf32>,
        %parallel_loop3A_479 = arith.constant 3 : i32
        %parallel_loop3A_480 = arith.constant 0 : i32
        %parallel_loop3A_481 = arith.constant 0 : i32
        %parallel_loop3A_482 = arith.constant 0 : i32
        %parallel_loop3A_483 = tpu.memref_slice %arg8[%parallel_loop3A_479, %parallel_loop3A_480, %parallel_loop3A_481, %parallel_loop3A_482] : memref<4x8x8x129xf32, #tpu.memory_space<vmem>> -> memref<1x8x8x129xf32, #tpu.memory_space<vmem>>
        %parallel_loop3A_484 = tpu.memref_squeeze %parallel_loop3A_483 : memref<1x8x8x129xf32, #tpu.memory_space<vmem>> -> memref<8x8x129xf32, #tpu.memory_space<vmem>>
        tpu.vector_store_idx %parallel_loop3A_484[%shift_right_arithmetic3A_20, %and3A_26, %parallel_loop3A_456], %parallel_loop3A_478 : memref<8x8x129xf32, #tpu.memory_space<vmem>>[vector<16xi32>, vector<16xi32>, vector<16xi32>], vector<16xf32>,
        %parallel_loop3A_485 = arith.constant 3 : i32
        %parallel_loop3A_486 = arith.constant 0 : i32
        %parallel_loop3A_487 = arith.constant 0 : i32
        %parallel_loop3A_488 = tpu.memref_slice %arg7[%parallel_loop3A_485, %parallel_loop3A_486, %parallel_loop3A_487] : memref<4x128x64xf32, #tpu.memory_space<vmem>> -> memref<1x128x64xf32, #tpu.memory_space<vmem>>
        %parallel_loop3A_489 = tpu.memref_squeeze %parallel_loop3A_488 : memref<1x128x64xf32, #tpu.memory_space<vmem>> -> memref<128x64xf32, #tpu.memory_space<vmem>>
        %parallel_loop3A_490 = arith.index_cast %parallel_loop3A_455 : i32 to index
        %parallel_loop3A_491 = arith.constant 32 : index
        %parallel_loop3A_492 = tpu.vector_load %parallel_loop3A_489[%parallel_loop3A_490, %parallel_loop3A_491] {strides = array<i32>} : memref<128x64xf32, #tpu.memory_space<vmem>>, vector<16xf32>,
        %parallel_loop3A_493 = arith.constant 3 : i32
        %parallel_loop3A_494 = arith.constant 0 : i32
        %parallel_loop3A_495 = arith.constant 0 : i32
        %parallel_loop3A_496 = arith.constant 0 : i32
        %parallel_loop3A_497 = tpu.memref_slice %arg8[%parallel_loop3A_493, %parallel_loop3A_494, %parallel_loop3A_495, %parallel_loop3A_496] : memref<4x8x8x129xf32, #tpu.memory_space<vmem>> -> memref<1x8x8x129xf32, #tpu.memory_space<vmem>>
        %parallel_loop3A_498 = tpu.memref_squeeze %parallel_loop3A_497 : memref<1x8x8x129xf32, #tpu.memory_space<vmem>> -> memref<8x8x129xf32, #tpu.memory_space<vmem>>
        tpu.vector_store_idx %parallel_loop3A_498[%shift_right_arithmetic3A_32, %and3A_38, %parallel_loop3A_456], %parallel_loop3A_492 : memref<8x8x129xf32, #tpu.memory_space<vmem>>[vector<16xi32>, vector<16xi32>, vector<16xi32>], vector<16xf32>,
        %parallel_loop3A_499 = arith.constant 3 : i32
        %parallel_loop3A_500 = arith.constant 0 : i32
        %parallel_loop3A_501 = arith.constant 0 : i32
        %parallel_loop3A_502 = tpu.memref_slice %arg7[%parallel_loop3A_499, %parallel_loop3A_500, %parallel_loop3A_501] : memref<4x128x64xf32, #tpu.memory_space<vmem>> -> memref<1x128x64xf32, #tpu.memory_space<vmem>>
        %parallel_loop3A_503 = tpu.memref_squeeze %parallel_loop3A_502 : memref<1x128x64xf32, #tpu.memory_space<vmem>> -> memref<128x64xf32, #tpu.memory_space<vmem>>
        %parallel_loop3A_504 = arith.index_cast %parallel_loop3A_455 : i32 to index
        %parallel_loop3A_505 = arith.constant 48 : index
        %parallel_loop3A_506 = tpu.vector_load %parallel_loop3A_503[%parallel_loop3A_504, %parallel_loop3A_505] {strides = array<i32>} : memref<128x64xf32, #tpu.memory_space<vmem>>, vector<16xf32>,
        %parallel_loop3A_507 = arith.constant 3 : i32
        %parallel_loop3A_508 = arith.constant 0 : i32
        %parallel_loop3A_509 = arith.constant 0 : i32
        %parallel_loop3A_510 = arith.constant 0 : i32
        %parallel_loop3A_511 = tpu.memref_slice %arg8[%parallel_loop3A_507, %parallel_loop3A_508, %parallel_loop3A_509, %parallel_loop3A_510] : memref<4x8x8x129xf32, #tpu.memory_space<vmem>> -> memref<1x8x8x129xf32, #tpu.memory_space<vmem>>
        %parallel_loop3A_512 = tpu.memref_squeeze %parallel_loop3A_511 : memref<1x8x8x129xf32, #tpu.memory_space<vmem>> -> memref<8x8x129xf32, #tpu.memory_space<vmem>>
        tpu.vector_store_idx %parallel_loop3A_512[%shift_right_arithmetic3A_44, %and3A_50, %parallel_loop3A_456], %parallel_loop3A_506 : memref<8x8x129xf32, #tpu.memory_space<vmem>>[vector<16xi32>, vector<16xi32>, vector<16xi32>], vector<16xf32>,
      } {sc.loop_unroll_factor = 8 : i64, sc.parallel_access}
      %dma_start3A_423 = arith.constant 3 : i32
      %dma_start3A_424 = arith.constant 3 : i32
      %dma_start3A_425 = arith.constant 0 : i32
      %dma_start3A_426 = arith.constant 0 : i32
      %dma_start3A_427 = arith.constant 0 : i32
      %dma_start3A_428 = tpu.memref_slice %arg8[%dma_start3A_423, %dma_start3A_425, %dma_start3A_426, %dma_start3A_427] : memref<4x8x8x129xf32, #tpu.memory_space<vmem>> -> memref<1x8x8x129xf32, #tpu.memory_space<vmem>>
      %dma_start3A_429 = tpu.memref_squeeze %dma_start3A_428 : memref<1x8x8x129xf32, #tpu.memory_space<vmem>> -> memref<8x8x129xf32, #tpu.memory_space<vmem>>
      %dma_start3A_430 = arith.constant 0 : i32
      %dma_start3A_431 = arith.constant 0 : i32
      %dma_start3A_432 = arith.constant 0 : i32
      %dma_start3A_433 = tpu.memref_slice %dma_start3A_429[%dma_start3A_430, %dma_start3A_431, %dma_start3A_432] : memref<8x8x129xf32, #tpu.memory_space<vmem>> -> memref<8x8x128xf32, #tpu.memory_space<vmem>>
      %dma_start3A_434 = arith.constant 0 : i32
      %dma_start3A_435 = arith.constant 0 : i32
      %dma_start3A_436 = arith.constant 0 : i32
      %dma_start3A_437 = tpu.memref_slice %arg4[%add3A_387, %dma_start3A_434, %add3A, %dma_start3A_435, %dma_start3A_436] : memref<200x8x32x8x128xf32, #tpu.memory_space<hbm>> -> memref<1x8x1x8x128xf32, #tpu.memory_space<hbm>>
      %dma_start3A_438 = tpu.memref_squeeze %dma_start3A_437 : memref<1x8x1x8x128xf32, #tpu.memory_space<hbm>> -> memref<8x8x128xf32, #tpu.memory_space<hbm>>
      %dma_start3A_439 = tpu.memref_slice %arg10[%dma_start3A_424] : memref<4x!tpu.dma_semaphore, #tpu.memory_space<semaphore_mem>> -> memref<1x!tpu.dma_semaphore, #tpu.memory_space<semaphore_mem>>
      %dma_start3A_440 = tpu.memref_squeeze %dma_start3A_439 : memref<1x!tpu.dma_semaphore, #tpu.memory_space<semaphore_mem>> -> memref<!tpu.dma_semaphore, #tpu.memory_space<semaphore_mem>>
      %dma_start3A_441 = arith.constant 0 : i32
      %dma_start3A_442 = arith.constant 0 : i32
      %dma_start3A_443 = arith.constant 0 : i32
      %dma_start3A_444 = tpu.memref_slice %arg4[%add3A_387, %dma_start3A_441, %add3A, %dma_start3A_442, %dma_start3A_443] : memref<200x8x32x8x128xf32, #tpu.memory_space<hbm>> -> memref<1x8x1x8x128xf32, #tpu.memory_space<hbm>>
      %dma_start3A_445 = tpu.memref_squeeze %dma_start3A_444 : memref<1x8x1x8x128xf32, #tpu.memory_space<hbm>> -> memref<8x8x128xf32, #tpu.memory_space<hbm>>
      %dma_start3A_446 = arith.constant 0 : i32
      %dma_start3A_447 = arith.constant 0 : i32
      %dma_start3A_448 = arith.constant 0 : i32
      %dma_start3A_449 = tpu.memref_slice %arg8[%dma_start3A_423, %dma_start3A_446, %dma_start3A_447, %dma_start3A_448] : memref<4x8x8x129xf32, #tpu.memory_space<vmem>> -> memref<1x8x8x129xf32, #tpu.memory_space<vmem>>
      %dma_start3A_450 = tpu.memref_squeeze %dma_start3A_449 : memref<1x8x8x129xf32, #tpu.memory_space<vmem>> -> memref<8x8x129xf32, #tpu.memory_space<vmem>>
      %dma_start3A_451 = arith.constant 0 : i32
      %dma_start3A_452 = arith.constant 0 : i32
      %dma_start3A_453 = arith.constant 0 : i32
      %dma_start3A_454 = tpu.memref_slice %dma_start3A_450[%dma_start3A_451, %dma_start3A_452, %dma_start3A_453] : memref<8x8x129xf32, #tpu.memory_space<vmem>> -> memref<8x8x128xf32, #tpu.memory_space<vmem>>
      tpu.enqueue_dma source(%dma_start3A_454 : memref<8x8x128xf32, #tpu.memory_space<vmem>>) target(%dma_start3A_445 : memref<8x8x128xf32, #tpu.memory_space<hbm>>) target_semaphore(%dma_start3A_440 : memref<!tpu.dma_semaphore, #tpu.memory_space<semaphore_mem>>)
    }
    %scan3A_109 = arith.constant 50 : i32
    %dma_wait3A = arith.constant 2 : i32
    %dma_wait3A_110 = arith.constant 198 : i32
    %dma_wait3A_111 = arith.constant 2 : i32
    %dma_wait3A_112 = arith.constant 0 : i32
    %dma_wait3A_113 = arith.constant 0 : i32
    %dma_wait3A_114 = arith.constant 0 : i32
    %dma_wait3A_115 = tpu.memref_slice %arg8[%dma_wait3A, %dma_wait3A_112, %dma_wait3A_113, %dma_wait3A_114] : memref<4x8x8x129xf32, #tpu.memory_space<vmem>> -> memref<1x8x8x129xf32, #tpu.memory_space<vmem>>
    %dma_wait3A_116 = tpu.memref_squeeze %dma_wait3A_115 : memref<1x8x8x129xf32, #tpu.memory_space<vmem>> -> memref<8x8x129xf32, #tpu.memory_space<vmem>>
    %dma_wait3A_117 = arith.constant 0 : i32
    %dma_wait3A_118 = arith.constant 0 : i32
    %dma_wait3A_119 = arith.constant 0 : i32
    %dma_wait3A_120 = tpu.memref_slice %dma_wait3A_116[%dma_wait3A_117, %dma_wait3A_118, %dma_wait3A_119] : memref<8x8x129xf32, #tpu.memory_space<vmem>> -> memref<8x8x128xf32, #tpu.memory_space<vmem>>
    %dma_wait3A_121 = arith.constant 0 : i32
    %dma_wait3A_122 = arith.constant 0 : i32
    %dma_wait3A_123 = arith.constant 0 : i32
    %dma_wait3A_124 = tpu.memref_slice %arg4[%dma_wait3A_110, %dma_wait3A_121, %add3A, %dma_wait3A_122, %dma_wait3A_123] : memref<200x8x32x8x128xf32, #tpu.memory_space<hbm>> -> memref<1x8x1x8x128xf32, #tpu.memory_space<hbm>>
    %dma_wait3A_125 = tpu.memref_squeeze %dma_wait3A_124 : memref<1x8x1x8x128xf32, #tpu.memory_space<hbm>> -> memref<8x8x128xf32, #tpu.memory_space<hbm>>
    %dma_wait3A_126 = tpu.memref_slice %arg10[%dma_wait3A_111] : memref<4x!tpu.dma_semaphore, #tpu.memory_space<semaphore_mem>> -> memref<1x!tpu.dma_semaphore, #tpu.memory_space<semaphore_mem>>
    %dma_wait3A_127 = tpu.memref_squeeze %dma_wait3A_126 : memref<1x!tpu.dma_semaphore, #tpu.memory_space<semaphore_mem>> -> memref<!tpu.dma_semaphore, #tpu.memory_space<semaphore_mem>>
    %dma_wait3A_128 = arith.constant 0 : i32
    %dma_wait3A_129 = arith.constant 0 : i32
    %dma_wait3A_130 = arith.constant 0 : i32
    %dma_wait3A_131 = tpu.memref_slice %arg4[%dma_wait3A_110, %dma_wait3A_128, %add3A, %dma_wait3A_129, %dma_wait3A_130] : memref<200x8x32x8x128xf32, #tpu.memory_space<hbm>> -> memref<1x8x1x8x128xf32, #tpu.memory_space<hbm>>
    %dma_wait3A_132 = tpu.memref_squeeze %dma_wait3A_131 : memref<1x8x1x8x128xf32, #tpu.memory_space<hbm>> -> memref<8x8x128xf32, #tpu.memory_space<hbm>>
    %dma_wait3A_133 = arith.constant 0 : i32
    %dma_wait3A_134 = arith.constant 0 : i32
    %dma_wait3A_135 = arith.constant 0 : i32
    %dma_wait3A_136 = tpu.memref_slice %arg8[%dma_wait3A, %dma_wait3A_133, %dma_wait3A_134, %dma_wait3A_135] : memref<4x8x8x129xf32, #tpu.memory_space<vmem>> -> memref<1x8x8x129xf32, #tpu.memory_space<vmem>>
    %dma_wait3A_137 = tpu.memref_squeeze %dma_wait3A_136 : memref<1x8x8x129xf32, #tpu.memory_space<vmem>> -> memref<8x8x129xf32, #tpu.memory_space<vmem>>
    %dma_wait3A_138 = arith.constant 0 : i32
    %dma_wait3A_139 = arith.constant 0 : i32
    %dma_wait3A_140 = arith.constant 0 : i32
    %dma_wait3A_141 = tpu.memref_slice %dma_wait3A_137[%dma_wait3A_138, %dma_wait3A_139, %dma_wait3A_140] : memref<8x8x129xf32, #tpu.memory_space<vmem>> -> memref<8x8x128xf32, #tpu.memory_space<vmem>>
    tpu.wait_dma2 semaphore(%dma_wait3A_127 : memref<!tpu.dma_semaphore, #tpu.memory_space<semaphore_mem>>) src(%dma_wait3A_141 : memref<8x8x128xf32, #tpu.memory_space<vmem>>) dst(%dma_wait3A_132 : memref<8x8x128xf32, #tpu.memory_space<hbm>>)
    %dma_wait3A_142 = arith.constant 3 : i32
    %dma_wait3A_143 = arith.constant 199 : i32
    %dma_wait3A_144 = arith.constant 3 : i32
    %dma_wait3A_145 = arith.constant 0 : i32
    %dma_wait3A_146 = arith.constant 0 : i32
    %dma_wait3A_147 = arith.constant 0 : i32
    %dma_wait3A_148 = tpu.memref_slice %arg8[%dma_wait3A_142, %dma_wait3A_145, %dma_wait3A_146, %dma_wait3A_147] : memref<4x8x8x129xf32, #tpu.memory_space<vmem>> -> memref<1x8x8x129xf32, #tpu.memory_space<vmem>>
    %dma_wait3A_149 = tpu.memref_squeeze %dma_wait3A_148 : memref<1x8x8x129xf32, #tpu.memory_space<vmem>> -> memref<8x8x129xf32, #tpu.memory_space<vmem>>
    %dma_wait3A_150 = arith.constant 0 : i32
    %dma_wait3A_151 = arith.constant 0 : i32
    %dma_wait3A_152 = arith.constant 0 : i32
    %dma_wait3A_153 = tpu.memref_slice %dma_wait3A_149[%dma_wait3A_150, %dma_wait3A_151, %dma_wait3A_152] : memref<8x8x129xf32, #tpu.memory_space<vmem>> -> memref<8x8x128xf32, #tpu.memory_space<vmem>>
    %dma_wait3A_154 = arith.constant 0 : i32
    %dma_wait3A_155 = arith.constant 0 : i32
    %dma_wait3A_156 = arith.constant 0 : i32
    %dma_wait3A_157 = tpu.memref_slice %arg4[%dma_wait3A_143, %dma_wait3A_154, %add3A, %dma_wait3A_155, %dma_wait3A_156] : memref<200x8x32x8x128xf32, #tpu.memory_space<hbm>> -> memref<1x8x1x8x128xf32, #tpu.memory_space<hbm>>
    %dma_wait3A_158 = tpu.memref_squeeze %dma_wait3A_157 : memref<1x8x1x8x128xf32, #tpu.memory_space<hbm>> -> memref<8x8x128xf32, #tpu.memory_space<hbm>>
    %dma_wait3A_159 = tpu.memref_slice %arg10[%dma_wait3A_144] : memref<4x!tpu.dma_semaphore, #tpu.memory_space<semaphore_mem>> -> memref<1x!tpu.dma_semaphore, #tpu.memory_space<semaphore_mem>>
    %dma_wait3A_160 = tpu.memref_squeeze %dma_wait3A_159 : memref<1x!tpu.dma_semaphore, #tpu.memory_space<semaphore_mem>> -> memref<!tpu.dma_semaphore, #tpu.memory_space<semaphore_mem>>
    %dma_wait3A_161 = arith.constant 0 : i32
    %dma_wait3A_162 = arith.constant 0 : i32
    %dma_wait3A_163 = arith.constant 0 : i32
    %dma_wait3A_164 = tpu.memref_slice %arg4[%dma_wait3A_143, %dma_wait3A_161, %add3A, %dma_wait3A_162, %dma_wait3A_163] : memref<200x8x32x8x128xf32, #tpu.memory_space<hbm>> -> memref<1x8x1x8x128xf32, #tpu.memory_space<hbm>>
    %dma_wait3A_165 = tpu.memref_squeeze %dma_wait3A_164 : memref<1x8x1x8x128xf32, #tpu.memory_space<hbm>> -> memref<8x8x128xf32, #tpu.memory_space<hbm>>
    %dma_wait3A_166 = arith.constant 0 : i32
    %dma_wait3A_167 = arith.constant 0 : i32
    %dma_wait3A_168 = arith.constant 0 : i32
    %dma_wait3A_169 = tpu.memref_slice %arg8[%dma_wait3A_142, %dma_wait3A_166, %dma_wait3A_167, %dma_wait3A_168] : memref<4x8x8x129xf32, #tpu.memory_space<vmem>> -> memref<1x8x8x129xf32, #tpu.memory_space<vmem>>
    %dma_wait3A_170 = tpu.memref_squeeze %dma_wait3A_169 : memref<1x8x8x129xf32, #tpu.memory_space<vmem>> -> memref<8x8x129xf32, #tpu.memory_space<vmem>>
    %dma_wait3A_171 = arith.constant 0 : i32
    %dma_wait3A_172 = arith.constant 0 : i32
    %dma_wait3A_173 = arith.constant 0 : i32
    %dma_wait3A_174 = tpu.memref_slice %dma_wait3A_170[%dma_wait3A_171, %dma_wait3A_172, %dma_wait3A_173] : memref<8x8x129xf32, #tpu.memory_space<vmem>> -> memref<8x8x128xf32, #tpu.memory_space<vmem>>
    tpu.wait_dma2 semaphore(%dma_wait3A_160 : memref<!tpu.dma_semaphore, #tpu.memory_space<semaphore_mem>>) src(%dma_wait3A_174 : memref<8x8x128xf32, #tpu.memory_space<vmem>>) dst(%dma_wait3A_165 : memref<8x8x128xf32, #tpu.memory_space<hbm>>)
    return
  }
}

</mosaic_0001>

<sc_bundles>
// kernel: kernel.3.cloned.1.call-start
scs
__scs_entry_jumppad:
0x0: {  	(pc) =	sbr.rel $0x88, $3  }
0x1: {  	(tag) =	ssettag $0x0;
	lr =	simm.s32 $0x1  }
0x2: {  	[smem:$0x3F9F] =	sst lr;
	_ =	strace $0xD0000000  }
0x3: {  	_ = 	snop  }
0x4: {  	_ = 	snop  }
0x5: {  	_ = 	snop  }
0x6: {  	_ = 	snop  }
0x7: {  	_ = 	snop  }
__scs_overlays_trampoline_lowered:
0x8: {  	[smem:$0x3FAE] =	sst s0  }
0x9: {  	[smem:$0x3FAF] =	sst s1  }
0xa: {  	[smem:$0x3FB0] =	sst s2  }
0xb: {  	[smem:$0x3FB1] =	sst s3  }
0xc: {  	[smem:$0x3FB2] =	sst s4  }
0xd: {  	[smem:$0x3FB3] =	sst s5  }
0xe: {  	[smem:$0x3FB4] =	sst s6  }
0xf: {  	[smem:$0x3FB5] =	sst s7  }
0x10: {  	[smem:$0x3FB6] =	sst s8  }
0x11: {  	[smem:$0x3FB7] =	sst s9;
	s0 =	simm.s32 @!p0 $0x0  }
0x12: {  	s1 =	sld [smem:$0x3F9D];
	s0 =	simm.s32 @p0 $0x1  }
0x13: {  	[smem:$0x3FB8] =	sst s0;
	s0 =	simm.s32 @!p1 $0x0  }
0x14: {  	s2 =	sld [smem:$0x3F9C];
	s0 =	simm.s32 @p1 $0x1  }
0x15: {  	[smem:$0x3FB9] =	sst s0;
	s0 =	simm.s32 @!p2 $0x0  }
0x16: {  	s3 =	sld [smem:$0x3FDB];
	s0 =	simm.s32 @p2 $0x1  }
0x17: {  	s4 =	simm.s32 $0x1BF5;
	[smem:$0x3FBB] =	sst s0  }
0x18: {  	s0 =	sld [smem:$0x3F9E];
	_ =	swait.ge [sflag:s4], $0x0  }
0x19: {  	s7 =	sld [smem:$0x3F9F]  }
0x1a: {  	s8 =	sadd.s32 $0xFFFFE003, lr  }
0x1b: {  	s9 =	sadd.s32 $0xFFFFFEF7, lr;
	s5 =	simm.s32 $0xFFFFFFFF;
	p2 =	slt.u32 s8, $0xFFFFF086  }
0x1c: {  	p1 =	slt.u32 s9, $0xF7A;
	s5 =	simm.s32 @!p2 $0x0  }
0x1d: {  	s5 =	simm.s32 @p1 $0x1;
	p0 =	seq.s32 s7, s2  }
0x1e: {  	s7 =	smul.u32 @!p0 $0xF7A, s2;
	p2 =	seq.s32 @!p0 s5, $0x0  }
0x1f: {  	s9 =	smul.u32 $0xF7A, s1;
	s8 =	simm.s32 @!p0 $0x1BF5;
	p2 =	por !p2, p0  }
0x20: {  	[sflag:s8] =	ssyncset.s32 @!p0 $0xFFFFF086;
	s6 =	sadd.s32 @!p0 s3, s7;
	s7 =	simm.s32 @!p0 $0x108  }
0x21: {  	s3 =	sadd.s32 s3, s9;
	s6 =	sadd.s32 @!p0 $0x88, s6;
	s7 =	simm.s32 @p2 $0x1082  }
0x22: {  	[simem:s7], [sflag:s8] =	dma.local @!p0 [hbm:s6], $0xF7A  }
0x23: {  	s9 =	sor.u32 $0xD0000000, s2;
	s6 =	simm.s32 $0x108;
	_ =	swait.ge @!p0 [sflag:s8], $0x0  }
0x24: {  	s3 =	sadd.s32 $0x88, s3;
	s6 =	simm.s32 @!p1 $0x1082;
	[sflag:s4] =	ssyncset.s32 $0xFFFFF086  }
0x25: {  	[simem:s6], [sflag:s4] =	dma.local [hbm:s3], $0xF7A  }
0x26: {  	[smem:$0x3F9F] =	sst s1;
	(tag) =	ssettag s2;
	_ =	strace s9  }
0x27: {  	s1 =	sld [smem:$0x3FAF]  }
0x28: {  	s2 =	sld [smem:$0x3FB0]  }
0x29: {  	s4 =	sld [smem:$0x3FB2]  }
0x2a: {  	p0 =	seq.s32 s5, $0x0;
	s5 =	sld [smem:$0x3FB3]  }
0x2b: {  	s6 =	sld [smem:$0x3FB4]  }
0x2c: {  	s7 =	sld [smem:$0x3FB5]  }
0x2d: {  	s3 =	simm.s32 $0x108;
	s8 =	sld [smem:$0x3FB6]  }
0x2e: {  	s3 =	simm.s32 @!p0 $0x1082;
	s9 =	sld [smem:$0x3FB7]  }
0x2f: {  	lr =	sadd.s32 s0, s3;
	s0 =	sld [smem:$0x3FAE]  }
0x30: {  	s3 =	sld [smem:$0x3FB1]  }
0x31: {  	[smem:$0x3FBA] =	sst s10  }
0x32: {  	s10 =	sld [smem:$0x3FB8];
	_ =	sdelay $0x3  }
0x33: {  	p0 =	seq.s32 s10, $0x1;
	s10 =	sld [smem:$0x3FBA];
	_ =	sdelay $0x3  }
0x34: {  	[smem:$0x3FBA] =	sst s10  }
0x35: {  	s10 =	sld [smem:$0x3FB9];
	_ =	sdelay $0x3  }
0x36: {  	p1 =	seq.s32 s10, $0x1;
	s10 =	sld [smem:$0x3FBA];
	_ =	sdelay $0x3  }
0x37: {  	[smem:$0x3FBA] =	sst s10  }
0x38: {  	s10 =	sld [smem:$0x3FBB]  }
0x39: {  	_ = 	snop;
	(pc) =	sbr.ind lr, $3  }
0x3a: {  	_ = 	snop  }
0x3b: {  	_ = 	snop  }
0x3c: {  	p2 =	seq.s32 s10, $0x1;
	s10 =	sld [smem:$0x3FBA]  }
0x3d: {  	_ =	shalt  }
0x3e: {  	_ =	shalt  }
0x3f: {  	_ =	shalt  }
0x40: {  	_ =	shalt  }
0x41: {  	_ =	shalt  }
0x42: {  	_ =	shalt  }
0x43: {  	_ =	shalt  }
0x44: {  	_ =	shalt  }
0x45: {  	_ =	shalt  }
0x46: {  	_ =	shalt  }
0x47: {  	_ =	shalt  }
0x48: {  	_ =	shalt  }
0x49: {  	_ =	shalt  }
0x4a: {  	_ =	shalt  }
0x4b: {  	_ =	shalt  }
0x4c: {  	_ =	shalt  }
0x4d: {  	_ =	shalt  }
0x4e: {  	_ =	shalt  }
0x4f: {  	_ =	shalt  }
0x50: {  	_ =	shalt  }
0x51: {  	_ =	shalt  }
0x52: {  	_ =	shalt  }
0x53: {  	_ =	shalt  }
0x54: {  	_ =	shalt  }
0x55: {  	_ =	shalt  }
0x56: {  	_ =	shalt  }
0x57: {  	_ =	shalt  }
0x58: {  	_ =	shalt  }
0x59: {  	_ =	shalt  }
0x5a: {  	_ =	shalt  }
0x5b: {  	_ =	shalt  }
0x5c: {  	_ =	shalt  }
0x5d: {  	_ =	shalt  }
0x5e: {  	_ =	shalt  }
0x5f: {  	_ =	shalt  }
0x60: {  	_ =	shalt  }
0x61: {  	_ =	shalt  }
0x62: {  	_ =	shalt  }
0x63: {  	_ =	shalt  }
0x64: {  	_ =	shalt  }
0x65: {  	_ =	shalt  }
0x66: {  	_ =	shalt  }
0x67: {  	_ =	shalt  }
0x68: {  	_ =	shalt  }
0x69: {  	_ =	shalt  }
0x6a: {  	_ =	shalt  }
0x6b: {  	_ =	shalt  }
0x6c: {  	_ =	shalt  }
0x6d: {  	_ =	shalt  }
0x6e: {  	_ =	shalt  }
0x6f: {  	_ =	shalt  }
0x70: {  	_ =	shalt  }
0x71: {  	_ =	shalt  }
0x72: {  	_ =	shalt  }
0x73: {  	_ =	shalt  }
0x74: {  	_ =	shalt  }
0x75: {  	_ =	shalt  }
0x76: {  	_ =	shalt  }
0x77: {  	_ =	shalt  }
0x78: {  	_ =	shalt  }
0x79: {  	_ =	shalt  }
0x7a: {  	_ =	shalt  }
0x7b: {  	_ =	shalt  }
0x7c: {  	_ =	shalt  }
0x7d: {  	_ =	shalt  }
0x7e: {  	_ =	shalt  }
0x7f: {  	_ =	shalt  }
0x80: {  	_ =	shalt  }
0x81: {  	_ =	shalt  }
0x82: {  	_ =	shalt  }
0x83: {  	_ =	shalt  }
0x84: {  	_ =	shalt  }
0x85: {  	_ =	shalt  }
0x86: {  	_ =	shalt  }
0x87: {  	_ =	shalt  }
.Lfunc_end0:
.L_simem_size_0:
called_computation_lowered:
.L_overlay_start_0:
0x88: {  	s2 =	sld [smem:$0x3FD9]  }
0x89: {  	s3 =	sld [smem:$0x3FFE];
	_ =	sdelay $0x1  }
0x8a: {  	s1 =	srdreg.scid  }
0x8b: {  	s0 =	sand.u32 $0x1, s1  }
0x8c: {  	s17 =	sshll.u32 s0, $0xA;
	s2 =	sadd.s32 s3, s2  }
0x8d: {  	s2 =	sadd.s32 s2, s17  }
0x8e: {  	[smem:$0x3FC6] =	sst s2  }
0x8f: {  	_ = 	snop  }
0x90: {  	s2 =	sld [smem:$0x3FD0];
	(tm) =	ssettm $0x1  }
0x91: {  	s18 =	sld [smem:$0x3FFB];
	_ =	sdelay $0x3  }
0x92: {  	_ =	strace s18  }
0x93: {  	s3 =	sld [smem:$0x3FFC];
	_ =	sdelay $0x3  }
0x94: {  	_ =	strace s3  }
0x95: {  	s3 =	sld [smem:$0x3FFD];
	_ =	sdelay $0x3  }
0x96: {  	_ =	strace s3  }
0x97: {  	_ =	strace $0x8FFFFFFF  }
0x98: {  	s19 =	sld [smem:$0x3FDB];
	_ =	sdelay $0x1  }
0x99: {  	s4 =	simm.s32 $_scs_section_size  }
0x9a: {  	s5 =	simm.s32 $_size__tile_overlayer_lowered;
	s6 =	simm.s32 $_tile_overlayer_lowered  }
0x9b: {  	s22 =	simm.s32 $0x1BFF;
	s21 =	sshll.u32 s6, $0x1;
	s3 =	sadd.s32 s4, s19  }
0x9c: {  	s7 =	simm.s32 $0x0;
	s20 =	sshll.u32 s5, $0x1;
	s5 =	sadd.s32 s21, s3  }
0x9d: {  	[timem:s7], [sflag:s22] =	dma.local [hbm:s5], s20  }
0x9e: {  	_ =	swait.ge [sflag:s22], s20  }
0x9f: {  	s4 =	ssub.s32 $0x0, s20;
	[sflag:s22] =	ssyncset.done $0x0  }
0xa0: {  	[sflag:s22] =	ssyncadd.s32 s4;
	_ =	sdelay $0x1  }
0xa1: {  	s23 =	simm.s32 $0x1B8B  }
0xa2: {  	_ =	swait.ge [sflag:s23], $0x1  }
0xa3: {  	[sflag:s23] =	ssyncset.done $0x0  }
0xa4: {  	s25 =	simm.s32 $0x1B8E;
	s24 =	sld [smem:$0x3FFE];
	[sflag:s23] =	ssyncadd.s32 $0xFFFFFFFF  }
0xa5: {  	s26 =	simm.s32 $execute0_lowered;
	[smem:$0x3FD2] =	sst s25  }
0xa6: {  	s5 =	sshll.u32 s26, $0x1;
	_ =	strace $0x80000046;
	[dreg:$0x1] =	wrdreg $0xFFFFFFFF  }
0xa7: {  	s28 =	simm.s32 $_size_execute0_lowered;
	s3 =	sadd.s32 s3, s5;
	[dreg:$0x0] =	wrdreg $0x0  }
0xa8: {  	s5 =	sshll.u32 s28, $0x1;
	[dreg:$0x2] =	wrdreg s3  }
0xa9: {  	[dreg:$0x3] =	wrdreg s5  }
0xaa: {  	[dreg:$0x4] =	wrdreg $0xC0  }
0xab: {  	_ =	task [dreg:s7], $0x5FFFF  }
0xac: {  	[dreg:$0x1] =	wrdreg $0xFFFFFFFF  }
0xad: {  	[dreg:$0x0] =	wrdreg $0x60  }
0xae: {  	[dreg:$0x2] =	wrdreg s24  }
0xaf: {  	[dreg:$0x3] =	wrdreg s2  }
0xb0: {  	[dreg:$0x4] =	wrdreg $0x9  }
0xb1: {  	_ =	task.clear_ibuf [dreg:s7], $0x5FFFF;
	_ =	strace $0x90000046  }
0xb2: {  	s29 =	simm.s32 $0x9;
	_ =	strace $0x80000048  }
0xb3: {  	_ =	swait.ge [sflag:s29], $0x1  }
0xb4: {  	[sflag:s29] =	ssyncadd.s32 $0xFFFFFFFF  }
0xb5: {  	_ =	strace $0x90000048  }
0xb6: {  	_ =	sfence  }
0xb7: {  	s30 =	sld [smem:$0x0];
	_ =	sdelay $0x2  }
0xb8: {  	s31 =	sshll.u32 s1, $0xD;
	s1 =	sshrl.u32 s1, $0x2  }
0xb9: {  	s3 =	sand.u32 $0x4000, s31;
	s1 =	sadd.s32 s1, s30  }
0xba: {  	s0 =	sor.u32 s3, s0;
	s1 =	sshll.u32 s1, $0x11  }
0xbb: {  	s0 =	sor.u32 s1, s0  }
0xbc: {  	s0 =	sadd.s32 $0x8F2B, s0  }
0xbd: {  	[sflag:s0] =	ssyncadd.remote.s32 $0x1  }
0xbe: {  	_ =	sfence.sel $0xFFFF  }
0xbf: {  	[dreg:$0x0] =	wrdreg $0xFFFFFFFF;
	(pc) =	sbr.abs _section_cstart, $3  }
0xc0: {  	[dreg:$0x1] =	wrdreg $0xFFFFFFFF  }
0xc1: {  	_ =	task.clear_ibuf [dreg:s7], $0x2FFFF;
	_ =	strace $0x9FFFFFFF  }
0xc2: {  	(tm) =	ssettm $0x7FFFFFFF  }
0xc3: {  	_ =	shalt  }
tec
execute0_lowered:
.L_overlay_start_1:
0x0: {  	(tag) =	ssettag $0x1  }
0x1: {  	v0 =	vlaneseq.u32  }
0x2: {  	v47 =	vmul.u32 $0xC8, v0  }
0x3: {  	v1 =	vimm.s32 $0x0;
	vm0 =	vcmask $0x300  }
0x4: {  	v2 =	vsel vm0, $0x3, v1;
	v1 =	vadd.s32 $0x1903, v47  }
0x5: {  	[tilespmem:$0x1FC20] =	vst v1;
	v1 =	vadd.s32 $0x2583, v47  }
0x6: {  	s0 =	rddreg [dreg:$0x0];
	s3 =	simm.s32 $0x0;
	[tilespmem:$0x1FC30] =	vst v1;
	v1 =	vadd.s32 $0x3203, v47  }
0x7: {  	[smem:$0x7FF] =	sst s3;
	[tilespmem:$0x1FC40] =	vst v1;
	v1 =	vadd.s32 $0x3E83, v47  }
0x8: {  	s6 =	rddreg [dreg:$0x1];
	_ =	strace $0x80000047;
	[tilespmem:$0x1FC50] =	vst v1  }
0x9: {  	v20 =	vadd.s32 $0xC80, v47;
	[tilespmem:$0x1FD60] =	vst v47  }
0xa: {  	v25 =	vadd.s32 $0x1900, v47;
	[tilespmem:$0x1FD70] =	vst v20  }
0xb: {  	v50 =	vadd.s32 $0x2580, v47;
	[tilespmem:$0x1FD80] =	vst v25  }
0xc: {  	v59 =	vadd.s32 $0x3200, v47;
	[tilespmem:$0x1FD90] =	vst v50  }
0xd: {  	v57 =	vadd.s32 $0x3E80, v47;
	[tilespmem:$0x1FDA0] =	vst v59  }
0xe: {  	v51 =	vadd.s32 $0x4B00, v47;
	[tilespmem:$0x1FDB0] =	vst v57  }
0xf: {  	v4 =	vadd.s32 $0x5780, v47;
	[tilespmem:$0x1FDC0] =	vst v51  }
0x10: {  	v18 =	vor.u32 $0x1, v47;
	[tilespmem:$0x1FDD0] =	vst v4  }
0x11: {  	v26 =	vadd.s32 $0xC81, v47;
	[tilespmem:$0x1FDE0] =	vst v18  }
0x12: {  	v48 =	vadd.s32 $0x1901, v47;
	[tilespmem:$0x1FDF0] =	vst v26  }
0x13: {  	v54 =	vadd.s32 $0x2581, v47;
	[tilespmem:$0x1FE00] =	vst v48  }
0x14: {  	v42 =	vadd.s32 $0x3201, v47;
	[tilespmem:$0x1FE10] =	vst v54  }
0x15: {  	v43 =	vadd.s32 $0x3E81, v47;
	[tilespmem:$0x1FE20] =	vst v42  }
0x16: {  	v5 =	vadd.s32 $0x4B01, v47;
	[tilespmem:$0x1FE30] =	vst v43  }
0x17: {  	v63 =	vadd.s32 $0x5781, v47;
	[tilespmem:$0x1FE40] =	vst v5  }
0x18: {  	v49 =	vor.u32 $0x2, v47;
	[tilespmem:$0x1FE50] =	vst v63  }
0x19: {  	v12 =	vadd.s32 $0xC82, v47;
	[tilespmem:$0x1FE60] =	vst v49  }
0x1a: {  	v55 =	vadd.s32 $0x1902, v47;
	[tilespmem:$0x1FE70] =	vst v12  }
0x1b: {  	v33 =	vadd.s32 $0x2582, v47;
	[tilespmem:$0x1FE80] =	vst v55  }
0x1c: {  	v53 =	vadd.s32 $0x3202, v47;
	[tilespmem:$0x1FE90] =	vst v33  }
0x1d: {  	v41 =	vadd.s32 $0x3E82, v47;
	[tilespmem:$0x1FEA0] =	vst v53  }
0x1e: {  	v45 =	vadd.s32 $0x4B02, v47;
	[tilespmem:$0x1FEB0] =	vst v41  }
0x1f: {  	v62 =	vadd.s32 $0x5782, v47;
	[tilespmem:$0x1FEC0] =	vst v45  }
0x20: {  	v38 =	vor.u32 $0x3, v47;
	[tilespmem:$0x1FED0] =	vst v62  }
0x21: {  	v44 =	vadd.s32 $0xC83, v47;
	[tilespmem:$0x1FEE0] =	vst v38  }
0x22: {  	v39 =	vadd.s32 $0x5783, v47;
	[tilespmem:$0x1FEF0] =	vst v44  }
0x23: {  	v11 =	vor.u32 $0x4, v47;
	[tilespmem:$0x1FF00] =	vst v39  }
0x24: {  	v23 =	vadd.s32 $0xC84, v47;
	[tilespmem:$0x1FF10] =	vst v11  }
0x25: {  	v52 =	vadd.s32 $0x1904, v47;
	[tilespmem:$0x1FF20] =	vst v23  }
0x26: {  	v36 =	vadd.s32 $0x2584, v47;
	[tilespmem:$0x1FF30] =	vst v52  }
0x27: {  	v40 =	vadd.s32 $0x3204, v47;
	[tilespmem:$0x1FF40] =	vst v36  }
0x28: {  	v46 =	vadd.s32 $0x3E84, v47;
	[tilespmem:$0x1FF50] =	vst v40  }
0x29: {  	v56 =	vor.u32 $0x5, v47;
	[tilespmem:$0x1FF60] =	vst v46  }
0x2a: {  	v30 =	vadd.s32 $0xC85, v47;
	[tilespmem:$0x1FF70] =	vst v56  }
0x2b: {  	v34 =	vadd.s32 $0x1905, v47;
	[tilespmem:$0x1FF80] =	vst v30  }
0x2c: {  	v21 =	vor.u32 $0x6, v47;
	[tilespmem:$0x1FF90] =	vst v34  }
0x2d: {  	v58 =	vadd.s32 $0xC86, v47;
	[tilespmem:$0x1FFA0] =	vst v21  }
0x2e: {  	v61 =	vadd.s32 $0x1906, v47;
	[tilespmem:$0x1FFB0] =	vst v58  }
0x2f: {  	v17 =	vor.u32 $0x7, v47;
	[tilespmem:$0x1FFC0] =	vst v61  }
0x30: {  	v24 =	vadd.s32 $0xC87, v47;
	[tilespmem:$0x1FFD0] =	vst v17  }
0x31: {  	v35 =	vadd.s32 $0x1907, v47;
	[tilespmem:$0x1FFE0] =	vst v24  }
0x32: {  	v1 =	vadd.s32 $0x4B03, v47;
	[tilespmem:$0x1FFF0] =	vst v35  }
0x33: {  	[tilespmem:$0x1FC60] =	vst v1;
	v1 =	vadd.s32 $0x4B04, v47  }
0x34: {  	[tilespmem:$0x1FC70] =	vst v1;
	v1 =	vadd.s32 $0x5784, v47  }
0x35: {  	[tilespmem:$0x1FC80] =	vst v1;
	v1 =	vadd.s32 $0x2585, v47  }
0x36: {  	s1 =	srdreg.scid;
	s2 =	stileid.u32;
	[tilespmem:$0x1FC90] =	vst v1;
	v1 =	vadd.s32 $0x3205, v47  }
0x37: {  	s1 =	sand.u32 $0x1, s1;
	s2 =	sshll.u32 s2, $0x1;
	[tilespmem:$0x1FCA0] =	vst v1;
	v1 =	vadd.s32 $0x3E85, v47  }
0x38: {  	s2 =	sor.u32 s1, s2;
	[tilespmem:$0x1FCB0] =	vst v1;
	v1 =	vadd.s32 $0x4B05, v47  }
0x39: {  	s4 =	smul.u32 $0xC80, s2;
	[tilespmem:$0x1FCC0] =	vst v1;
	v1 =	vadd.s32 $0x5785, v47  }
0x3a: {  	s1 =	ssub.s32 $0x2, s1;
	[tilespmem:$0x1FCD0] =	vst v1;
	v1 =	vadd.s32 $0x2586, v47  }
0x3b: {  	s5 =	sshrl.u32 s1, $0x1;
	s4 =	sadd.s32 s4, s0;
	[tilespmem:$0x1FCE0] =	vst v1;
	v1 =	vadd.s32 $0x3206, v47  }
0x3c: {  	s30 =	ssub.s32 s1, s5;
	s31 =	sadd.s32 $0x600, s4;
	[tilespmem:$0x1FCF0] =	vst v1;
	v1 =	vadd.s32 $0x3E86, v47  }
0x3d: {  	s10 =	sadd.s32 $0xF42A00, s0;
	s0 =	smax.u32 s30, $0x1;
	[dreg:$0xd] =	wrdreg s31;
	[tilespmem:$0x1FD00] =	vst v1;
	v1 =	vadd.s32 $0x4B06, v47  }
0x3e: {  	s11 =	simm.s32 $0x6400;
	[dreg:$0x11] =	wrdreg s0;
	[tilespmem:$0x1FD10] =	vst v1;
	v1 =	vadd.s32 $0x5786, v47  }
0x3f: {  	s20 =	simm.s32 $0x14800;
	s12 =	sshll.u32 s2, $0xA;
	[dreg:$0xc] =	wrdreg s10;
	[tilespmem:$0x1FD20] =	vst v1;
	v1 =	vadd.s32 $0x2587, v47  }
0x40: {  	s22 =	simm.s32 $0x16A00;
	s13 =	sadd.s32 $0x8000, s6;
	[dreg:$0xe] =	wrdreg s12;
	[tilespmem:$0x1FD30] =	vst v1;
	v1 =	vadd.s32 $0x3207, v47  }
0x41: {  	s25 =	simm.s32 $0x18C00;
	s17 =	sadd.s32 $0x10000, s6;
	[dreg:$0xf] =	wrdreg s13;
	[tilespmem:$0x1FD40] =	vst v1;
	v1 =	vadd.s32 $0x3E87, v47  }
0x42: {  	s29 =	simm.s32 $0x1AE00;
	s2 =	simm.s32 $0x0;
	[dreg:$0x10] =	wrdreg s17;
	[tilespmem:$0x1FD50] =	vst v1  }
.LBB2_1:
0x43: {  	s0 =	simm.s32 $0x2;
	s6 =	simm.s32 $0x1  }
0x44: {  	v3 =	vmov s3;
	s8 =	simm.s32 $0x7;
	v1 =	vmov s0;
	v4 =	vmov s6  }
0x45: {  	s10 =	simm.s32 $0x5;
	v3 =	vshrl.u32 v3, $0x3;
	v6 =	vmov s8;
	v1 =	vshrl.u32 v1, $0x3  }
0x46: {  	v7 =	vmov s10;
	v3 =	vshll.u32 v3, v2;
	v1 =	vshll.u32 v1, v2  }
0x47: {  	v6 =	vshrl.u32 v6, $0x3;
	v7 =	vshrl.u32 v7, $0x3;
	v10 =	vbroadcast v1, $0x0  }
0x48: {  	[dreg:$0x12] =	wrdreg s2;
	s7 =	simm.s32 $0x4;
	v15 =	vbroadcast v3, $0x0;
	v6 =	vshll.u32 v6, v2;
	v1 =	vshrl.u32 v4, $0x3  }
0x49: {  	s1 =	rddreg [dreg:$0xd];
	v27 =	vmovc v5;
	s9 =	simm.s32 $0x9;
	v4 =	vmov s7;
	v6 =	vbroadcast v6, $0x0;
	v5 =	vadd.s32 v49, v10  }
0x4a: {  	[tilespmem:s3], [sflag:$0x9] =	stream.linear.gather [hbm4b:s1+s3], $0x6400, $0x38;
	v1 =	vshll.u32 v1, v2;
	v3 =	vshrl.u32 v4, $0x3;
	v4 =	vadd.s32 v47, v15;
	[tilespmem:$0x1D000] =	vst v63  }
0x4b: {  	_ =	swait.ge [sflag:s9], $0x6400;
	v3 =	vshll.u32 v3, v2;
	v16 =	vadd.s32 v12, v10;
	v12 =	vbroadcast v1, $0x0  }
0x4c: {  	[sflag:s9] =	ssyncset.done $0x0;
	v1 =	vshll.u32 v7, v2;
	v7 =	vadd.s32 v17, v6;
	v3 =	vbroadcast v3, $0x0  }
0x4d: {  	s12 =	simm.s32 $0x6;
	s13 =	simm.s32 $0x100;
	[sflag:s9] =	ssyncadd.s32 $0xFFFF9C00;
	v17 =	vadd.s32 v18, v12  }
0x4e: {  	s14 =	simm.s32 $0x0;
	v8 =	vmov s12;
	v14 =	vor.u32 s13, v0;
	v13 =	vadd.s32 v11, v3;
	v9 =	vld.idx.msk [tilespmem:v5+s3+$0x0], $0xffff  }
0x4f: {  	v4 =	vld.idx.msk [tilespmem:v4+s3+$0x0], $0xffff;
	v5 =	vshrl.u32 v8, $0x3;
	v8 =	vor.u32 s14, v0  }
0x50: {  	v11 =	vbroadcast v1, $0x0;
	v5 =	vshll.u32 v5, v2  }
0x51: {  	s17 =	simm.s32 $0x380;
	v1 =	vadd.s32 v20, v15;
	v7 =	vld.idx.msk [tilespmem:v7+s3+$0x0], $0xffff;
	v5 =	vbroadcast v5, $0x0  }
0x52: {  	s15 =	simm.s32 $0x3;
	s16 =	simm.s32 $0x200;
	v22 =	vor.u32 s17, v0;
	v19 =	vadd.s32 v56, v11;
	v17 =	vld.idx.msk [tilespmem:v17+s3+$0x0], $0xffff  }
0x53: {  	s19 =	simm.s32 $0x80;
	v20 =	vor.u32 s16, v0;
	v18 =	vld.idx.msk [tilespmem:v13+s3+$0x0], $0xffff;
	[tilespmem:v14+s11+$0x0] =	vst.idx.msk $0xffff, v9;
	v9 =	vmov s15;
	v14 =	vmovc v21;
	v21 =	vadd.s32 v21, v5  }
0x54: {  	s24 =	simm.s32 $0x110;
	[tilespmem:v8+s11+$0x0] =	vst.idx.msk $0xffff, v4;
	v4 =	vadd.s32 v23, v3;
	v23 =	vadd.s32 v24, v6;
	v24 =	vor.u32 s19, v0  }
0x55: {  	s18 =	simm.s32 $0x10;
	v28 =	vor.u32 s24, v0;
	v27 =	vadd.s32 v27, v12;
	v16 =	vld.idx.msk [tilespmem:v16+s3+$0x0], $0xffff;
	v9 =	vshrl.u32 v9, $0x3  }
0x56: {  	v26 =	vadd.s32 v26, v12;
	v1 =	vld.idx.msk [tilespmem:v1+s3+$0x0], $0xffff;
	[tilespmem:$0x1FC10] =	vst v27;
	v8 =	vshll.u32 v9, v2;
	v9 =	vor.u32 s18, v0  }
0x57: {  	s21 =	simm.s32 $0x280;
	v29 =	vadd.s32 v55, v10;
	v19 =	vld.idx.msk [tilespmem:v19+s3+$0x0], $0xffff;
	[tilespmem:v22+s11+$0x0] =	vst.idx.msk $0xffff, v7  }
0x58: {  	s26 =	simm.s32 $0x300;
	v13 =	vbroadcast v8, $0x0;
	v8 =	vadd.s32 v25, v15;
	v25 =	vor.u32 s21, v0;
	[tilespmem:v20+s11+$0x0] =	vst.idx.msk $0xffff, v18;
	v20 =	vld.idx.msk [tilespmem:v21+s3+$0x0], $0xffff  }
0x59: {  	s28 =	simm.s32 $0x210;
	v18 =	vadd.s32 v30, v11;
	v21 =	vor.u32 s26, v0;
	v4 =	vld.idx.msk [tilespmem:v4+s3+$0x0], $0xffff;
	[tilespmem:v24+s11+$0x0] =	vst.idx.msk $0xffff, v17  }
0x5a: {  	s4 =	simm.s32 $0x390;
	v31 =	vadd.s32 v58, v5;
	v30 =	vor.u32 s28, v0;
	v23 =	vld.idx.msk [tilespmem:v23+s3+$0x0], $0xffff;
	[tilespmem:v28+s11+$0x0] =	vst.idx.msk $0xffff, v16  }
0x5b: {  	s5 =	simm.s32 $0x90;
	v32 =	vadd.s32 v52, v3;
	v26 =	vld.idx.msk [tilespmem:v26+s3+$0x0], $0xffff;
	[tilespmem:v9+s11+$0x0] =	vst.idx.msk $0xffff, v1;
	v1 =	vor.u32 s4, v0  }
0x5c: {  	v24 =	vadd.s32 v35, v6;
	v9 =	vor.u32 s5, v0;
	v28 =	vld.idx.msk [tilespmem:v29+s3+$0x0], $0xffff  }
0x5d: {  	s7 =	simm.s32 $0x20;
	v8 =	vld.idx.msk [tilespmem:v8+s3+$0x0], $0xffff;
	[tilespmem:v25+s11+$0x0] =	vst.idx.msk $0xffff, v19  }
0x5e: {  	v60 =	vadd.s32 v48, v12;
	v25 =	vor.u32 s7, v0;
	v16 =	vld.idx.msk [tilespmem:v18+s3+$0x0], $0xffff;
	[tilespmem:v21+s11+$0x0] =	vst.idx.msk $0xffff, v20  }
0x5f: {  	s2 =	simm.s32 $0x290;
	[tilespmem:v30+s11+$0x0] =	vst.idx.msk $0xffff, v4;
	v4 =	vld.idx.msk [tilespmem:v31+s3+$0x0], $0xffff  }
0x60: {  	s6 =	simm.s32 $0x120;
	v22 =	vor.u32 s2, v0;
	v21 =	vadd.s32 v50, v15;
	[tilespmem:v1+s11+$0x0] =	vst.idx.msk $0xffff, v23;
	v23 =	vld.idx.msk [tilespmem:v32+s3+$0x0], $0xffff  }
0x61: {  	s8 =	simm.s32 $0x220;
	v29 =	vadd.s32 v34, v11;
	v19 =	vor.u32 s6, v0;
	[tilespmem:v9+s11+$0x0] =	vst.idx.msk $0xffff, v26;
	v24 =	vld.idx.msk [tilespmem:v24+s3+$0x0], $0xffff  }
0x62: {  	v17 =	vadd.s32 v33, v10;
	v18 =	vor.u32 s8, v0;
	v48 =	vld [tilespmem:$0x1FD30]  }
0x63: {  	[tilespmem:v25+s11+$0x0] =	vst.idx.msk $0xffff, v8;
	v25 =	vld.idx.msk [tilespmem:v60+s3+$0x0], $0xffff  }
0x64: {  	s12 =	simm.s32 $0x3A0;
	v50 =	vld [tilespmem:$0x1FC90]  }
0x65: {  	s1 =	simm.s32 $0x310;
	v35 =	vor.u32 s12, v0;
	v31 =	vadd.s32 v36, v3;
	[tilespmem:v22+s11+$0x0] =	vst.idx.msk $0xffff, v16;
	v21 =	vld.idx.msk [tilespmem:v21+s3+$0x0], $0xffff  }
0x66: {  	s13 =	simm.s32 $0xA0;
	v7 =	vor.u32 s1, v0;
	[tilespmem:v19+s11+$0x0] =	vst.idx.msk $0xffff, v28;
	v19 =	vld.idx.msk [tilespmem:v29+s3+$0x0], $0xffff  }
0x67: {  	s10 =	simm.s32 $0x2A0;
	v30 =	vor.u32 s13, v0;
	v1 =	vadd.s32 v39, v13;
	v39 =	vld.idx.msk [tilespmem:v17+s3+$0x0], $0xffff;
	[tilespmem:v18+s11+$0x0] =	vst.idx.msk $0xffff, v23  }
0x68: {  	s15 =	simm.s32 $0x30;
	v34 =	vor.u32 s10, v0;
	v18 =	vld [tilespmem:$0x1FCE0]  }
0x69: {  	s16 =	simm.s32 $0x230;
	v28 =	vor.u32 s15, v0;
	v60 =	vld [tilespmem:$0x1FD40]  }
0x6a: {  	v22 =	vadd.s32 v59, v15;
	v59 =	vor.u32 s16, v0;
	v17 =	vld.idx.msk [tilespmem:v31+s3+$0x0], $0xffff;
	[tilespmem:v35+s11+$0x0] =	vst.idx.msk $0xffff, v24  }
0x6b: {  	[tilespmem:v7+s11+$0x0] =	vst.idx.msk $0xffff, v4  }
0x6c: {  	v29 =	vadd.s32 v54, v12;
	v54 =	vld [tilespmem:$0x1FCA0];
	[tilespmem:v30+s11+$0x0] =	vst.idx.msk $0xffff, v25  }
0x6d: {  	v26 =	vadd.s32 v48, v6;
	[tilespmem:v34+s11+$0x0] =	vst.idx.msk $0xffff, v19  }
0x6e: {  	v32 =	vadd.s32 v38, v13;
	[tilespmem:v28+s11+$0x0] =	vst.idx.msk $0xffff, v21  }
0x6f: {  	v9 =	vadd.s32 v61, v5;
	[tilespmem:v59+s11+$0x0] =	vst.idx.msk $0xffff, v17  }
0x70: {  	v17 =	vld [tilespmem:$0x1FD20]  }
0x71: {  	s18 =	simm.s32 $0x3B0;
	v33 =	vadd.s32 v50, v11  }
0x72: {  	v7 =	vor.u32 s18, v0;
	v4 =	vld.idx.msk [tilespmem:v26+s3+$0x0], $0xffff  }
0x73: {  	v32 =	vld.idx.msk [tilespmem:v32+s3+$0x0], $0xffff  }
0x74: {  	v9 =	vld.idx.msk [tilespmem:v9+s3+$0x0], $0xffff  }
0x75: {  	v29 =	vld.idx.msk [tilespmem:v29+s3+$0x0], $0xffff;
	v19 =	vadd.s32 v17, v5  }
0x76: {  	v21 =	vld.idx.msk [tilespmem:v33+s3+$0x0], $0xffff;
	[tilespmem:$0x1FBE0] =	vst v19  }
0x77: {  	[tilespmem:v7+s11+$0x0] =	vst.idx.msk $0xffff, v4  }
0x78: {  	v4 =	vld [tilespmem:$0x1FD10];
	_ =	sdelay $0x1  }
0x79: {  	s9 =	simm.s32 $0x320  }
0x7a: {  	s23 =	simm.s32 $0x180;
	v20 =	vor.u32 s9, v0  }
0x7b: {  	v27 =	vor.u32 s23, v0  }
0x7c: {  	v4 =	vadd.s32 v4, v5  }
0x7d: {  	v22 =	vld.idx.msk [tilespmem:v22+s3+$0x0], $0xffff;
	[tilespmem:$0x1FBB0] =	vst v4;
	v4 =	vadd.s32 v43, v12  }
0x7e: {  	[tilespmem:$0x1FBC0] =	vst v4  }
0x7f: {  	v59 =	vld [tilespmem:$0x1FCF0];
	[tilespmem:v20+s11+$0x0] =	vst.idx.msk $0xffff, v9  }
0x80: {  	[tilespmem:v27+s11+$0x0] =	vst.idx.msk $0xffff, v32  }
0x81: {  	v4 =	vld [tilespmem:$0x1FD50];
	_ =	sdelay $0x3  }
0x82: {  	s19 =	simm.s32 $0x2B0;
	v16 =	vadd.s32 v40, v3  }
0x83: {  	v31 =	vor.u32 s19, v0;
	v23 =	vadd.s32 v18, v5;
	v9 =	vadd.s32 v4, v6;
	v4 =	vld [tilespmem:$0x1FC70]  }
0x84: {  	s14 =	simm.s32 $0x130;
	v28 =	vadd.s32 v44, v13  }
0x85: {  	v36 =	vor.u32 s14, v0;
	_ =	sdelay $0x1  }
0x86: {  	s4 =	simm.s32 $0x240;
	v43 =	vld.idx.msk [tilespmem:v16+s3+$0x0], $0xffff  }
0x87: {  	s23 =	simm.s32 $0x330;
	v44 =	vor.u32 s4, v0;
	v23 =	vld.idx.msk [tilespmem:v23+s3+$0x0], $0xffff;
	[tilespmem:v31+s11+$0x0] =	vst.idx.msk $0xffff, v21;
	v20 =	vadd.s32 v4, v3;
	v4 =	vadd.s32 $0x5787, v47  }
0x88: {  	s21 =	simm.s32 $0x40;
	v30 =	vor.u32 s23, v0;
	v40 =	vadd.s32 v60, v6;
	v27 =	vld.idx.msk [tilespmem:v28+s3+$0x0], $0xffff;
	[tilespmem:$0x1FBD0] =	vst v4  }
0x89: {  	v35 =	vor.u32 s21, v0;
	v26 =	vadd.s32 v54, v11;
	v19 =	vld [tilespmem:$0x1FC80];
	[tilespmem:v36+s11+$0x0] =	vst.idx.msk $0xffff, v39  }
0x8a: {  	v39 =	vadd.s32 v4, v6;
	v4 =	vld [tilespmem:$0x1FCB0]  }
0x8b: {  	v37 =	vadd.s32 v53, v10;
	v25 =	vadd.s32 v46, v3  }
0x8c: {  	s2 =	simm.s32 $0x3C0;
	s26 =	simm.s32 $0x2C0;
	v8 =	vadd.s32 v41, v10;
	v34 =	vadd.s32 v42, v12;
	[tilespmem:v44+s11+$0x0] =	vst.idx.msk $0xffff, v43  }
0x8d: {  	s7 =	simm.s32 $0xA;
	v42 =	vor.u32 s2, v0;
	v33 =	vor.u32 s26, v0;
	v7 =	vadd.s32 v59, v5;
	v40 =	vld.idx.msk [tilespmem:v40+s3+$0x0], $0xffff;
	[tilespmem:v30+s11+$0x0] =	vst.idx.msk $0xffff, v23  }
0x8e: {  	v16 =	vadd.s32 v45, v10;
	v32 =	vadd.s32 v19, v3;
	v3 =	vmov s7;
	v26 =	vld.idx.msk [tilespmem:v26+s3+$0x0], $0xffff;
	[tilespmem:v35+s11+$0x0] =	vst.idx.msk $0xffff, v22  }
0x8f: {  	s24 =	simm.s32 $0xB0;
	s9 =	simm.s32 $0x250;
	v28 =	vadd.s32 v57, v15;
	v3 =	vshrl.u32 v3, $0x3;
	v45 =	vadd.s32 v4, v11;
	v4 =	vld [tilespmem:$0x1FD00]  }
0x90: {  	s8 =	simm.s32 $0x8;
	v41 =	vor.u32 s24, v0;
	v43 =	vor.u32 s9, v0;
	v3 =	vshll.u32 v3, v2;
	v25 =	vld.idx.msk [tilespmem:v25+s3+$0x0], $0xffff  }
0x91: {  	s17 =	simm.s32 $0x140;
	s28 =	simm.s32 $0x340;
	v31 =	vadd.s32 v51, v15;
	v51 =	vmov s8;
	v3 =	vbroadcast v3, $0x0  }
0x92: {  	v38 =	vor.u32 s28, v0;
	v24 =	vor.u32 s17, v0;
	v57 =	vshrl.u32 v51, $0x3;
	v23 =	vld.idx.msk [tilespmem:v7+s3+$0x0], $0xffff  }
0x93: {  	v37 =	vld.idx.msk [tilespmem:v37+s3+$0x0], $0xffff;
	v22 =	vshll.u32 v57, v2;
	v57 =	vadd.s32 v49, v3;
	[tilespmem:v42+s11+$0x0] =	vst.idx.msk $0xffff, v40  }
0x94: {  	s13 =	simm.s32 $0x3D0;
	v19 =	vmov v46;
	v46 =	vld.idx.msk [tilespmem:v28+s3+$0x0], $0xffff;
	[tilespmem:v33+s11+$0x0] =	vst.idx.msk $0xffff, v26;
	v51 =	vadd.s32 v4, v5  }
0x95: {  	s5 =	simm.s32 $0x190;
	v7 =	vadd.s32 $0x4B07, v47;
	v9 =	vld.idx.msk [tilespmem:v9+s3+$0x0], $0xffff;
	[tilespmem:v43+s11+$0x0] =	vst.idx.msk $0xffff, v25;
	v5 =	vbroadcast v22, $0x0;
	v22 =	vor.u32 s13, v0  }
0x96: {  	v21 =	vor.u32 s5, v0;
	v6 =	vadd.s32 v7, v6;
	[tilespmem:v41+s11+$0x0] =	vst.idx.msk $0xffff, v29;
	v20 =	vld.idx.msk [tilespmem:v20+s3+$0x0], $0xffff  }
0x97: {  	s12 =	simm.s32 $0x260;
	v4 =	vld [tilespmem:$0x1FC20];
	[tilespmem:v38+s11+$0x0] =	vst.idx.msk $0xffff, v23  }
0x98: {  	s6 =	simm.s32 $0x350;
	s17 =	simm.s32 $0x50;
	v35 =	vor.u32 s12, v0;
	[tilespmem:v24+s11+$0x0] =	vst.idx.msk $0xffff, v37;
	v24 =	vld.idx.msk [tilespmem:v57+s3+$0x0], $0xffff;
	v29 =	vadd.s32 v47, v5  }
0x99: {  	s10 =	simm.s32 $0x3E0;
	s15 =	simm.s32 $0x9;
	s18 =	simm.s32 $0x500;
	v36 =	vor.u32 s6, v0;
	v38 =	vor.u32 s17, v0;
	v41 =	vld.idx.msk [tilespmem:v51+s3+$0x0], $0xffff  }
0x9a: {  	s14 =	simm.s32 $0xC;
	s23 =	simm.s32 $0xD;
	v30 =	vor.u32 s10, v0;
	v28 =	vmov s15;
	v37 =	vor.u32 s18, v0;
	v51 =	vld [tilespmem:$0x1FF10];
	[tilespmem:v22+s11+$0x0] =	vst.idx.msk $0xffff, v9  }
0x9b: {  	s21 =	simm.s32 $0x400;
	v49 =	vshrl.u32 v28, $0x3;
	v26 =	vmov s14;
	v22 =	vmov s23;
	[tilespmem:v21+s11+$0x0] =	vst.idx.msk $0xffff, v27;
	v57 =	vld.idx.msk [tilespmem:v6+s3+$0x0], $0xffff  }
0x9c: {  	s24 =	simm.s32 $0xE;
	s16 =	simm.s32 $0xF;
	v26 =	vshrl.u32 v26, $0x3;
	v43 =	vor.u32 s21, v0;
	v6 =	vshrl.u32 v22, $0x3;
	v22 =	vld [tilespmem:$0x1FE70]  }
0x9d: {  	v26 =	vshll.u32 v26, v2;
	v23 =	vmov s16;
	[tilespmem:v35+s11+$0x0] =	vst.idx.msk $0xffff, v20;
	v9 =	vld.idx.msk [tilespmem:v29+s3+$0x0], $0xffff;
	v29 =	vmov s24  }
0x9e: {  	v28 =	vbroadcast v26, $0x0;
	v23 =	vshrl.u32 v23, $0x3;
	v20 =	vld [tilespmem:$0x1FFD0];
	[tilespmem:v38+s11+$0x0] =	vst.idx.msk $0xffff, v46;
	v21 =	vshrl.u32 v29, $0x3  }
0x9f: {  	v23 =	vshll.u32 v23, v2;
	v27 =	vld.idx.msk [tilespmem:v8+s3+$0x0], $0xffff;
	[tilespmem:v37+s11+$0x0] =	vst.idx.msk $0xffff, v24;
	v8 =	vshll.u32 v21, v2  }
0xa0: {  	v26 =	vshll.u32 v49, v2;
	v49 =	vbroadcast v23, $0x0;
	v23 =	vbroadcast v8, $0x0;
	v8 =	vld [tilespmem:$0x1FD70];
	_ =	sdelay $0x1  }
0xa1: {  	[tilespmem:v36+s11+$0x0] =	vst.idx.msk $0xffff, v41  }
0xa2: {  	s19 =	simm.s32 $0x150;
	v25 =	vadd.s32 v4, v13;
	[tilespmem:v30+s11+$0x0] =	vst.idx.msk $0xffff, v57  }
0xa3: {  	v42 =	vor.u32 s19, v0;
	v33 =	vadd.s32 v51, v28;
	[tilespmem:v43+s11+$0x0] =	vst.idx.msk $0xffff, v9  }
0xa4: {  	v24 =	vadd.s32 v8, v5;
	v8 =	vbroadcast v26, $0x0;
	v26 =	vadd.s32 v14, v23;
	v14 =	vld [tilespmem:$0x1FDE0];
	_ =	sdelay $0x1  }
0xa5: {  	v6 =	vshll.u32 v6, v2;
	v32 =	vld.idx.msk [tilespmem:v32+s3+$0x0], $0xffff  }
0xa6: {  	s26 =	simm.s32 $0x600;
	v6 =	vbroadcast v6, $0x0;
	v21 =	vld.idx.msk [tilespmem:v25+s3+$0x0], $0xffff  }
0xa7: {  	s28 =	simm.s32 $0x270;
	v25 =	vor.u32 s26, v0;
	v29 =	vld.idx.msk [tilespmem:v33+s3+$0x0], $0xffff;
	[tilespmem:v42+s11+$0x0] =	vst.idx.msk $0xffff, v27  }
0xa8: {  	v51 =	vadd.s32 v56, v6;
	v9 =	vor.u32 s28, v0;
	v56 =	vadd.s32 v14, v8;
	v14 =	vld [tilespmem:$0x1FF20];
	_ =	sdelay $0x2  }
0xa9: {  	s2 =	simm.s32 $0x2D0;
	s6 =	simm.s32 $0xB  }
0xaa: {  	v40 =	vld.idx.msk [tilespmem:v45+s3+$0x0], $0xffff;
	v47 =	vor.u32 s2, v0;
	v30 =	vmov s6;
	[tilespmem:v25+s11+$0x0] =	vst.idx.msk $0xffff, v29  }
0xab: {  	v20 =	vadd.s32 v20, v49;
	v27 =	vshrl.u32 v30, $0x3;
	v30 =	vadd.s32 v14, v28;
	v14 =	vld [tilespmem:$0x1FCC0];
	[tilespmem:v9+s11+$0x0] =	vst.idx.msk $0xffff, v32  }
0xac: {  	v9 =	vld [tilespmem:$0x1FC30];
	_ =	sdelay $0x2  }
0xad: {  	s5 =	simm.s32 $0x1A0  }
0xae: {  	s7 =	simm.s32 $0x780;
	v36 =	vor.u32 s5, v0;
	v57 =	vld.idx.msk [tilespmem:v20+s3+$0x0], $0xffff;
	[tilespmem:v47+s11+$0x0] =	vst.idx.msk $0xffff, v40  }
0xaf: {  	v38 =	vor.u32 s7, v0;
	v32 =	vadd.s32 v9, v13;
	v9 =	vld [tilespmem:$0x1FFE0];
	_ =	sdelay $0x3  }
0xb0: {  	s8 =	simm.s32 $0x60;
	v31 =	vld.idx.msk [tilespmem:v31+s3+$0x0], $0xffff;
	[tilespmem:v36+s11+$0x0] =	vst.idx.msk $0xffff, v21  }
0xb1: {  	v45 =	vor.u32 s8, v0;
	v47 =	vadd.s32 v9, v49;
	v9 =	vld [tilespmem:$0x1FE40];
	[tilespmem:v38+s11+$0x0] =	vst.idx.msk $0xffff, v57  }
0xb2: {  	v25 =	vshll.u32 v27, v2;
	v27 =	vadd.s32 v14, v11;
	v14 =	vld [tilespmem:$0x1FD80];
	_ =	sdelay $0x2  }
0xb3: {  	s4 =	simm.s32 $0xC0  }
0xb4: {  	v34 =	vld.idx.msk [tilespmem:v34+s3+$0x0], $0xffff;
	v35 =	vor.u32 s4, v0;
	[tilespmem:v45+s11+$0x0] =	vst.idx.msk $0xffff, v31  }
0xb5: {  	v57 =	vadd.s32 v14, v5;
	v14 =	vld [tilespmem:$0x1FDD0]  }
0xb6: {  	v22 =	vadd.s32 v22, v3;
	_ =	sdelay $0x1  }
0xb7: {  	s9 =	simm.s32 $0x700;
	v37 =	vld.idx.msk [tilespmem:v51+s3+$0x0], $0xffff  }
0xb8: {  	v29 =	vor.u32 s9, v0;
	v26 =	vld.idx.msk [tilespmem:v26+s3+$0x0], $0xffff;
	[tilespmem:v35+s11+$0x0] =	vst.idx.msk $0xffff, v34  }
0xb9: {  	v15 =	vadd.s32 v14, v15;
	v14 =	vld [tilespmem:$0x1FDF0]  }
0xba: {  	v22 =	vld.idx.msk [tilespmem:v22+s3+$0x0], $0xffff  }
0xbb: {  	s10 =	simm.s32 $0x410;
	v24 =	vld.idx.msk [tilespmem:v24+s3+$0x0], $0xffff  }
0xbc: {  	s12 =	simm.s32 $0x480;
	v46 =	vor.u32 s10, v0;
	v51 =	vld.idx.msk [tilespmem:v56+s3+$0x0], $0xffff  }
0xbd: {  	s13 =	simm.s32 $0x610;
	v30 =	vld.idx.msk [tilespmem:v30+s3+$0x0], $0xffff;
	v21 =	vor.u32 s12, v0;
	[tilespmem:v29+s11+$0x0] =	vst.idx.msk $0xffff, v26  }
0xbe: {  	v56 =	vor.u32 s13, v0;
	v45 =	vadd.s32 v14, v8;
	v14 =	vld [tilespmem:$0x1FF80]  }
0xbf: {  	s14 =	simm.s32 $0x680;
	v16 =	vld.idx.msk [tilespmem:v16+s3+$0x0], $0xffff  }
0xc0: {  	v20 =	vld.idx.msk [tilespmem:v39+s3+$0x0], $0xffff;
	v31 =	vor.u32 s14, v0  }
0xc1: {  	v27 =	vld.idx.msk [tilespmem:v27+s3+$0x0], $0xffff;
	[tilespmem:v46+s11+$0x0] =	vst.idx.msk $0xffff, v24  }
0xc2: {  	s21 =	simm.s32 $0xD0;
	v32 =	vld.idx.msk [tilespmem:v32+s3+$0x0], $0xffff;
	[tilespmem:v21+s11+$0x0] =	vst.idx.msk $0xffff, v51  }
0xc3: {  	s15 =	simm.s32 $0x510;
	v39 =	vld.idx.msk [tilespmem:v47+s3+$0x0], $0xffff;
	[tilespmem:v56+s11+$0x0] =	vst.idx.msk $0xffff, v30;
	v26 =	vadd.s32 v14, v6;
	v14 =	vor.u32 s21, v0  }
0xc4: {  	v44 =	vor.u32 s15, v0;
	s16 =	simm.s32 $0x790;
	v51 =	vld.idx.msk [tilespmem:v57+s3+$0x0], $0xffff;
	[tilespmem:$0x1FBF0] =	vst v14  }
0xc5: {  	v29 =	vor.u32 s16, v0;
	[tilespmem:v31+s11+$0x0] =	vst.idx.msk $0xffff, v37  }
0xc6: {  	v14 =	vld [tilespmem:$0x1FFF0];
	_ =	sdelay $0x2  }
0xc7: {  	s17 =	simm.s32 $0x160;
	[tilespmem:v44+s11+$0x0] =	vst.idx.msk $0xffff, v22  }
0xc8: {  	v47 =	vor.u32 s17, v0;
	[tilespmem:v29+s11+$0x0] =	vst.idx.msk $0xffff, v39  }
0xc9: {  	v56 =	vadd.s32 v14, v49;
	v14 =	vld [tilespmem:$0x1FE00];
	_ =	sdelay $0x3  }
0xca: {  	[tilespmem:v47+s11+$0x0] =	vst.idx.msk $0xffff, v16  }
0xcb: {  	v39 =	vadd.s32 v14, v8;
	v14 =	vld [tilespmem:$0x1FE90];
	_ =	sdelay $0x2  }
0xcc: {  	s18 =	simm.s32 $0x420  }
0xcd: {  	v46 =	vadd.s32 v55, v3;
	v55 =	vor.u32 s18, v0  }
0xce: {  	v41 =	vadd.s32 v14, v3;
	v14 =	vld [tilespmem:$0x1FD90];
	_ =	sdelay $0x2  }
0xcf: {  	s19 =	simm.s32 $0x70  }
0xd0: {  	v15 =	vld.idx.msk [tilespmem:v15+s3+$0x0], $0xffff;
	v31 =	vor.u32 s19, v0;
	[tilespmem:v55+s11+$0x0] =	vst.idx.msk $0xffff, v51  }
0xd1: {  	v43 =	vadd.s32 v14, v5;
	v14 =	vld [tilespmem:$0x1FC40];
	_ =	sdelay $0x3  }
0xd2: {  	[tilespmem:v31+s11+$0x0] =	vst.idx.msk $0xffff, v15  }
0xd3: {  	v57 =	vadd.s32 v52, v28;
	v52 =	vadd.s32 v14, v13;
	v14 =	vld [tilespmem:$0x1FF90];
	_ =	sdelay $0x2  }
0xd4: {  	s23 =	simm.s32 $0x490  }
0xd5: {  	v30 =	vadd.s32 v62, v10;
	v10 =	vbroadcast v25, $0x0;
	v25 =	vor.u32 s23, v0;
	v35 =	vld.idx.msk [tilespmem:v45+s3+$0x0], $0xffff  }
0xd6: {  	v31 =	vadd.s32 v14, v6;
	v14 =	vld [tilespmem:$0x1FCD0];
	_ =	sdelay $0x2  }
0xd7: {  	s24 =	simm.s32 $0x2E0  }
0xd8: {  	s28 =	simm.s32 $0x1B0;
	v21 =	vadd.s32 v58, v23;
	v58 =	vor.u32 s24, v0;
	[tilespmem:v25+s11+$0x0] =	vst.idx.msk $0xffff, v35  }
0xd9: {  	s4 =	simm.s32 $0x520;
	v16 =	vor.u32 s28, v0;
	v55 =	vadd.s32 v14, v11;
	v11 =	vld [tilespmem:$0x1FF40]  }
0xda: {  	v29 =	vor.u32 s4, v0;
	v33 =	vld.idx.msk [tilespmem:v46+s3+$0x0], $0xffff;
	_ =	sdelay $0x2  }
0xdb: {  	[tilespmem:v58+s11+$0x0] =	vst.idx.msk $0xffff, v27  }
0xdc: {  	s5 =	simm.s32 $0x690;
	v46 =	vadd.s32 v11, v28;
	v11 =	vld [tilespmem:$0x1FEE0];
	[tilespmem:v16+s11+$0x0] =	vst.idx.msk $0xffff, v32  }
0xdd: {  	v62 =	vor.u32 s5, v0;
	v42 =	vld.idx.msk [tilespmem:v26+s3+$0x0], $0xffff;
	[tilespmem:v29+s11+$0x0] =	vst.idx.msk $0xffff, v33  }
0xde: {  	v14 =	vld [tilespmem:$0x1FE10];
	_ =	sdelay $0x1  }
0xdf: {  	s26 =	simm.s32 $0x710  }
0xe0: {  	s6 =	simm.s32 $0x620;
	v21 =	vld.idx.msk [tilespmem:v21+s3+$0x0], $0xffff;
	v22 =	vor.u32 s26, v0  }
0xe1: {  	v34 =	vld.idx.msk [tilespmem:v57+s3+$0x0], $0xffff;
	v51 =	vor.u32 s6, v0;
	[tilespmem:v62+s11+$0x0] =	vst.idx.msk $0xffff, v42  }
0xe2: {  	v29 =	vadd.s32 v14, v8;
	v14 =	vld [tilespmem:$0x1FF00];
	_ =	sdelay $0x2  }
0xe3: {  	[tilespmem:v22+s11+$0x0] =	vst.idx.msk $0xffff, v21  }
0xe4: {  	[tilespmem:v51+s11+$0x0] =	vst.idx.msk $0xffff, v34  }
0xe5: {  	v15 =	vadd.s32 v14, v10;
	v14 =	vld [tilespmem:$0x1FF50];
	_ =	sdelay $0x2  }
0xe6: {  	s8 =	simm.s32 $0x4A0  }
0xe7: {  	v35 =	vor.u32 s8, v0;
	v38 =	vld.idx.msk [tilespmem:v39+s3+$0x0], $0xffff  }
0xe8: {  	v34 =	vadd.s32 v14, v28;
	v14 =	vld [tilespmem:$0x1FC50]  }
0xe9: {  	s7 =	simm.s32 $0x7A0  }
0xea: {  	s9 =	simm.s32 $0x1C0;
	v37 =	vld.idx.msk [tilespmem:v56+s3+$0x0], $0xffff;
	v25 =	vor.u32 s7, v0  }
0xeb: {  	s12 =	simm.s32 $0x3F0;
	v32 =	vadd.s32 v61, v23;
	v61 =	vld.idx.msk [tilespmem:v52+s3+$0x0], $0xffff;
	v62 =	vor.u32 s9, v0  }
0xec: {  	v30 =	vld.idx.msk [tilespmem:v30+s3+$0x0], $0xffff;
	v56 =	vor.u32 s12, v0;
	[tilespmem:v35+s11+$0x0] =	vst.idx.msk $0xffff, v38  }
0xed: {  	v40 =	vadd.s32 v14, v13;
	v14 =	vld [tilespmem:$0x1FDA0]  }
0xee: {  	s14 =	simm.s32 $0x6A0;
	v39 =	vld.idx.msk [tilespmem:v43+s3+$0x0], $0xffff  }
0xef: {  	s15 =	simm.s32 $0x430;
	v58 =	vld.idx.msk [tilespmem:v31+s3+$0x0], $0xffff;
	v21 =	vor.u32 s14, v0;
	[tilespmem:v25+s11+$0x0] =	vst.idx.msk $0xffff, v37  }
0xf0: {  	s16 =	simm.s32 $0x170;
	v45 =	vor.u32 s15, v0;
	v52 =	vld.idx.msk [tilespmem:v41+s3+$0x0], $0xffff;
	[tilespmem:v62+s11+$0x0] =	vst.idx.msk $0xffff, v61  }
0xf1: {  	s19 =	simm.s32 $0x630;
	v16 =	vadd.s32 v48, v49;
	v41 =	vld.idx.msk [tilespmem:v46+s3+$0x0], $0xffff;
	v37 =	vor.u32 s16, v0;
	[tilespmem:v56+s11+$0x0] =	vst.idx.msk $0xffff, v20  }
0xf2: {  	v22 =	vadd.s32 v50, v6;
	v50 =	vor.u32 s19, v0;
	v48 =	vadd.s32 v14, v5;
	v14 =	vld [tilespmem:$0x1FEB0];
	_ =	sdelay $0x1  }
0xf3: {  	[tilespmem:v21+s11+$0x0] =	vst.idx.msk $0xffff, v58  }
0xf4: {  	[tilespmem:v45+s11+$0x0] =	vst.idx.msk $0xffff, v39  }
0xf5: {  	v33 =	vld.idx.msk [tilespmem:v16+s3+$0x0], $0xffff;
	[tilespmem:v37+s11+$0x0] =	vst.idx.msk $0xffff, v30  }
0xf6: {  	v16 =	vadd.s32 v14, v3;
	v14 =	vld [tilespmem:$0x1FE20];
	[tilespmem:v50+s11+$0x0] =	vst.idx.msk $0xffff, v41  }
0xf7: {  	v41 =	vadd.s32 v63, v12;
	v12 =	vld [tilespmem:$0x1FBB0];
	_ =	sdelay $0x1  }
0xf8: {  	s23 =	simm.s32 $0x7B0  }
0xf9: {  	v36 =	vor.u32 s23, v0;
	_ =	sdelay $0x2  }
0xfa: {  	v51 =	vld.idx.msk [tilespmem:v29+s3+$0x0], $0xffff  }
0xfb: {  	v29 =	vadd.s32 v14, v8;
	v14 =	vld [tilespmem:$0x1FEF0]  }
0xfc: {  	v38 =	vadd.s32 v19, v28;
	[tilespmem:v36+s11+$0x0] =	vst.idx.msk $0xffff, v33;
	v19 =	vld.idx.msk [tilespmem:v12+s3+$0x0], $0xffff  }
0xfd: {  	v12 =	vld [tilespmem:$0x1FBC0]  }
0xfe: {  	s26 =	simm.s32 $0x4B0  }
0xff: {  	s28 =	simm.s32 $0x2F0;
	v27 =	vadd.s32 v11, v10;
	v62 =	vor.u32 s26, v0  }
0x100: {  	v44 =	vld.idx.msk [tilespmem:v55+s3+$0x0], $0xffff;
	v21 =	vor.u32 s28, v0;
	_ =	sdelay $0x3  }
0x101: {  	s13 =	simm.s32 $0x580;
	v61 =	vld.idx.msk [tilespmem:v27+s3+$0x0], $0xffff;
	[tilespmem:v62+s11+$0x0] =	vst.idx.msk $0xffff, v51  }
0x102: {  	v42 =	vor.u32 s13, v0;
	[tilespmem:v21+s11+$0x0] =	vst.idx.msk $0xffff, v44;
	v26 =	vld.idx.msk [tilespmem:v12+s3+$0x0], $0xffff  }
0x103: {  	s24 =	simm.s32 $0x6B0;
	v12 =	vld [tilespmem:$0x1FC60]  }
0x104: {  	v20 =	vor.u32 s24, v0;
	v22 =	vld.idx.msk [tilespmem:v22+s3+$0x0], $0xffff  }
0x105: {  	s18 =	simm.s32 $0x530;
	v32 =	vld.idx.msk [tilespmem:v32+s3+$0x0], $0xffff  }
0x106: {  	v57 =	vadd.s32 v53, v3;
	v53 =	vor.u32 s18, v0;
	v55 =	vadd.s32 v54, v6;
	v54 =	vld.idx.msk [tilespmem:v40+s3+$0x0], $0xffff  }
0x107: {  	v21 =	vld.idx.msk [tilespmem:v34+s3+$0x0], $0xffff;
	[tilespmem:v42+s11+$0x0] =	vst.idx.msk $0xffff, v61  }
0x108: {  	s6 =	simm.s32 $0x730;
	v51 =	vadd.s32 v12, v13;
	v12 =	vld [tilespmem:$0x1FD10]  }
0x109: {  	v39 =	vor.u32 s6, v0;
	s6 =	simm.s32 $0x670;
	v13 =	vld [tilespmem:$0x1FE30];
	[tilespmem:v20+s11+$0x0] =	vst.idx.msk $0xffff, v22  }
0x10a: {  	v30 =	vadd.s32 v14, v10;
	v14 =	vld.idx.msk [tilespmem:v48+s3+$0x0], $0xffff;
	[dreg:$0x3] =	wrdreg s6  }
0x10b: {  	s17 =	simm.s32 $0x720;
	v24 =	vadd.s32 v18, v23;
	v18 =	vld [tilespmem:$0x1FD50];
	[tilespmem:v53+s11+$0x0] =	vst.idx.msk $0xffff, v52  }
0x10c: {  	s12 =	simm.s32 $0x360;
	v35 =	vor.u32 s17, v0;
	v20 =	vld [tilespmem:$0x1FC70]  }
0x10d: {  	v62 =	vor.u32 s12, v0;
	_ =	sdelay $0x2  }
0x10e: {  	v42 =	vld.idx.msk [tilespmem:v30+s3+$0x0], $0xffff  }
0x10f: {  	s4 =	simm.s32 $0x440;
	v30 =	vadd.s32 v20, v28;
	v20 =	vld [tilespmem:$0x1FEC0];
	[tilespmem:v35+s11+$0x0] =	vst.idx.msk $0xffff, v32  }
0x110: {  	v58 =	vor.u32 s4, v0;
	v32 =	vld [tilespmem:$0x1FDC0];
	[tilespmem:v62+s11+$0x0] =	vst.idx.msk $0xffff, v19  }
0x111: {  	v19 =	vld [tilespmem:$0x1FC80];
	_ =	sdelay $0x3  }
0x112: {  	[tilespmem:v58+s11+$0x0] =	vst.idx.msk $0xffff, v14  }
0x113: {  	v35 =	vadd.s32 v19, v28;
	v19 =	vld [tilespmem:$0x1FBE0];
	_ =	sdelay $0x6  }
0x114: {  	v56 =	vld.idx.msk [tilespmem:v55+s3+$0x0], $0xffff  }
0x115: {  	v55 =	vld.idx.msk [tilespmem:v19+s3+$0x0], $0xffff  }
0x116: {  	v60 =	vadd.s32 v60, v49;
	v19 =	vld [tilespmem:$0x1FBF0];
	_ =	sdelay $0x2  }
0x117: {  	s15 =	simm.s32 $0x1D0;
	v14 =	vld [tilespmem:$0x1FBD0]  }
0x118: {  	v48 =	vadd.s32 v18, v49;
	v18 =	vor.u32 s15, v0  }
0x119: {  	v60 =	vld.idx.msk [tilespmem:v60+s3+$0x0], $0xffff  }
0x11a: {  	v47 =	vadd.s32 v59, v23;
	v59 =	vld.idx.msk [tilespmem:v57+s3+$0x0], $0xffff  }
0x11b: {  	s30 =	simm.s32 $0x4F0;
	s31 =	simm.s32 $0x5F0;
	v57 =	vld.idx.msk [tilespmem:v24+s3+$0x0], $0xffff  }
0x11c: {  	s0 =	simm.s32 $0x7F0;
	s1 =	simm.s32 $0x760;
	s2 =	simm.s32 $0x5C0;
	v28 =	vadd.s32 v14, v49;
	v14 =	vld [tilespmem:$0x1FDB0];
	[tilespmem:v19+s11+$0x0] =	vst.idx.msk $0xffff, v26  }
0x11d: {  	s10 =	simm.s32 $0xE0;
	s5 =	simm.s32 $0xF0;
	s21 =	simm.s32 $0x540;
	v19 =	vld [tilespmem:$0x1FD00];
	[tilespmem:v18+s11+$0x0] =	vst.idx.msk $0xffff, v54  }
0x11e: {  	v9 =	vadd.s32 v9, v8;
	s23 =	simm.s32 $0x6E0;
	s8 =	simm.s32 $0x6C0;
	s13 =	simm.s32 $0x1E0;
	v31 =	vor.u32 s21, v0;
	v49 =	vadd.s32 v7, v49;
	[tilespmem:$0x1FC00] =	vst v7;
	v7 =	vld [tilespmem:$0x1FC10]  }
0x11f: {  	s18 =	simm.s32 $0x7C0;
	s7 =	simm.s32 $0x1F0;
	s9 =	simm.s32 $0x370;
	v43 =	vor.u32 s13, v0;
	v11 =	vor.u32 s10, v0;
	v46 =	vor.u32 s8, v0  }
0x120: {  	s21 =	simm.s32 $0x590;
	s10 =	simm.s32 $0x740;
	s17 =	simm.s32 $0x660;
	v25 =	vor.u32 s5, v0;
	v27 =	vor.u32 s7, v0;
	v40 =	vor.u32 s9, v0  }
0x121: {  	s13 =	simm.s32 $0x5D0;
	s14 =	simm.s32 $0x4C0;
	s24 =	simm.s32 $0x750;
	v37 =	vor.u32 s10, v0;
	v45 =	vor.u32 s17, v0;
	v50 =	vor.u32 s18, v0;
	v18 =	vld [tilespmem:$0x1FCB0]  }
0x122: {  	s19 =	simm.s32 $0x640;
	s8 =	simm.s32 $0x650;
	s28 =	simm.s32 $0x7D0;
	v33 =	vadd.s32 v17, v23;
	v17 =	vor.u32 s14, v0;
	v36 =	vor.u32 s24, v0  }
0x123: {  	s7 =	simm.s32 $0x10;
	s5 =	simm.s32 $0x7E0;
	s26 =	simm.s32 $0x4D0;
	v44 =	vor.u32 s21, v0;
	v22 =	vor.u32 s19, v0;
	v52 =	vor.u32 s28, v0  }
0x124: {  	s16 =	simm.s32 $0x470;
	s10 =	simm.s32 $0x770;
	s4 =	simm.s32 $0x550;
	v12 =	vadd.s32 v12, v23;
	v13 =	vadd.s32 v13, v8;
	v24 =	vor.u32 s26, v0  }
0x125: {  	s18 =	simm.s32 $0x5E0;
	s14 =	simm.s32 $0x6F0;
	s12 =	simm.s32 $0x5B0;
	v20 =	vadd.s32 v20, v3;
	v34 =	vadd.s32 v32, v5;
	v58 =	vadd.s32 v14, v5  }
0x126: {  	s19 =	simm.s32 $0x7F0;
	s6 =	simm.s32 $0x5A0;
	s15 =	simm.s32 $0x570;
	v32 =	vor.u32 s5, v0;
	v26 =	vadd.s32 v19, v23;
	v54 =	vadd.s32 v18, v6;
	v23 =	vld.idx.msk [tilespmem:v7+s3+$0x0], $0xffff;
	v7 =	vmovc v14  }
.LBB2_2:
0x127: {  	_ =	sdelay $0x2  }
0x128: {  	s9 =	sadd.s32 $0x2, s7  }
0x129: {  	v62 =	vld.idx.msk [tilespmem:v51+s3+$0x0], $0xffff;
	v53 =	vadd.s32 v4, v10;
	v4 =	vmov s9  }
0x12a: {  	v19 =	vmov s7;
	v14 =	vmov v9;
	v9 =	vshrl.u32 v4, $0x3;
	v4 =	vld [tilespmem:$0x1FD60]  }
0x12b: {  	[tilespmem:v22+s11+$0x0] =	vst.idx.msk $0xffff, v21;
	v22 =	vmov v8;
	v8 =	vshrl.u32 v19, $0x3  }
0x12c: {  	v8 =	vshll.u32 v8, v2  }
0x12d: {  	[tilespmem:v46+s11+$0x0] =	vst.idx.msk $0xffff, v56;
	v56 =	vld.idx.msk [tilespmem:v38+s3+$0x0], $0xffff;
	v38 =	vbroadcast v8, $0x0;
	_ =	sdelay $0x1  }
0x12e: {  	[tilespmem:v43+s11+$0x0] =	vst.idx.msk $0xffff, v62;
	v43 =	vadd.s32 v4, v38;
	v4 =	vld [tilespmem:$0x1FE60];
	_ =	sdelay $0x1  }
0x12f: {  	s5 =	sadd.s32 $0x1, s7;
	v9 =	vshll.u32 v9, v2  }
0x130: {  	[dreg:$0x8] =	wrdreg s15;
	s15 =	smov.u32 s7;
	v18 =	vmovc v33;
	v21 =	vmov v10;
	v10 =	vmov s5;
	[tilespmem:v50+s11+$0x0] =	vst.idx.msk $0xffff, v60;
	v33 =	vbroadcast v9, $0x0  }
0x131: {  	[tilespmem:v39+s11+$0x0] =	vst.idx.msk $0xffff, v57;
	s17 =	sadd.s32 $0x4, s15;
	v10 =	vshrl.u32 v10, $0x3;
	v9 =	vld.idx.msk [tilespmem:v48+s3+$0x0], $0xffff  }
0x132: {  	[tilespmem:v31+s11+$0x0] =	vst.idx.msk $0xffff, v59;
	v57 =	vshll.u32 v10, v2;
	v10 =	vmov s17;
	v59 =	vadd.s32 v4, v33;
	v4 =	vld [tilespmem:$0x1FF10]  }
0x133: {  	v31 =	vor.u32 s6, v0;
	s6 =	sadd.s32 $0x7, s15;
	v10 =	vshrl.u32 v10, $0x3  }
0x134: {  	v19 =	vmov v24;
	v24 =	vmov s6;
	v10 =	vshll.u32 v10, v2  }
0x135: {  	v48 =	vld.idx.msk [tilespmem:v1+s3+$0x0], $0xffff;
	v1 =	vmov v15;
	v15 =	vshrl.u32 v24, $0x3;
	v24 =	vbroadcast v10, $0x0;
	_ =	sdelay $0x1  }
0x136: {  	v61 =	vor.u32 s8, v0;
	[tilespmem:v52+s11+$0x0] =	vst.idx.msk $0xffff, v9;
	v52 =	vadd.s32 v4, v24;
	v4 =	vld [tilespmem:$0x1FE70];
	_ =	sdelay $0x4  }
0x137: {  	[tilespmem:v61+s11+$0x0] =	vst.idx.msk $0xffff, v56;
	v61 =	vadd.s32 v4, v33;
	v4 =	vld [tilespmem:$0x1FFD0]  }
0x138: {  	[dreg:$0x4] =	wrdreg s18;
	s18 =	sadd.s32 $0x5, s15  }
0x139: {  	[tilespmem:v11+s11+$0x0] =	vst.idx.msk $0xffff, v23;
	v23 =	vmov s18;
	v15 =	vshll.u32 v15, v2  }
0x13a: {  	s21 =	sadd.s32 $0x6, s15;
	v62 =	vshrl.u32 v23, $0x3;
	v23 =	vbroadcast v15, $0x0  }
0x13b: {  	[dreg:$0xa] =	wrdreg s10;
	s10 =	sadd.s32 $0x3, s7;
	v60 =	vmov s21  }
0x13c: {  	v46 =	vmov s10;
	v10 =	vshrl.u32 v60, $0x3;
	v60 =	vadd.s32 v4, v23;
	v4 =	vld [tilespmem:$0x1FE40]  }
0x13d: {  	v8 =	vshrl.u32 v46, $0x3  }
0x13e: {  	v47 =	vld.idx.msk [tilespmem:v47+s3+$0x0], $0xffff;
	v8 =	vshll.u32 v8, v2  }
0x13f: {  	[tilespmem:v40+s11+$0x0] =	vst.idx.msk $0xffff, v55;
	v40 =	vld.idx.msk [tilespmem:v30+s3+$0x0], $0xffff;
	v30 =	vshll.u32 v10, v2;
	v10 =	vbroadcast v8, $0x0;
	v8 =	vbroadcast v57, $0x0  }
0x140: {  	v9 =	vshll.u32 v62, v2  }
0x141: {  	[tilespmem:v27+s11+$0x0] =	vst.idx.msk $0xffff, v48;
	v27 =	vbroadcast v9, $0x0;
	v9 =	vadd.s32 v4, v8;
	v4 =	vld [tilespmem:$0x1FFA0];
	_ =	sdelay $0x1  }
0x142: {  	[tilespmem:v37+s11+$0x0] =	vst.idx.msk $0xffff, v47  }
0x143: {  	v47 =	vld.idx.msk [tilespmem:v26+s3+$0x0], $0xffff;
	v26 =	vbroadcast v30, $0x0;
	_ =	sdelay $0x1  }
0x144: {  	[tilespmem:v44+s11+$0x0] =	vst.idx.msk $0xffff, v42;
	v42 =	vadd.s32 v4, v26;
	v4 =	vld [tilespmem:$0x1FF70];
	_ =	sdelay $0x2  }
0x145: {  	v58 =	vld.idx.msk [tilespmem:v58+s3+$0x0], $0xffff  }
0x146: {  	s26 =	sadd.s32 $0xFFFFFC60, s0;
	v41 =	vld.idx.msk [tilespmem:v41+s3+$0x0], $0xffff  }
0x147: {  	v50 =	vor.u32 s26, v0;
	[tilespmem:v45+s11+$0x0] =	vst.idx.msk $0xffff, v40;
	v45 =	vadd.s32 v4, v27;
	v4 =	vld [tilespmem:$0x1FD70];
	_ =	sdelay $0x2  }
0x148: {  	v29 =	vld.idx.msk [tilespmem:v29+s3+$0x0], $0xffff  }
0x149: {  	[tilespmem:v25+s11+$0x0] =	vst.idx.msk $0xffff, v41;
	v25 =	vld.idx.msk [tilespmem:v43+s3+$0x0], $0xffff  }
0x14a: {  	[tilespmem:v50+s11+$0x0] =	vst.idx.msk $0xffff, v58;
	v50 =	vadd.s32 v4, v38;
	v4 =	vld [tilespmem:$0x1FF20];
	_ =	sdelay $0x3  }
0x14b: {  	v44 =	vld.idx.msk [tilespmem:v53+s3+$0x0], $0xffff  }
0x14c: {  	v53 =	vadd.s32 v4, v24;
	v4 =	vld [tilespmem:$0x1FDD0];
	_ =	sdelay $0x4  }
0x14d: {  	v58 =	vadd.s32 v4, v5;
	v4 =	vld [tilespmem:$0x1FDE0];
	_ =	sdelay $0x4  }
0x14e: {  	[tilespmem:v36+s11+$0x0] =	vst.idx.msk $0xffff, v47;
	v36 =	vadd.s32 v4, v8;
	v4 =	vld [tilespmem:$0x1FE80];
	_ =	sdelay $0x4  }
0x14f: {  	v47 =	vadd.s32 v4, v33;
	v4 =	vld [tilespmem:$0x1FFE0];
	_ =	sdelay $0x1  }
0x150: {  	s24 =	sadd.s32 $0xFFFFFCF0, s0;
	s0 =	sadd.s32 $0x400, s0  }
0x151: {  	s28 =	sadd.s32 $0xFFFFFC10, s0;
	v62 =	vld.idx.msk [tilespmem:v49+s3+$0x0], $0xffff  }
0x152: {  	v37 =	vor.u32 s28, v0  }
0x153: {  	v48 =	vadd.s32 v4, v23;
	v4 =	vld [tilespmem:$0x1FC30]  }
0x154: {  	v39 =	vld.idx.msk [tilespmem:v54+s3+$0x0], $0xffff  }
0x155: {  	s9 =	sadd.s32 $0xFFFFFD10, s0;
	v46 =	vld.idx.msk [tilespmem:v59+s3+$0x0], $0xffff  }
0x156: {  	v59 =	vor.u32 s9, v0;
	v54 =	vld.idx.msk [tilespmem:v60+s3+$0x0], $0xffff;
	[tilespmem:v32+s11+$0x0] =	vst.idx.msk $0xffff, v62  }
0x157: {  	[tilespmem:v37+s11+$0x0] =	vst.idx.msk $0xffff, v25;
	v25 =	vld.idx.msk [tilespmem:v28+s3+$0x0], $0xffff  }
0x158: {  	v28 =	vadd.s32 v4, v21;
	v4 =	vld [tilespmem:$0x1FCC0];
	_ =	sdelay $0x1  }
0x159: {  	v16 =	vld.idx.msk [tilespmem:v16+s3+$0x0], $0xffff  }
0x15a: {  	v40 =	vld.idx.msk [tilespmem:v52+s3+$0x0], $0xffff;
	[tilespmem:v59+s11+$0x0] =	vst.idx.msk $0xffff, v46  }
0x15b: {  	s17 =	sadd.s32 $0xFFFFFE10, s0;
	v43 =	vld.idx.msk [tilespmem:v61+s3+$0x0], $0xffff  }
0x15c: {  	v49 =	vor.u32 s17, v0;
	v61 =	vadd.s32 v4, v6;
	v4 =	vld [tilespmem:$0x1FF80];
	_ =	sdelay $0x3  }
0x15d: {  	v35 =	vld.idx.msk [tilespmem:v35+s3+$0x0], $0xffff  }
0x15e: {  	[tilespmem:v49+s11+$0x0] =	vst.idx.msk $0xffff, v40;
	v49 =	vadd.s32 v4, v27;
	v4 =	vld [tilespmem:$0x1FD80];
	_ =	sdelay $0x3  }
0x15f: {  	v5 =	vmov v38  }
0x160: {  	v51 =	vor.u32 s4, v0;
	v62 =	vadd.s32 v4, v5;
	v4 =	vld [tilespmem:$0x1FF30];
	_ =	sdelay $0x4  }
0x161: {  	[tilespmem:v51+s11+$0x0] =	vst.idx.msk $0xffff, v16;
	v51 =	vadd.s32 v4, v24;
	v4 =	vld [tilespmem:$0x1FDF0];
	_ =	sdelay $0x3  }
0x162: {  	s9 =	smov.u32 s16;
	s16 =	sadd.s32 $0xFFFFFF90, s0  }
0x163: {  	[tilespmem:v31+s11+$0x0] =	vst.idx.msk $0xffff, v44;
	v46 =	vor.u32 s16, v0;
	v31 =	vadd.s32 v4, v8;
	v4 =	vld [tilespmem:$0x1FE90];
	_ =	sdelay $0x4  }
0x164: {  	[tilespmem:v46+s11+$0x0] =	vst.idx.msk $0xffff, v54;
	v46 =	vadd.s32 v4, v33;
	v4 =	vld [tilespmem:$0x1FFB0];
	_ =	sdelay $0x2  }
0x165: {  	s17 =	sadd.s32 $0xFFFFFE90, s0  }
0x166: {  	v41 =	vor.u32 s17, v0;
	s17 =	rddreg [dreg:$0x3]  }
0x167: {  	v56 =	vor.u32 s17, v0;
	v54 =	vadd.s32 v4, v26;
	v4 =	vld [tilespmem:$0x1FFF0];
	_ =	sdelay $0x2  }
0x168: {  	s5 =	sadd.s32 $0xFFFFFE70, s0  }
0x169: {  	[dreg:$0x6] =	wrdreg s5;
	s5 =	sadd.s32 $0xFFFFFF10, s0;
	v42 =	vld.idx.msk [tilespmem:v42+s3+$0x0], $0xffff  }
0x16a: {  	v52 =	vor.u32 s5, v0;
	[tilespmem:v56+s11+$0x0] =	vst.idx.msk $0xffff, v35;
	v56 =	vadd.s32 v4, v23;
	v4 =	vld [tilespmem:$0x1FED0];
	_ =	sdelay $0x4  }
0x16b: {  	[tilespmem:v52+s11+$0x0] =	vst.idx.msk $0xffff, v42;
	v42 =	vadd.s32 v4, v3;
	v4 =	vld [tilespmem:$0x1FF90];
	_ =	sdelay $0x4  }
0x16c: {  	v3 =	vmov v33;
	v33 =	vadd.s32 v4, v27;
	v4 =	vld [tilespmem:$0x1FD90];
	_ =	sdelay $0x2  }
0x16d: {  	s16 =	sadd.s32 $0xFFFFFEE0, s19  }
0x16e: {  	s10 =	smov.u32 s23;
	s23 =	sadd.s32 $0xFFFFFE80, s0;
	v59 =	vor.u32 s16, v0;
	s16 =	sadd.s32 $0xFFFFFE20, s0;
	v53 =	vld.idx.msk [tilespmem:v53+s3+$0x0], $0xffff  }
0x16f: {  	s17 =	smov.u32 s23;
	v32 =	vor.u32 s16, v0;
	v52 =	vadd.s32 v4, v5;
	v4 =	vld [tilespmem:$0x1FF40]  }
0x170: {  	[dreg:$0x3] =	wrdreg s17;
	s17 =	sadd.s32 $0xFFFFFC70, s19  }
0x171: {  	v55 =	vld.idx.msk [tilespmem:v34+s3+$0x0], $0xffff;
	s5 =	sadd.s32 $0xFFFFFC20, s0;
	v60 =	vor.u32 s17, v0  }
0x172: {  	v37 =	vor.u32 s5, v0;
	v16 =	vld.idx.msk [tilespmem:v50+s3+$0x0], $0xffff;
	_ =	sdelay $0x1  }
0x173: {  	[tilespmem:v32+s11+$0x0] =	vst.idx.msk $0xffff, v53;
	v53 =	vadd.s32 v4, v24;
	v4 =	vld [tilespmem:$0x1FEE0];
	_ =	sdelay $0x1  }
0x174: {  	[tilespmem:v60+s11+$0x0] =	vst.idx.msk $0xffff, v55  }
0x175: {  	v38 =	vld.idx.msk [tilespmem:v45+s3+$0x0], $0xffff;
	[tilespmem:v37+s11+$0x0] =	vst.idx.msk $0xffff, v16  }
0x176: {  	v35 =	vld.idx.msk [tilespmem:v62+s3+$0x0], $0xffff  }
0x177: {  	v62 =	vadd.s32 v4, v10;
	v4 =	vld [tilespmem:$0x1FE00];
	_ =	sdelay $0x2  }
0x178: {  	[tilespmem:v59+s11+$0x0] =	vst.idx.msk $0xffff, v39  }
0x179: {  	v40 =	vld.idx.msk [tilespmem:v61+s3+$0x0], $0xffff  }
0x17a: {  	[tilespmem:v41+s11+$0x0] =	vst.idx.msk $0xffff, v38;
	v41 =	vadd.s32 v4, v8;
	v4 =	vld [tilespmem:$0x1FEA0];
	_ =	sdelay $0x3  }
0x17b: {  	s5 =	sadd.s32 $0xFFFFFD20, s0  }
0x17c: {  	v57 =	vor.u32 s5, v0;
	v32 =	vadd.s32 v4, v3;
	v4 =	vld [tilespmem:$0x1FFC0];
	_ =	sdelay $0x1  }
0x17d: {  	v16 =	vld.idx.msk [tilespmem:v20+s3+$0x0], $0xffff  }
0x17e: {  	v36 =	vld.idx.msk [tilespmem:v36+s3+$0x0], $0xffff  }
0x17f: {  	s17 =	sadd.s32 $0xFFFFFFA0, s0;
	[tilespmem:v17+s11+$0x0] =	vst.idx.msk $0xffff, v29;
	v29 =	vld.idx.msk [tilespmem:v48+s3+$0x0], $0xffff  }
0x180: {  	v50 =	vor.u32 s17, v0;
	[tilespmem:v57+s11+$0x0] =	vst.idx.msk $0xffff, v43;
	v57 =	vadd.s32 v4, v26;
	v4 =	vld [tilespmem:$0x1FD30];
	_ =	sdelay $0x3  }
0x181: {  	s8 =	sadd.s32 $0xFFFFFC90, s0  }
0x182: {  	v15 =	vor.u32 s8, v0;
	[tilespmem:v50+s11+$0x0] =	vst.idx.msk $0xffff, v29;
	v29 =	vadd.s32 v4, v23;
	v4 =	vld [tilespmem:$0x1FF00];
	_ =	sdelay $0x1  }
0x183: {  	s17 =	sadd.s32 $0xFFFFFD30, s0  }
0x184: {  	v44 =	vor.u32 s17, v0;
	s17 =	sadd.s32 $0xFFFFFD70, s19  }
0x185: {  	v37 =	vor.u32 s17, v0;
	s17 =	sadd.s32 $0xFFFFFC30, s0  }
0x186: {  	v60 =	vor.u32 s17, v0;
	[tilespmem:v15+s11+$0x0] =	vst.idx.msk $0xffff, v36;
	v15 =	vadd.s32 v4, v10;
	v4 =	vld [tilespmem:$0x1FC90];
	_ =	sdelay $0x3  }
0x187: {  	v58 =	vld.idx.msk [tilespmem:v58+s3+$0x0], $0xffff  }
0x188: {  	[tilespmem:v60+s11+$0x0] =	vst.idx.msk $0xffff, v35;
	v35 =	vadd.s32 v4, v27;
	v4 =	vld [tilespmem:$0x1FC40];
	_ =	sdelay $0x2  }
0x189: {  	v47 =	vld.idx.msk [tilespmem:v47+s3+$0x0], $0xffff;
	[tilespmem:v37+s11+$0x0] =	vst.idx.msk $0xffff, v16  }
0x18a: {  	v37 =	vld.idx.msk [tilespmem:v42+s3+$0x0], $0xffff  }
0x18b: {  	v38 =	vor.u32 s9, v0;
	v42 =	vadd.s32 v4, v21;
	v4 =	vld [tilespmem:$0x1FCD0];
	_ =	sdelay $0x4  }
0x18c: {  	[tilespmem:v38+s11+$0x0] =	vst.idx.msk $0xffff, v58;
	v38 =	vadd.s32 v4, v6;
	v4 =	vld [tilespmem:$0x1FF50];
	_ =	sdelay $0x2  }
0x18d: {  	v50 =	vld.idx.msk [tilespmem:v54+s3+$0x0], $0xffff  }
0x18e: {  	v54 =	vld.idx.msk [tilespmem:v56+s3+$0x0], $0xffff  }
0x18f: {  	v56 =	vadd.s32 v4, v24;
	v4 =	vld [tilespmem:$0x1FDA0];
	_ =	sdelay $0x4  }
0x190: {  	v48 =	vor.u32 s10, v0;
	v58 =	vadd.s32 v4, v5;
	v4 =	vld [tilespmem:$0x1FE10];
	_ =	sdelay $0x3  }
0x191: {  	v43 =	vld.idx.msk [tilespmem:v49+s3+$0x0], $0xffff  }
0x192: {  	[tilespmem:v48+s11+$0x0] =	vst.idx.msk $0xffff, v40;
	v48 =	vadd.s32 v4, v8;
	v4 =	vld [tilespmem:$0x1FCE0];
	_ =	sdelay $0x3  }
0x193: {  	v40 =	vld.idx.msk [tilespmem:v52+s3+$0x0], $0xffff  }
0x194: {  	v52 =	vadd.s32 v4, v26;
	v4 =	vld [tilespmem:$0x1FD40];
	_ =	sdelay $0x3  }
0x195: {  	v17 =	vld.idx.msk [tilespmem:v28+s3+$0x0], $0xffff  }
0x196: {  	v16 =	vor.u32 s12, v0;
	v49 =	vadd.s32 v4, v23;
	v4 =	vld [tilespmem:$0x1FEB0];
	_ =	sdelay $0x3  }
0x197: {  	s16 =	sadd.s32 $0xFFFFFEA0, s0  }
0x198: {  	v45 =	vor.u32 s16, v0;
	[tilespmem:v16+s11+$0x0] =	vst.idx.msk $0xffff, v17;
	v16 =	vadd.s32 v4, v3;
	v4 =	vld [tilespmem:$0x1FCA0];
	_ =	sdelay $0x2  }
0x199: {  	s23 =	sadd.s32 $0xFFFFFF20, s0  }
0x19a: {  	v34 =	vor.u32 s23, v0;
	v6 =	vmov v27  }
0x19b: {  	[tilespmem:v45+s11+$0x0] =	vst.idx.msk $0xffff, v43;
	v45 =	vadd.s32 v4, v6;
	v4 =	vld [tilespmem:$0x1FC50]  }
0x19c: {  	s23 =	sadd.s32 $0xFFFFFCA0, s0  }
0x19d: {  	v39 =	vor.u32 s23, v0;
	v31 =	vld.idx.msk [tilespmem:v31+s3+$0x0], $0xffff  }
0x19e: {  	[tilespmem:v44+s11+$0x0] =	vst.idx.msk $0xffff, v47  }
0x19f: {  	[tilespmem:v34+s11+$0x0] =	vst.idx.msk $0xffff, v50;
	v34 =	vld.idx.msk [tilespmem:v46+s3+$0x0], $0xffff  }
0x1a0: {  	s23 =	sadd.s32 $0xFFFFFE30, s0;
	v46 =	vadd.s32 v4, v21;
	v4 =	vld [tilespmem:$0x1FF60]  }
0x1a1: {  	s5 =	sadd.s32 $0xFFFFFFB0, s0;
	v55 =	vor.u32 s23, v0;
	v60 =	vld.idx.msk [tilespmem:v51+s3+$0x0], $0xffff  }
0x1a2: {  	v59 =	vor.u32 s5, v0;
	s10 =	sadd.s32 $0xFFFFFCB0, s0;
	[tilespmem:v39+s11+$0x0] =	vst.idx.msk $0xffff, v31  }
0x1a3: {  	v61 =	vor.u32 s10, v0;
	v41 =	vld.idx.msk [tilespmem:v41+s3+$0x0], $0xffff  }
0x1a4: {  	v44 =	vld.idx.msk [tilespmem:v38+s3+$0x0], $0xffff  }
0x1a5: {  	v38 =	vadd.s32 v4, v24;
	v4 =	vld [tilespmem:$0x1FE20]  }
0x1a6: {  	[tilespmem:v55+s11+$0x0] =	vst.idx.msk $0xffff, v60  }
0x1a7: {  	[tilespmem:v59+s11+$0x0] =	vst.idx.msk $0xffff, v54  }
0x1a8: {  	[tilespmem:v61+s11+$0x0] =	vst.idx.msk $0xffff, v41;
	v41 =	vld.idx.msk [tilespmem:v53+s3+$0x0], $0xffff  }
0x1a9: {  	v53 =	vld.idx.msk [tilespmem:v29+s3+$0x0], $0xffff  }
0x1aa: {  	v29 =	vadd.s32 v4, v8;
	v4 =	vld [tilespmem:$0x1FEF0];
	_ =	sdelay $0x2  }
0x1ab: {  	s15 =	sadd.s32 $0xFFFFFEF0, s0;
	v33 =	vld.idx.msk [tilespmem:v33+s3+$0x0], $0xffff  }
0x1ac: {  	s23 =	smov.u32 s15;
	s15 =	sadd.s32 $0xFFFFFEB0, s0;
	v43 =	vor.u32 s2, v0;
	v42 =	vld.idx.msk [tilespmem:v42+s3+$0x0], $0xffff  }
0x1ad: {  	v36 =	vor.u32 s15, v0;
	v59 =	vadd.s32 v4, v10;
	v4 =	vld [tilespmem:$0x1FD20];
	_ =	sdelay $0x1  }
0x1ae: {  	s18 =	sadd.s32 $0xFFFFFDC0, s0;
	s9 =	sadd.s32 $0xFFFFFD50, s0  }
0x1af: {  	s12 =	smov.u32 s18;
	s18 =	sadd.s32 $0xFFFFFC40, s0;
	v17 =	vor.u32 s19, v0;
	v31 =	vor.u32 s9, v0;
	s9 =	sadd.s32 $0xFFFFFFC0, s0  }
0x1b0: {  	v27 =	vor.u32 s18, v0;
	s18 =	sadd.s32 $0xFFFFFCC0, s0;
	[tilespmem:v43+s11+$0x0] =	vst.idx.msk $0xffff, v42;
	v42 =	vor.u32 s9, v0;
	v47 =	vld.idx.msk [tilespmem:v48+s3+$0x0], $0xffff  }
0x1b1: {  	v50 =	vor.u32 s18, v0;
	[tilespmem:v36+s11+$0x0] =	vst.idx.msk $0xffff, v33;
	v33 =	vadd.s32 v4, v26;
	v4 =	vld [tilespmem:$0x1FCF0];
	_ =	sdelay $0x2  }
0x1b2: {  	[dreg:$0x5] =	wrdreg s14;
	s21 =	sadd.s32 $0xFFFFFC80, s0;
	s16 =	sadd.s32 $0xFFFFFF30, s0;
	[tilespmem:v17+s11+$0x0] =	vst.idx.msk $0xffff, v25  }
0x1b3: {  	s14 =	sadd.s32 $0xFFFFFD90, s0;
	v28 =	vor.u32 s16, v0;
	s16 =	smov.u32 s21;
	s21 =	sadd.s32 $0xFFFFFE40, s0;
	[tilespmem:v42+s11+$0x0] =	vst.idx.msk $0xffff, v53;
	v53 =	vld.idx.msk [tilespmem:v13+s3+$0x0], $0xffff  }
0x1b4: {  	v30 =	vor.u32 s14, v0;
	s14 =	sadd.s32 $0xFFFFFD00, s0;
	v51 =	vor.u32 s21, v0;
	[tilespmem:v50+s11+$0x0] =	vst.idx.msk $0xffff, v47;
	v47 =	vadd.s32 v4, v26;
	v4 =	vld [tilespmem:$0x1FC60]  }
0x1b5: {  	v25 =	vor.u32 s30, v0;
	s30 =	smov.u32 s14;
	s14 =	rddreg [dreg:$0x5]  }
0x1b6: {  	s10 =	sadd.s32 $0xFFFFFEC0, s0;
	v54 =	vld.idx.msk [tilespmem:v57+s3+$0x0], $0xffff;
	v57 =	vor.u32 s14, v0  }
0x1b7: {  	v55 =	vor.u32 s10, v0;
	v35 =	vld.idx.msk [tilespmem:v35+s3+$0x0], $0xffff  }
0x1b8: {  	v36 =	vld.idx.msk [tilespmem:v62+s3+$0x0], $0xffff  }
0x1b9: {  	s21 =	rddreg [dreg:$0x8];
	[tilespmem:v51+s11+$0x0] =	vst.idx.msk $0xffff, v41;
	v51 =	vadd.s32 v4, v21;
	v4 =	vld [tilespmem:$0x1FD10]  }
0x1ba: {  	v62 =	vld.idx.msk [tilespmem:v12+s3+$0x0], $0xffff;
	v48 =	vor.u32 s21, v0  }
0x1bb: {  	s17 =	sadd.s32 $0xFFFFFD40, s0;
	v41 =	vadd.s32 v63, v22;
	v63 =	vor.u32 s1, v0;
	[tilespmem:v57+s11+$0x0] =	vst.idx.msk $0xffff, v44;
	v57 =	vld [tilespmem:$0x1FC80]  }
0x1bc: {  	v20 =	vor.u32 s17, v0;
	[tilespmem:v55+s11+$0x0] =	vst.idx.msk $0xffff, v35;
	v55 =	vld [tilespmem:$0x1FDC0];
	_ =	sdelay $0x1  }
0x1bd: {  	[tilespmem:v28+s11+$0x0] =	vst.idx.msk $0xffff, v54;
	v12 =	vadd.s32 v4, v26;
	v4 =	vld [tilespmem:$0x1FE30]  }
0x1be: {  	[tilespmem:v48+s11+$0x0] =	vst.idx.msk $0xffff, v37  }
0x1bf: {  	v35 =	vadd.s32 v57, v24;
	v57 =	vld.idx.msk [tilespmem:v52+s3+$0x0], $0xffff;
	[tilespmem:v63+s11+$0x0] =	vst.idx.msk $0xffff, v62  }
0x1c0: {  	[tilespmem:v20+s11+$0x0] =	vst.idx.msk $0xffff, v34;
	v34 =	vadd.s32 v55, v5;
	v55 =	vld.idx.msk [tilespmem:v18+s3+$0x0], $0xffff  }
0x1c1: {  	v18 =	vld [tilespmem:$0x1FD00]  }
0x1c2: {  	v13 =	vadd.s32 v4, v8;
	v4 =	vld [tilespmem:$0x1FD50]  }
0x1c3: {  	s15 =	sadd.s32 $0xFFFFFC50, s0;
	[tilespmem:v27+s11+$0x0] =	vst.idx.msk $0xffff, v40  }
0x1c4: {  	p0 =	slt.u32 s7, $0xC0;
	v60 =	vor.u32 s15, v0;
	v58 =	vld.idx.msk [tilespmem:v58+s3+$0x0], $0xffff  }
0x1c5: {  	s7 =	sadd.s32 $0x8, s7;
	s4 =	sadd.s32 $0xFFFFFE00, s0;
	v11 =	vor.u32 s24, v0;
	s24 =	sadd.s32 $0xFFFFFF70, s0;
	v63 =	vld [tilespmem:$0x1FE50]  }
0x1c6: {  	s26 =	sadd.s32 $0xFFFFFF00, s0;
	s6 =	sadd.s32 $0xFFFFFFF0, s0;
	[dreg:$0xb] =	wrdreg s24;
	v26 =	vadd.s32 v18, v26;
	v18 =	vld [tilespmem:$0x1FCB0]  }
0x1c7: {  	s24 =	sadd.s32 $0xFFFFFDF0, s0;
	[dreg:$0x7] =	wrdreg s6;
	s28 =	sadd.s32 $0xFFFFFDE0, s0;
	v48 =	vadd.s32 v4, v23;
	v4 =	vld [tilespmem:$0x1FC70]  }
0x1c8: {  	s6 =	sadd.s32 $0xFFFFFD80, s0;
	[dreg:$0x9] =	wrdreg s28;
	s28 =	sadd.s32 $0xFFFFFF80, s0;
	v20 =	vld [tilespmem:$0x1FEC0]  }
0x1c9: {  	s8 =	sadd.s32 $0xFFFFFDD0, s0;
	s5 =	rddreg [dreg:$0xb];
	s17 =	sadd.s32 $0xFFFFFF40, s0;
	[tilespmem:v60+s11+$0x0] =	vst.idx.msk $0xffff, v58;
	v60 =	vld.idx.msk [tilespmem:v49+s3+$0x0], $0xffff  }
0x1ca: {  	s19 =	smov.u32 s0;
	s2 =	smov.u32 s8;
	s8 =	sadd.s32 $0xFFFFFDA0, s0;
	v61 =	vld.idx.msk [tilespmem:v46+s3+$0x0], $0xffff  }
0x1cb: {  	s15 =	smov.u32 s6;
	s10 =	sadd.s32 $0xFFFFFED0, s0;
	s6 =	sadd.s32 $0xFFFFFE50, s0;
	v54 =	vadd.s32 v18, v6;
	v18 =	vld [tilespmem:$0x1FC00]  }
0x1cc: {  	v39 =	vor.u32 s17, v0;
	s17 =	rddreg [dreg:$0xa];
	s1 =	smov.u32 s5;
	v22 =	vor.u32 s6, v0;
	s6 =	sadd.s32 $0xFFFFFDB0, s0;
	[tilespmem:v30+s11+$0x0] =	vst.idx.msk $0xffff, v36;
	v30 =	vadd.s32 v4, v24;
	v24 =	vld [tilespmem:$0x1FBD0]  }
0x1cd: {  	s14 =	smov.u32 s26;
	s26 =	rddreg [dreg:$0x4];
	s18 =	sadd.s32 $0xFFFFFF50, s0;
	v27 =	vor.u32 s31, v0;
	v40 =	vor.u32 s17, v0;
	v42 =	vld.idx.msk [tilespmem:v59+s3+$0x0], $0xffff;
	v4 =	vor.u32 s13, v0  }
.Ltmp0:
0x1ce: {  	v43 =	vor.u32 s26, v0;
	s9 =	rddreg [dreg:$0x9];
	v44 =	vor.u32 s8, v0;
	s21 =	sadd.s32 $0xFFFFFCD0, s0;
	v58 =	vadd.s32 v7, v5;
	v59 =	vld.idx.msk [tilespmem:v32+s3+$0x0], $0xffff;
	(pc) =	sbr.rel @p0 .LBB2_2-.Ltmp0, $4  }
0x1cf: {  	s17 =	sadd.s32 $0xFFFFFF60, s0;
	v17 =	vor.u32 s21, v0;
	v37 =	vor.u32 s18, v0;
	v46 =	vor.u32 s10, v0;
	s10 =	smov.u32 s28;
	s28 =	sadd.s32 $0xFFFFFFD0, s0;
	v21 =	vld.idx.msk [tilespmem:v56+s3+$0x0], $0xffff  }
0x1d0: {  	s31 =	smov.u32 s4;
	s26 =	rddreg [dreg:$0x6];
	[tilespmem:v19+s11+$0x0] =	vst.idx.msk $0xffff, v53;
	v20 =	vadd.s32 v20, v3;
	v36 =	vor.u32 s17, v0;
	v50 =	vor.u32 s28, v0;
	s28 =	sadd.s32 $0xFFFFFFE0, s0;
	v56 =	vld.idx.msk [tilespmem:v45+s3+$0x0], $0xffff  }
0x1d1: {  	s21 =	sadd.s32 $0xFFFFFCE0, s0;
	s18 =	smov.u32 s24;
	s24 =	rddreg [dreg:$0x7];
	v52 =	vor.u32 s28, v0;
	v49 =	vadd.s32 v18, v23;
	v28 =	vadd.s32 v24, v23;
	v23 =	vld.idx.msk [tilespmem:v14+s3+$0x0], $0xffff  }
0x1d2: {  	s4 =	sadd.s32 $0xFFFFFD60, s0;
	s8 =	sadd.s32 $0xFFFFFE60, s0;
	v32 =	vor.u32 s24, v0;
	v45 =	vor.u32 s26, v0;
	s13 =	smov.u32 s9;
	v24 =	vor.u32 s21, v0;
	[tilespmem:v4+s11+$0x0] =	vst.idx.msk $0xffff, v61;
	v4 =	vld [tilespmem:$0x1FC20]  }
0x1d3: {  	_ =	sdelay $0x3  }
0x1d4: {  	[tilespmem:v31+s11+$0x0] =	vst.idx.msk $0xffff, v59  }
0x1d5: {  	[tilespmem:v44+s11+$0x0] =	vst.idx.msk $0xffff, v42  }
0x1d6: {  	[tilespmem:v39+s11+$0x0] =	vst.idx.msk $0xffff, v57;
	v4 =	vadd.s32 v4, v10  }
0x1d7: {  	v7 =	vld.idx.msk [tilespmem:v51+s3+$0x0], $0xffff;
	[tilespmem:v22+s11+$0x0] =	vst.idx.msk $0xffff, v21  }
0x1d8: {  	[tilespmem:v50+s11+$0x0] =	vst.idx.msk $0xffff, v60;
	v19 =	vld.idx.msk [tilespmem:v38+s3+$0x0], $0xffff  }
0x1d9: {  	v18 =	vor.u32 s8, v0;
	[tilespmem:v46+s11+$0x0] =	vst.idx.msk $0xffff, v56;
	v56 =	vld.idx.msk [tilespmem:v47+s3+$0x0], $0xffff  }
0x1da: {  	v21 =	vld [tilespmem:$0x1FC30]  }
0x1db: {  	v14 =	vor.u32 s6, v0;
	[tilespmem:v11+s11+$0x0] =	vst.idx.msk $0xffff, v23;
	v4 =	vld.idx.msk [tilespmem:v4+s3+$0x0], $0xffff  }
0x1dc: {  	[tilespmem:v40+s11+$0x0] =	vst.idx.msk $0xffff, v55  }
0x1dd: {  	[tilespmem:v43+s11+$0x0] =	vst.idx.msk $0xffff, v7  }
0x1de: {  	v57 =	vld.idx.msk [tilespmem:v48+s3+$0x0], $0xffff;
	[tilespmem:v18+s11+$0x0] =	vst.idx.msk $0xffff, v19  }
0x1df: {  	v59 =	vld.idx.msk [tilespmem:v41+s3+$0x0], $0xffff;
	[tilespmem:v37+s11+$0x0] =	vst.idx.msk $0xffff, v56;
	v21 =	vadd.s32 v21, v10  }
0x1e0: {  	v1 =	vld.idx.msk [tilespmem:v1+s3+$0x0], $0xffff;
	[tilespmem:v14+s11+$0x0] =	vst.idx.msk $0xffff, v4  }
0x1e1: {  	v11 =	vld [tilespmem:$0x1FC40]  }
0x1e2: {  	s5 =	sadd.s32 $0xFFFFFC60, s0;
	v18 =	vld.idx.msk [tilespmem:v30+s3+$0x0], $0xffff  }
0x1e3: {  	v62 =	vld.idx.msk [tilespmem:v58+s3+$0x0], $0xffff;
	v61 =	vor.u32 s5, v0  }
0x1e4: {  	v60 =	vor.u32 s12, v0;
	v4 =	vld.idx.msk [tilespmem:v21+s3+$0x0], $0xffff;
	[tilespmem:v52+s11+$0x0] =	vst.idx.msk $0xffff, v57  }
0x1e5: {  	v31 =	vld.idx.msk [tilespmem:v29+s3+$0x0], $0xffff;
	[tilespmem:v25+s11+$0x0] =	vst.idx.msk $0xffff, v59  }
0x1e6: {  	v30 =	vld.idx.msk [tilespmem:v26+s3+$0x0], $0xffff;
	[tilespmem:v27+s11+$0x0] =	vst.idx.msk $0xffff, v1;
	v11 =	vadd.s32 v11, v10  }
0x1e7: {  	[tilespmem:v45+s11+$0x0] =	vst.idx.msk $0xffff, v18;
	v1 =	vld.idx.msk [tilespmem:v49+s3+$0x0], $0xffff  }
0x1e8: {  	v16 =	vld.idx.msk [tilespmem:v16+s3+$0x0], $0xffff;
	[tilespmem:v61+s11+$0x0] =	vst.idx.msk $0xffff, v62  }
0x1e9: {  	s8 =	sadd.s32 $0xFFFFFC70, s19;
	v38 =	vor.u32 s4, v0;
	v19 =	vld.idx.msk [tilespmem:v34+s3+$0x0], $0xffff;
	[tilespmem:v60+s11+$0x0] =	vst.idx.msk $0xffff, v4  }
0x1ea: {  	v39 =	vor.u32 s8, v0;
	v18 =	vld [tilespmem:$0x1FC50]  }
0x1eb: {  	v37 =	vor.u32 s2, v0;
	[tilespmem:v36+s11+$0x0] =	vst.idx.msk $0xffff, v30;
	v11 =	vld.idx.msk [tilespmem:v11+s3+$0x0], $0xffff  }
0x1ec: {  	[tilespmem:v32+s11+$0x0] =	vst.idx.msk $0xffff, v1;
	v1 =	vld.idx.msk [tilespmem:v54+s3+$0x0], $0xffff  }
0x1ed: {  	s9 =	sadd.s32 $0xFFFFFEE0, s19;
	v23 =	vld [tilespmem:$0x1FDD0];
	s12 =	rddreg [dreg:$0x3];
	[tilespmem:v17+s11+$0x0] =	vst.idx.msk $0xffff, v31  }
0x1ee: {  	v40 =	vor.u32 s9, v0;
	v17 =	vld [tilespmem:$0x1FCC0];
	[tilespmem:v38+s11+$0x0] =	vst.idx.msk $0xffff, v16  }
0x1ef: {  	v42 =	vld.idx.msk [tilespmem:v35+s3+$0x0], $0xffff;
	v41 =	vor.u32 s12, v0;
	[tilespmem:v39+s11+$0x0] =	vst.idx.msk $0xffff, v19;
	v18 =	vadd.s32 v18, v10  }
0x1f0: {  	v43 =	vld.idx.msk [tilespmem:v13+s3+$0x0], $0xffff;
	[tilespmem:v37+s11+$0x0] =	vst.idx.msk $0xffff, v11  }
0x1f1: {  	v47 =	vld [tilespmem:$0x1FC60]  }
0x1f2: {  	v5 =	vadd.s32 v23, v5  }
0x1f3: {  	v54 =	vld.idx.msk [tilespmem:v12+s3+$0x0], $0xffff;
	[tilespmem:v40+s11+$0x0] =	vst.idx.msk $0xffff, v1  }
0x1f4: {  	v45 =	vld.idx.msk [tilespmem:v18+s3+$0x0], $0xffff;
	[tilespmem:v41+s11+$0x0] =	vst.idx.msk $0xffff, v42  }
0x1f5: {  	v44 =	vor.u32 s13, v0;
	v17 =	vadd.s32 v17, v6;
	v19 =	vld [tilespmem:$0x1FED0];
	[tilespmem:v24+s11+$0x0] =	vst.idx.msk $0xffff, v43  }
0x1f6: {  	v52 =	vor.u32 s1, v0;
	v11 =	vld [tilespmem:$0x1FCD0];
	v48 =	vadd.s32 v47, v10  }
0x1f7: {  	s17 =	sadd.s32 $0xFFFFFCF0, s0;
	v49 =	vor.u32 s16, v0;
	v1 =	vld.idx.msk [tilespmem:v5+s3+$0x0], $0xffff  }
0x1f8: {  	s13 =	sadd.s32 $0xFFFFFD70, s19;
	v55 =	vor.u32 s17, v0;
	v56 =	vld.idx.msk [tilespmem:v9+s3+$0x0], $0xffff  }
0x1f9: {  	v8 =	vadd.s32 v63, v8;
	v46 =	vor.u32 s13, v0;
	v16 =	vld.idx.msk [tilespmem:v20+s3+$0x0], $0xffff  }
0x1fa: {  	v50 =	vor.u32 s23, v0;
	v51 =	vld.idx.msk [tilespmem:v17+s3+$0x0], $0xffff;
	[tilespmem:v44+s11+$0x0] =	vst.idx.msk $0xffff, v45;
	v3 =	vadd.s32 v19, v3  }
0x1fb: {  	v57 =	vor.u32 s18, v0;
	[tilespmem:v52+s11+$0x0] =	vst.idx.msk $0xffff, v54;
	v53 =	vadd.s32 v11, v6;
	v10 =	vld.idx.msk [tilespmem:v48+s3+$0x0], $0xffff  }
0x1fc: {  	v58 =	vor.u32 s19, v0;
	[tilespmem:v49+s11+$0x0] =	vst.idx.msk $0xffff, v1;
	v1 =	vld.idx.msk [tilespmem:v28+s3+$0x0], $0xffff  }
0x1fd: {  	v61 =	vor.u32 s10, v0;
	v62 =	vld.idx.msk [tilespmem:v33+s3+$0x0], $0xffff;
	[tilespmem:v55+s11+$0x0] =	vst.idx.msk $0xffff, v56  }
0x1fe: {  	v63 =	vor.u32 s30, v0;
	[tilespmem:v46+s11+$0x0] =	vst.idx.msk $0xffff, v16;
	v8 =	vld.idx.msk [tilespmem:v8+s3+$0x0], $0xffff  }
0x1ff: {  	v59 =	vor.u32 s15, v0;
	[tilespmem:v50+s11+$0x0] =	vst.idx.msk $0xffff, v51;
	v3 =	vld.idx.msk [tilespmem:v3+s3+$0x0], $0xffff  }
0x200: {  	v60 =	vor.u32 s14, v0;
	v5 =	vld.idx.msk [tilespmem:v53+s3+$0x0], $0xffff;
	[tilespmem:v57+s11+$0x0] =	vst.idx.msk $0xffff, v10  }
0x201: {  	[tilespmem:v58+s11+$0x0] =	vst.idx.msk $0xffff, v1;
	v1 =	vor.u32 s31, v0;
	v10 =	vld.idx.msk [tilespmem:v15+s3+$0x0], $0xffff  }
0x202: {  	[tilespmem:v61+s11+$0x0] =	vst.idx.msk $0xffff, v62  }
0x203: {  	[tilespmem:v63+s11+$0x0] =	vst.idx.msk $0xffff, v8  }
0x204: {  	[tilespmem:v59+s11+$0x0] =	vst.idx.msk $0xffff, v3  }
0x205: {  	s19 =	simm.s32 $0xC800;
	s21 =	simm.s32 $0x6480;
	[tilespmem:v60+s11+$0x0] =	vst.idx.msk $0xffff, v5  }
0x206: {  	s23 =	simm.s32 $0xE800;
	s24 =	simm.s32 $0x6500;
	s9 =	rddreg [dreg:$0x1];
	[tilespmem:v1+s11+$0x0] =	vst.idx.msk $0xffff, v10  }
0x207: {  	s26 =	simm.s32 $0x10800;
	s0 =	simm.s32 $0x0;
	s10 =	rddreg [dreg:$0xc]  }
0x208: {  	s28 =	simm.s32 $0x5;
	s18 =	simm.s32 $0x80;
	s12 =	rddreg [dreg:$0xe]  }
0x209: {  	[tilespmem:s19], [sflag:$0x1] =	stream.indirect.gather [hbm4b:s10+s18], $0x40, s11, s18, $0xb8;
	[tilespmem:$0x1D000] =	vst v63  }
0x20a: {  	s30 =	simm.s32 $0x4;
	s14 =	simm.s32 $0x0;
	s13 =	rddreg [dreg:$0xf]  }
0x20b: {  	[tilespmem:s23], [sflag:$0x2] =	stream.indirect.gather [hbm4b:s10+s18], $0x40, s21, s18, $0xb8;
	[tilespmem:$0x1D000] =	vst v63  }
0x20c: {  	s31 =	simm.s32 $0x6;
	s17 =	rddreg [dreg:$0x10];
	s21 =	simm.s32 $0x1  }
0x20d: {  	[tilespmem:s26], [sflag:$0x3] =	stream.indirect.gather [hbm4b:s10+s18], $0x40, s24, s18, $0xb8;
	[tilespmem:$0x1D000] =	vst v63  }
0x20e: {  	s23 =	simm.s32 $0x12800;
	s24 =	simm.s32 $0x2;
	s26 =	simm.s32 $0x3  }
.LBB2_4:
0x20f: {  	_ =	swait.ge [sflag:s21], $0x2000;
	p0 =	seq.s32 s14, $0x0  }
0x210: {  	s1 =	sshll.u32 s14, $0x2;
	v5 =	vmul.u32 $0x88, v0;
	s4 =	simm.s32 $0x1;
	s5 =	simm.s32 $0x2  }
0x211: {  	s6 =	simm.s32 $0x3;
	s8 =	simm.s32 $0x7;
	v11 =	vmov s0;
	s16 =	simm.s32 $0x6;
	v1 =	vmov s4;
	v3 =	vmov s5  }
0x212: {  	[sflag:s21] =	ssyncset.done $0x0;
	v4 =	vmov s6;
	s4 =	simm.s32 $0x4;
	s5 =	simm.s32 $0x5;
	v10 =	vmov s8;
	v11 =	vshrl.u32 v11, $0x3  }
0x213: {  	s2 =	simm.s32 @!p0 $0x7;
	s15 =	sor.u32 $0x3, s1;
	v15 =	vmov s16;
	[sflag:s21] =	ssyncadd.s32 $0xFFFFE000;
	v6 =	vmov s4;
	v8 =	vmov s5  }
0x214: {  	s6 =	sshll.u32 s15, $0x7;
	v13 =	vor.u32 $0x7, v5;
	v7 =	vor.u32 $0x3, v5;
	v1 =	vshrl.u32 v1, $0x3;
	_ =	swait.ge @!p0 [sflag:s2], $0x2000  }
0x215: {  	v11 =	vshll.u32 v11, v2;
	v4 =	vshrl.u32 v4, $0x3;
	s7 =	sand.u32 $0x3FFFFF80, s6;
	v8 =	vshrl.u32 v8, $0x3;
	[sflag:s2] =	ssyncset.done @!p0 $0x0  }
0x216: {  	v10 =	vshrl.u32 v10, $0x3;
	v3 =	vshrl.u32 v3, $0x3;
	s1 =	sadd.s32 $0x6400, s7;
	v8 =	vshll.u32 v8, v2;
	[sflag:s2] =	ssyncadd.s32 @!p0 $0xFFFFE000  }
0x217: {  	v6 =	vshrl.u32 v6, $0x3;
	v1 =	vshll.u32 v1, v2;
	v12 =	vbroadcast v8, $0x0;
	[tilespmem:s23], [sflag:$0x4] =	stream.indirect.gather [hbm4b:s10+s18], $0x40, s1, s18, $0xb8;
	[tilespmem:$0x1D000] =	vst v63  }
0x218: {  	v29 =	vbroadcast v11, $0x0;
	v11 =	vshrl.u32 v15, $0x3;
	v8 =	vor.u32 $0x5, v5;
	s1 =	simm.s32 $0xC900  }
0x219: {  	v32 =	vbroadcast v1, $0x0;
	v1 =	vshll.u32 v10, v2;
	v14 =	vld [tilespmem:s1+$0x40];
	v16 =	vadd.s32 v8, v12  }
0x21a: {  	v4 =	vshll.u32 v4, v2;
	v6 =	vshll.u32 v6, v2;
	v37 =	vbroadcast v1, $0x0;
	v17 =	vld [tilespmem:s1+$0xFFFFFF00]  }
0x21b: {  	v43 =	vbroadcast v4, $0x0;
	v15 =	vadd.s32 v5, v29;
	v1 =	vshll.u32 v3, v2;
	v23 =	vld [tilespmem:s1+$0xFFFFFF40]  }
0x21c: {  	v30 =	vbroadcast v6, $0x0;
	v38 =	vbroadcast v1, $0x0;
	v1 =	vld [tilespmem:s1+$0xC0];
	v20 =	vadd.s32 v13, v37  }
0x21d: {  	v9 =	vor.u32 $0x4, v5;
	v18 =	vor.u32 $0x1, v5;
	v40 =	vadd.s32 v7, v43;
	v41 =	vld [tilespmem:s1+$0xFFFFFFC0]  }
0x21e: {  	v24 =	vor.u32 $0x2, v5;
	v21 =	vadd.s32 $0x884, v5;
	v6 =	vld [tilespmem:s1+$0x0];
	[tilespmem:v16+s20+$0x0] =	vst.idx.msk $0xffff, v14;
	v14 =	vadd.s32 v9, v30  }
0x21f: {  	v11 =	vshll.u32 v11, v2;
	v10 =	vadd.s32 $0x885, v5;
	v33 =	vadd.s32 v18, v32;
	v25 =	vld [tilespmem:s1+$0x80]  }
0x220: {  	v4 =	vadd.s32 $0x1980, v5;
	v56 =	vbroadcast v11, $0x0;
	v26 =	vadd.s32 v24, v38;
	[tilespmem:v15+s20+$0x0] =	vst.idx.msk $0xffff, v17;
	v15 =	vld [tilespmem:s1+$0xFFFFFF80]  }
0x221: {  	v11 =	vadd.s32 $0x880, v5;
	v22 =	vadd.s32 v10, v12;
	v16 =	vor.u32 $0x6, v5;
	[tilespmem:v20+s20+$0x0] =	vst.idx.msk $0xffff, v1;
	v19 =	vld [tilespmem:s1+$0x50]  }
0x222: {  	v3 =	vadd.s32 $0x1985, v5;
	v34 =	vadd.s32 v4, v29;
	[tilespmem:v40+s20+$0x0] =	vst.idx.msk $0xffff, v41;
	v17 =	vadd.s32 v16, v56;
	v31 =	vld [tilespmem:s1+$0xFFFFFF10]  }
0x223: {  	v27 =	vadd.s32 $0x887, v5;
	v28 =	vadd.s32 v11, v29;
	v39 =	vadd.s32 v3, v12;
	v46 =	vld [tilespmem:s1+$0xD0];
	[tilespmem:v14+s20+$0x0] =	vst.idx.msk $0xffff, v6  }
0x224: {  	v45 =	vadd.s32 v21, v30;
	v50 =	vadd.s32 v27, v37;
	v1 =	vadd.s32 $0x1105, v5;
	[tilespmem:v33+s20+$0x0] =	vst.idx.msk $0xffff, v23;
	v42 =	vld [tilespmem:s1+$0x10]  }
0x225: {  	v20 =	vadd.s32 $0x1987, v5;
	v33 =	vadd.s32 $0x881, v5;
	v51 =	vld [tilespmem:s1+$0xFFFFFFD0];
	[tilespmem:v26+s20+$0x0] =	vst.idx.msk $0xffff, v15;
	v26 =	vadd.s32 $0x883, v5  }
0x226: {  	v48 =	vadd.s32 v1, v12;
	v12 =	vadd.s32 $0x1982, v5;
	[tilespmem:v22+s20+$0x0] =	vst.idx.msk $0xffff, v19;
	v44 =	vld [tilespmem:s1+$0xFFFFFF90];
	v53 =	vadd.s32 v26, v43  }
0x227: {  	v23 =	vadd.s32 $0x1100, v5;
	v49 =	vadd.s32 v33, v32;
	v36 =	vadd.s32 v12, v38;
	[tilespmem:v17+s20+$0x0] =	vst.idx.msk $0xffff, v25;
	v47 =	vld [tilespmem:s1+$0x60]  }
0x228: {  	v6 =	vadd.s32 $0x1981, v5;
	v14 =	vadd.s32 $0x1983, v5;
	[tilespmem:v28+s20+$0x0] =	vst.idx.msk $0xffff, v31;
	v25 =	vadd.s32 $0x886, v5;
	v55 =	vld [tilespmem:s1+$0x90]  }
0x229: {  	v15 =	vadd.s32 $0x1986, v5;
	v22 =	vadd.s32 $0x1104, v5;
	v41 =	vld [tilespmem:s1+$0xFFFFFF20];
	v57 =	vadd.s32 v25, v56;
	[tilespmem:v45+s20+$0x0] =	vst.idx.msk $0xffff, v42  }
0x22a: {  	v35 =	vadd.s32 v6, v32;
	v17 =	vadd.s32 $0x1106, v5;
	[tilespmem:v50+s20+$0x0] =	vst.idx.msk $0xffff, v46;
	v59 =	vadd.s32 v22, v30;
	v58 =	vld [tilespmem:s1+$0x20]  }
0x22b: {  	v28 =	vadd.s32 $0x1107, v5;
	v31 =	vadd.s32 $0x882, v5;
	v19 =	vadd.s32 $0x1984, v5;
	v50 =	vld [tilespmem:s1+$0xE0];
	[tilespmem:v53+s20+$0x0] =	vst.idx.msk $0xffff, v51  }
0x22c: {  	v46 =	vadd.s32 v23, v29;
	v29 =	vadd.s32 $0x1103, v5;
	v52 =	vadd.s32 v31, v38;
	[tilespmem:v48+s20+$0x0] =	vst.idx.msk $0xffff, v47;
	v48 =	vld [tilespmem:s1+$0xFFFFFF50]  }
0x22d: {  	v40 =	vadd.s32 v19, v30;
	v54 =	vadd.s32 v29, v43;
	v43 =	vadd.s32 v14, v43;
	v51 =	vld [tilespmem:s1+$0xFFFFFFE0]  }
0x22e: {  	v30 =	vadd.s32 $0x1101, v5;
	v42 =	vadd.s32 v15, v56;
	v53 =	vadd.s32 v28, v37;
	[tilespmem:v57+s20+$0x0] =	vst.idx.msk $0xffff, v55;
	v45 =	vld [tilespmem:s1+$0x70]  }
0x22f: {  	s4 =	simm.s32 $0xCB00;
	s2 =	simm.s32 $0x8;
	v56 =	vadd.s32 v17, v56;
	v47 =	vadd.s32 v30, v32;
	v32 =	vadd.s32 $0x1102, v5;
	v55 =	vld [tilespmem:s1+$0xA0];
	[tilespmem:v59+s20+$0x0] =	vst.idx.msk $0xffff, v58  }
.LBB2_5:
0x230: {  	s5 =	sadd.s32 $0x1, s2  }
0x231: {  	s6 =	sadd.s32 $0x2, s2;
	s7 =	sadd.s32 $0x3, s2;
	[tilespmem:v52+s20+$0x0] =	vst.idx.msk $0xffff, v44;
	v38 =	vadd.s32 v32, v38;
	v44 =	vld [tilespmem:s1+$0x30];
	v37 =	vadd.s32 v20, v37;
	s8 =	smov.u32 s2  }
0x232: {  	v52 =	vmov s5;
	v57 =	vmov s6;
	v58 =	vmov s7;
	s5 =	sadd.s32 $0x4, s2;
	s6 =	sadd.s32 $0x5, s2;
	s7 =	sadd.s32 $0x6, s2;
	[tilespmem:v49+s20+$0x0] =	vst.idx.msk $0xffff, v48  }
0x233: {  	p1 =	slt.u32 s2, $0x78;
	s2 =	sadd.s32 $0x8, s2;
	v48 =	vmov s5;
	v49 =	vmov s6;
	s5 =	sadd.s32 $0x7, s8;
	v59 =	vld [tilespmem:s1+$0xFFFFFF60];
	[tilespmem:v53+s20+$0x0] =	vst.idx.msk $0xffff, v50  }
0x234: {  	v48 =	vshrl.u32 v48, $0x3;
	v50 =	vmov s5;
	[tilespmem:v54+s20+$0x0] =	vst.idx.msk $0xffff, v51;
	v51 =	vld [tilespmem:s1+$0xF0]  }
0x235: {  	v52 =	vshrl.u32 v52, $0x3;
	v49 =	vshrl.u32 v49, $0x3;
	v53 =	vld [tilespmem:s1+$0xFFFFFFA0];
	[tilespmem:v56+s20+$0x0] =	vst.idx.msk $0xffff, v55  }
0x236: {  	v54 =	vmov s8;
	v49 =	vshll.u32 v49, v2;
	[tilespmem:v39+s20+$0x0] =	vst.idx.msk $0xffff, v45;
	v39 =	vld [tilespmem:s1+$0xB0]  }
0x237: {  	v45 =	vshrl.u32 v54, $0x3;
	v49 =	vbroadcast v49, $0x0;
	[tilespmem:v46+s20+$0x0] =	vst.idx.msk $0xffff, v41;
	v41 =	vld [tilespmem:s1+$0xFFFFFFF0]  }
0x238: {  	v54 =	vmov s7;
	v45 =	vshll.u32 v45, v2;
	v46 =	vshll.u32 v52, v2;
	v52 =	vld [tilespmem:s4+$0x40];
	[tilespmem:v47+s20+$0x0] =	vst.idx.msk $0xffff, v59  }
0x239: {  	v54 =	vshrl.u32 v54, $0x3;
	v47 =	vbroadcast v45, $0x0;
	v45 =	vadd.s32 v8, v49;
	v55 =	vld [tilespmem:s1+$0xFFFFFF70];
	[tilespmem:v37+s20+$0x0] =	vst.idx.msk $0xffff, v51  }
0x23a: {  	v48 =	vshll.u32 v48, v2;
	v50 =	vshrl.u32 v50, $0x3;
	v37 =	vshrl.u32 v58, $0x3;
	v51 =	vld [tilespmem:s1+$0xFFFFFF30];
	[tilespmem:v38+s20+$0x0] =	vst.idx.msk $0xffff, v53  }
0x23b: {  	v54 =	vshll.u32 v54, v2;
	v53 =	vadd.s32 v5, v47;
	v38 =	vshrl.u32 v57, $0x3;
	v56 =	vld [tilespmem:s1+$0xFFFFFFB0];
	[tilespmem:v42+s20+$0x0] =	vst.idx.msk $0xffff, v39;
	s1 =	smov.u32 s4  }
0x23c: {  	v58 =	vbroadcast v54, $0x0;
	v57 =	vbroadcast v46, $0x0;
	v42 =	vshll.u32 v50, v2;
	v39 =	vld [tilespmem:s4+$0xFFFFFF00];
	[tilespmem:v40+s20+$0x0] =	vst.idx.msk $0xffff, v44  }
0x23d: {  	v46 =	vbroadcast v48, $0x0;
	v44 =	vshll.u32 v37, v2;
	v40 =	vld [tilespmem:s4+$0xFFFFFF40];
	[tilespmem:v43+s20+$0x0] =	vst.idx.msk $0xffff, v41  }
0x23e: {  	v38 =	vshll.u32 v38, v2;
	v37 =	vbroadcast v42, $0x0;
	v41 =	vld [tilespmem:s4+$0x0];
	[tilespmem:v45+s20+$0x0] =	vst.idx.msk $0xffff, v52  }
0x23f: {  	v42 =	vadd.s32 v18, v57;
	v38 =	vbroadcast v38, $0x0;
	v43 =	vadd.s32 v9, v46;
	v45 =	vld [tilespmem:s4+$0x50];
	[tilespmem:v35+s20+$0x0] =	vst.idx.msk $0xffff, v55  }
0x240: {  	v55 =	vbroadcast v44, $0x0;
	v44 =	vadd.s32 v13, v37;
	v35 =	vld [tilespmem:s4+$0xC0];
	[tilespmem:v36+s20+$0x0] =	vst.idx.msk $0xffff, v56  }
0x241: {  	v48 =	vadd.s32 v10, v49;
	v36 =	vadd.s32 v24, v38;
	v50 =	vld [tilespmem:s4+$0x80];
	[tilespmem:v34+s20+$0x0] =	vst.idx.msk $0xffff, v51  }
0x242: {  	v51 =	vadd.s32 v11, v47;
	[tilespmem:v53+s20+$0x0] =	vst.idx.msk $0xffff, v39;
	v52 =	vld [tilespmem:s4+$0xFFFFFF80];
	v53 =	vadd.s32 v16, v58  }
0x243: {  	v56 =	vadd.s32 v7, v55;
	v39 =	vadd.s32 v3, v49;
	v54 =	vld [tilespmem:s4+$0xFFFFFF10]  }
0x244: {  	v59 =	vld [tilespmem:s4+$0xFFFFFFC0];
	[tilespmem:v43+s20+$0x0] =	vst.idx.msk $0xffff, v41  }
0x245: {  	v34 =	vadd.s32 v4, v47;
	v43 =	vld [tilespmem:s4+$0x10];
	[tilespmem:v44+s20+$0x0] =	vst.idx.msk $0xffff, v35  }
0x246: {  	v60 =	vadd.s32 v21, v46;
	[tilespmem:v48+s20+$0x0] =	vst.idx.msk $0xffff, v45;
	v61 =	vld [tilespmem:s4+$0xD0]  }
0x247: {  	v62 =	vadd.s32 v27, v37;
	v48 =	vadd.s32 v1, v49;
	[tilespmem:v36+s20+$0x0] =	vst.idx.msk $0xffff, v52;
	v45 =	vld [tilespmem:s4+$0x60]  }
0x248: {  	v35 =	vadd.s32 v6, v57;
	v44 =	vld [tilespmem:s4+$0xFFFFFF90];
	[tilespmem:v53+s20+$0x0] =	vst.idx.msk $0xffff, v50  }
0x249: {  	v36 =	vadd.s32 v12, v38;
	[tilespmem:v56+s20+$0x0] =	vst.idx.msk $0xffff, v59;
	v56 =	vld [tilespmem:s4+$0x90]  }
0x24a: {  	[tilespmem:v51+s20+$0x0] =	vst.idx.msk $0xffff, v54;
	v50 =	vld [tilespmem:s4+$0xFFFFFFD0];
	v51 =	vadd.s32 v26, v55  }
0x24b: {  	v59 =	vadd.s32 v25, v58;
	v41 =	vld [tilespmem:s4+$0xFFFFFF20];
	[tilespmem:v60+s20+$0x0] =	vst.idx.msk $0xffff, v43  }
0x24c: {  	v63 =	vadd.s32 v22, v46;
	v60 =	vld [tilespmem:s4+$0x20];
	[tilespmem:v48+s20+$0x0] =	vst.idx.msk $0xffff, v45  }
.Ltmp1:
0x24d: {  	v52 =	vadd.s32 v31, v38;
	[tilespmem:v42+s20+$0x0] =	vst.idx.msk $0xffff, v40;
	v40 =	vadd.s32 v19, v46;
	v45 =	vld [tilespmem:s4+$0x70];
	(pc) =	sbr.rel @p1 .LBB2_5-.Ltmp1, $4  }
0x24e: {  	v49 =	vadd.s32 v33, v57;
	v42 =	vadd.s32 v15, v58;
	v48 =	vld [tilespmem:s4+$0xFFFFFF50];
	[tilespmem:v62+s20+$0x0] =	vst.idx.msk $0xffff, v61  }
0x24f: {  	v53 =	vadd.s32 v28, v37;
	v46 =	vadd.s32 v23, v47;
	[tilespmem:v51+s20+$0x0] =	vst.idx.msk $0xffff, v50;
	v50 =	vld [tilespmem:s4+$0xE0]  }
0x250: {  	v54 =	vadd.s32 v29, v55;
	v43 =	vadd.s32 v14, v55;
	v51 =	vld [tilespmem:s4+$0xFFFFFFE0];
	[tilespmem:v59+s20+$0x0] =	vst.idx.msk $0xffff, v56  }
0x251: {  	v47 =	vadd.s32 v30, v57;
	v56 =	vadd.s32 v17, v58;
	s4 =	sadd.s32 $0x200, s4;
	[tilespmem:v63+s20+$0x0] =	vst.idx.msk $0xffff, v60;
	v55 =	vld [tilespmem:s1+$0xA0]  }
0x252: {  	_ =	sdelay $0x3  }
0x253: {  	[tilespmem:v52+s20+$0x0] =	vst.idx.msk $0xffff, v44  }
0x254: {  	[tilespmem:v39+s20+$0x0] =	vst.idx.msk $0xffff, v45  }
0x255: {  	v60 =	vld [tilespmem:s1+$0x30];
	[tilespmem:v46+s20+$0x0] =	vst.idx.msk $0xffff, v41  }
0x256: {  	v38 =	vadd.s32 v32, v38;
	[tilespmem:v49+s20+$0x0] =	vst.idx.msk $0xffff, v48;
	v57 =	vld [tilespmem:s1+$0xFFFFFFA0]  }
0x257: {  	v52 =	vld [tilespmem:s1+$0xFFFFFF60];
	[tilespmem:v53+s20+$0x0] =	vst.idx.msk $0xffff, v50  }
0x258: {  	v63 =	vld [tilespmem:s1+$0xFFFFFF30];
	[tilespmem:v54+s20+$0x0] =	vst.idx.msk $0xffff, v51  }
0x259: {  	v37 =	vadd.s32 v20, v37;
	v58 =	vld [tilespmem:s1+$0xF0];
	[tilespmem:v56+s20+$0x0] =	vst.idx.msk $0xffff, v55  }
0x25a: {  	v61 =	vld [tilespmem:s1+$0xFFFFFFF0];
	[tilespmem:v40+s20+$0x0] =	vst.idx.msk $0xffff, v60  }
0x25b: {  	v59 =	vld [tilespmem:s1+$0xB0];
	[tilespmem:v38+s20+$0x0] =	vst.idx.msk $0xffff, v57  }
0x25c: {  	[tilespmem:v47+s20+$0x0] =	vst.idx.msk $0xffff, v52;
	v62 =	vld [tilespmem:s1+$0xFFFFFFB0]  }
0x25d: {  	[tilespmem:v34+s20+$0x0] =	vst.idx.msk $0xffff, v63;
	v44 =	vld [tilespmem:s1+$0xFFFFFF70]  }
0x25e: {  	[tilespmem:v37+s20+$0x0] =	vst.idx.msk $0xffff, v58  }
0x25f: {  	s4 =	sshll.u32 s14, $0x14;
	[tilespmem:v43+s20+$0x0] =	vst.idx.msk $0xffff, v61  }
0x260: {  	s1 =	sor.u32 s12, s4;
	[tilespmem:v42+s20+$0x0] =	vst.idx.msk $0xffff, v59  }
0x261: {  	s16 =	sshrl.u32 s1, $0x3;
	[tilespmem:v36+s20+$0x0] =	vst.idx.msk $0xffff, v62  }
0x262: {  	s5 =	simm.s32 $0x14800;
	s2 =	sadd.s32 s9, s16;
	[tilespmem:v35+s20+$0x0] =	vst.idx.msk $0xffff, v44  }
0x263: {  	[hbm4b:s2+s3] =	stream.linear.scatter [tilespmem:s5], [sflag:$0x5], $0x80, $0x38;
	[tilespmem:$0x1D000] =	vst v63  }
0x264: {  	s6 =	simm.s32 $0x14888;
	s4 =	sadd.s32 $0x10, s2  }
0x265: {  	[hbm4b:s4+s3] =	stream.linear.scatter [tilespmem:s6], [sflag:$0x5], $0x80, $0x38;
	[tilespmem:$0x1D000] =	vst v63  }
0x266: {  	s7 =	simm.s32 $0x14910;
	s1 =	simm.s32 $0x440;
	s8 =	sadd.s32 $0x20, s2  }
0x267: {  	[hbm4b:s8+s3] =	stream.linear.scatter [tilespmem:s7], [sflag:$0x5], $0x80, $0x38;
	[tilespmem:$0x1D000] =	vst v63  }
0x268: {  	s5 =	simm.s32 $0x14998;
	s6 =	sadd.s32 $0x30, s2;
	s4 =	simm.s32 $0x2200  }
0x269: {  	[hbm4b:s6+s3] =	stream.linear.scatter [tilespmem:s5], [sflag:$0x5], $0x80, $0x38;
	[tilespmem:$0x1D000] =	vst v63  }
0x26a: {  	s7 =	simm.s32 $0x14A20;
	s8 =	sadd.s32 $0x40, s2;
	s5 =	simm.s32 $0x14AA8  }
0x26b: {  	[hbm4b:s8+s3] =	stream.linear.scatter [tilespmem:s7], [sflag:$0x5], $0x80, $0x38;
	[tilespmem:$0x1D000] =	vst v63  }
0x26c: {  	s6 =	sadd.s32 $0x50, s2;
	s7 =	simm.s32 $0x14B30;
	s8 =	sadd.s32 $0x60, s2  }
0x26d: {  	[hbm4b:s6+s3] =	stream.linear.scatter [tilespmem:s5], [sflag:$0x5], $0x80, $0x38;
	[tilespmem:$0x1D000] =	vst v63  }
0x26e: {  	s5 =	simm.s32 $0x14BB8;
	s6 =	sadd.s32 $0x70, s2;
	s2 =	sadd.s32 $0x1000, s2  }
0x26f: {  	[hbm4b:s8+s3] =	stream.linear.scatter [tilespmem:s7], [sflag:$0x5], $0x80, $0x38;
	[tilespmem:$0x1D000] =	vst v63  }
.LBB2_7:
0x270: {  	[hbm4b:s6+s3] =	stream.linear.scatter [tilespmem:s5], [sflag:$0x5], $0x80, $0x38;
	[tilespmem:$0x1D000] =	vst v63  }
0x271: {  	s5 =	smov.u32 s1;
	s1 =	smov.u32 s4  }
0x272: {  	s7 =	sadd.s32 $0x1100, s4;
	s1 =	sshra.s32 s1, $0x2;
	s6 =	sadd.s32 $0x14800, s5  }
0x273: {  	[hbm4b:s2+s3] =	stream.linear.scatter [tilespmem:s6], [sflag:$0x5], $0x80, $0x38;
	[tilespmem:$0x1D000] =	vst v63  }
0x274: {  	p1 =	sne.s32 s4, $0x7700;
	s4 =	sadd.s32 $0x14888, s5;
	s6 =	sadd.s32 $0x10, s2  }
0x275: {  	[hbm4b:s6+s3] =	stream.linear.scatter [tilespmem:s4], [sflag:$0x5], $0x80, $0x38;
	[tilespmem:$0x1D000] =	vst v63  }
0x276: {  	s4 =	sadd.s32 $0x14910, s5;
	s6 =	sadd.s32 $0x20, s2  }
0x277: {  	[hbm4b:s6+s3] =	stream.linear.scatter [tilespmem:s4], [sflag:$0x5], $0x80, $0x38;
	[tilespmem:$0x1D000] =	vst v63  }
0x278: {  	s4 =	sadd.s32 $0x14998, s5;
	s6 =	sadd.s32 $0x30, s2  }
0x279: {  	[hbm4b:s6+s3] =	stream.linear.scatter [tilespmem:s4], [sflag:$0x5], $0x80, $0x38;
	[tilespmem:$0x1D000] =	vst v63  }
0x27a: {  	s4 =	sadd.s32 $0x14A20, s5;
	s6 =	sadd.s32 $0x40, s2  }
0x27b: {  	[hbm4b:s6+s3] =	stream.linear.scatter [tilespmem:s4], [sflag:$0x5], $0x80, $0x38;
	[tilespmem:$0x1D000] =	vst v63  }
.Ltmp2:
0x27c: {  	s4 =	sadd.s32 $0x14AA8, s5;
	s6 =	sadd.s32 $0x50, s2;
	(pc) =	sbr.rel @p1 .LBB2_7-.Ltmp2, $4  }
0x27d: {  	[hbm4b:s6+s3] =	stream.linear.scatter [tilespmem:s4], [sflag:$0x5], $0x80, $0x38;
	[tilespmem:$0x1D000] =	vst v63  }
0x27e: {  	s4 =	sadd.s32 $0x14B30, s5;
	s6 =	sadd.s32 $0x60, s2;
	s5 =	sadd.s32 $0x14BB8, s5  }
0x27f: {  	[hbm4b:s6+s3] =	stream.linear.scatter [tilespmem:s4], [sflag:$0x5], $0x80, $0x38;
	[tilespmem:$0x1D000] =	vst v63  }
0x280: {  	s6 =	sadd.s32 $0x70, s2;
	s2 =	sadd.s32 $0x1000, s2;
	s4 =	smov.u32 s7  }
0x281: {  	[hbm4b:s6+s3] =	stream.linear.scatter [tilespmem:s5], [sflag:$0x5], $0x80, $0x38;
	[tilespmem:$0x1D000] =	vst v63  }
0x282: {  	s4 =	sadd.s32 $0x14800, s1  }
0x283: {  	[hbm4b:s2+s3] =	stream.linear.scatter [tilespmem:s4], [sflag:$0x5], $0x80, $0x38;
	[tilespmem:$0x1D000] =	vst v63  }
0x284: {  	s7 =	sadd.s32 $0x14888, s1;
	s8 =	sadd.s32 $0x10, s2  }
0x285: {  	[hbm4b:s8+s3] =	stream.linear.scatter [tilespmem:s7], [sflag:$0x5], $0x80, $0x38;
	[tilespmem:$0x1D000] =	vst v63  }
0x286: {  	s5 =	sadd.s32 $0x14910, s1;
	s6 =	sadd.s32 $0x20, s2  }
0x287: {  	[hbm4b:s6+s3] =	stream.linear.scatter [tilespmem:s5], [sflag:$0x5], $0x80, $0x38;
	[tilespmem:$0x1D000] =	vst v63  }
0x288: {  	s7 =	sadd.s32 $0x14998, s1;
	s8 =	sadd.s32 $0x30, s2  }
0x289: {  	[hbm4b:s8+s3] =	stream.linear.scatter [tilespmem:s7], [sflag:$0x5], $0x80, $0x38;
	[tilespmem:$0x1D000] =	vst v63  }
0x28a: {  	s5 =	sadd.s32 $0x14A20, s1;
	s6 =	sadd.s32 $0x40, s2  }
0x28b: {  	[hbm4b:s6+s3] =	stream.linear.scatter [tilespmem:s5], [sflag:$0x5], $0x80, $0x38;
	[tilespmem:$0x1D000] =	vst v63  }
0x28c: {  	s7 =	sadd.s32 $0x14AA8, s1;
	s8 =	sadd.s32 $0x50, s2  }
0x28d: {  	[hbm4b:s8+s3] =	stream.linear.scatter [tilespmem:s7], [sflag:$0x5], $0x80, $0x38;
	[tilespmem:$0x1D000] =	vst v63  }
0x28e: {  	s5 =	sadd.s32 $0x14B30, s1;
	s6 =	sadd.s32 $0x60, s2  }
0x28f: {  	[hbm4b:s6+s3] =	stream.linear.scatter [tilespmem:s5], [sflag:$0x5], $0x80, $0x38;
	[tilespmem:$0x1D000] =	vst v63  }
0x290: {  	s4 =	simm.s32 $0x1;
	s7 =	sadd.s32 $0x14BB8, s1;
	s8 =	sadd.s32 $0x70, s2  }
0x291: {  	v35 =	vmov s4;
	[hbm4b:s8+s3] =	stream.linear.scatter [tilespmem:s7], [sflag:$0x5], $0x80, $0x38;
	[tilespmem:$0x1D000] =	vst v63  }
0x292: {  	v35 =	vshrl.u32 v35, $0x3;
	_ =	swait.ge [sflag:s24], $0x2000  }
0x293: {  	v35 =	vshll.u32 v35, v2;
	[sflag:s24] =	ssyncset.done $0x0  }
0x294: {  	p1 =	seq.s32 @!p0 s14, $0x31;
	v46 =	vbroadcast v35, $0x0;
	s1 =	simm.s32 @!p0 $0x8;
	[sflag:s24] =	ssyncadd.s32 $0xFFFFE000  }
0x295: {  	p1 =	por p0, !p1;
	s2 =	simm.s32 $0x0;
	_ =	swait.ge @!p0 [sflag:s1], $0x2000  }
0x296: {  	v48 =	vadd.s32 v18, v46;
	v34 =	vmov s2;
	s5 =	simm.s32 $0x2;
	s8 =	simm.s32 $0x7;
	[sflag:s1] =	ssyncset.done @!p0 $0x0  }
0x297: {  	v34 =	vshrl.u32 v34, $0x3;
	s6 =	simm.s32 $0x3;
	v36 =	vmov s5;
	v39 =	vmov s8;
	[sflag:s1] =	ssyncadd.s32 @!p0 $0xFFFFE000;
	s1 =	sshll.u32 @p1 s14, $0x9  }
0x298: {  	v37 =	vmov s6;
	s5 =	simm.s32 $0x5;
	s6 =	simm.s32 $0x6;
	v34 =	vshll.u32 v34, v2;
	v39 =	vshrl.u32 v39, $0x3;
	s1 =	sand.u32 @p1 $0x3FFFFE00, s1  }
0x299: {  	s7 =	simm.s32 $0x4;
	v40 =	vmov s5;
	v41 =	vmov s6;
	v39 =	vshll.u32 v39, v2;
	s1 =	sadd.s32 @p1 $0x6600, s1  }
0x29a: {  	v36 =	vshrl.u32 v36, $0x3;
	v37 =	vshrl.u32 v37, $0x3;
	v39 =	vbroadcast v39, $0x0;
	[tilespmem:s19], [sflag:$0x1] =	stream.indirect.gather @p1 [hbm4b:s10+s18], $0x40, s1, s18, $0xb8;
	[tilespmem:$0x1D000] =	vst v63  }
0x29b: {  	v34 =	vbroadcast v34, $0x0;
	v38 =	vmov s7;
	v59 =	vshll.u32 v36, v2;
	s1 =	simm.s32 $0xE9F0  }
0x29c: {  	v60 =	vshll.u32 v37, v2;
	v62 =	vshrl.u32 v40, $0x3;
	v43 =	vadd.s32 v13, v39;
	v42 =	vld [tilespmem:s1+$0xFFFFFFD0]  }
0x29d: {  	v38 =	vshrl.u32 v38, $0x3;
	v45 =	vadd.s32 v5, v34;
	v53 =	vbroadcast v59, $0x0;
	v44 =	vld [tilespmem:s1+$0xFFFFFE10]  }
0x29e: {  	v41 =	vshrl.u32 v41, $0x3;
	v36 =	vbroadcast v60, $0x0;
	v61 =	vshll.u32 v38, v2;
	v47 =	vld [tilespmem:s1+$0xFFFFFE50]  }
0x29f: {  	v37 =	vshll.u32 v62, v2;
	v50 =	vadd.s32 v24, v53;
	v35 =	vbroadcast v61, $0x0;
	v49 =	vld [tilespmem:s1+$0xFFFFFE90]  }
0x2a0: {  	v56 =	vshll.u32 v41, v2;
	v38 =	vbroadcast v37, $0x0;
	v51 =	vadd.s32 v7, v36;
	v63 =	vld [tilespmem:s1+$0xFFFFFED0]  }
0x2a1: {  	v37 =	vbroadcast v56, $0x0;
	v54 =	vadd.s32 v9, v35;
	v52 =	vld [tilespmem:s1+$0xFFFFFF10];
	[tilespmem:v43+s22+$0x0] =	vst.idx.msk $0xffff, v42  }
0x2a2: {  	v59 =	vadd.s32 v8, v38;
	v58 =	vld [tilespmem:s1+$0xFFFFFF50];
	[tilespmem:v45+s22+$0x0] =	vst.idx.msk $0xffff, v44  }
0x2a3: {  	v60 =	vadd.s32 v16, v37;
	[tilespmem:v48+s22+$0x0] =	vst.idx.msk $0xffff, v47;
	v45 =	vld [tilespmem:s1+$0xFFFFFF90]  }
0x2a4: {  	v57 =	vadd.s32 v27, v39;
	[tilespmem:v50+s22+$0x0] =	vst.idx.msk $0xffff, v49;
	v41 =	vld [tilespmem:s1+$0xFFFFFFE0]  }
0x2a5: {  	[tilespmem:v51+s22+$0x0] =	vst.idx.msk $0xffff, v63;
	v63 =	vadd.s32 v31, v53;
	v62 =	vld [tilespmem:s1+$0xFFFFFEA0]  }
0x2a6: {  	v61 =	vadd.s32 v33, v46;
	[tilespmem:v54+s22+$0x0] =	vst.idx.msk $0xffff, v52;
	v48 =	vld [tilespmem:s1+$0xFFFFFE60]  }
0x2a7: {  	[tilespmem:v59+s22+$0x0] =	vst.idx.msk $0xffff, v58  }
0x2a8: {  	v56 =	vadd.s32 v26, v36;
	v51 =	vld [tilespmem:s1+$0xFFFFFEE0];
	[tilespmem:v60+s22+$0x0] =	vst.idx.msk $0xffff, v45  }
0x2a9: {  	v59 =	vadd.s32 v21, v35;
	v58 =	vld [tilespmem:s1+$0xFFFFFF20];
	[tilespmem:v57+s22+$0x0] =	vst.idx.msk $0xffff, v41  }
0x2aa: {  	v60 =	vadd.s32 v25, v37;
	[tilespmem:v63+s22+$0x0] =	vst.idx.msk $0xffff, v62;
	v63 =	vld [tilespmem:s1+$0xFFFFFFA0]  }
0x2ab: {  	[tilespmem:v61+s22+$0x0] =	vst.idx.msk $0xffff, v48;
	v61 =	vld [tilespmem:s1+$0xFFFFFE20];
	v62 =	vadd.s32 v11, v34  }
0x2ac: {  	v57 =	vadd.s32 v28, v39;
	v41 =	vld [tilespmem:s1+$0xFFFFFFF0]  }
0x2ad: {  	v47 =	vadd.s32 v10, v38;
	v45 =	vld [tilespmem:s1+$0xFFFFFF60];
	[tilespmem:v56+s22+$0x0] =	vst.idx.msk $0xffff, v51  }
0x2ae: {  	v52 =	vadd.s32 v30, v46;
	[tilespmem:v59+s22+$0x0] =	vst.idx.msk $0xffff, v58;
	v51 =	vld [tilespmem:s1+$0xFFFFFE70]  }
0x2af: {  	v59 =	vadd.s32 v29, v36;
	v58 =	vld [tilespmem:s1+$0xFFFFFEF0];
	[tilespmem:v60+s22+$0x0] =	vst.idx.msk $0xffff, v63  }
0x2b0: {  	[tilespmem:v62+s22+$0x0] =	vst.idx.msk $0xffff, v61;
	v60 =	vld [tilespmem:s1+$0xFFFFFF30];
	v61 =	vadd.s32 v22, v35  }
0x2b1: {  	v56 =	vld [tilespmem:s1+$0xFFFFFEB0];
	[tilespmem:v57+s22+$0x0] =	vst.idx.msk $0xffff, v41;
	v57 =	vadd.s32 v32, v53  }
0x2b2: {  	s8 =	simm.s32 $0x9;
	v39 =	vadd.s32 v20, v39;
	[tilespmem:v47+s22+$0x0] =	vst.idx.msk $0xffff, v45;
	v55 =	vld [tilespmem:s1+$0x0]  }
0x2b3: {  	s7 =	simm.s32 $0x8;
	v42 =	vadd.s32 v1, v38;
	v54 =	vmov s8;
	[tilespmem:v52+s22+$0x0] =	vst.idx.msk $0xffff, v51;
	v41 =	vld [tilespmem:s1+$0xFFFFFF70]  }
0x2b4: {  	s5 =	simm.s32 $0xB;
	s6 =	simm.s32 $0xC;
	v44 =	vadd.s32 v17, v37;
	v49 =	vadd.s32 v23, v34;
	v63 =	vmov s7;
	v43 =	vld [tilespmem:s1+$0xFFFFFFB0];
	[tilespmem:v59+s22+$0x0] =	vst.idx.msk $0xffff, v58  }
0x2b5: {  	s8 =	simm.s32 $0xE;
	v48 =	vmov s6;
	v45 =	vmov s5;
	v40 =	vshrl.u32 v63, $0x3;
	v47 =	vld [tilespmem:s1+$0xFFFFFE30];
	[tilespmem:v61+s22+$0x0] =	vst.idx.msk $0xffff, v60  }
0x2b6: {  	s4 =	simm.s32 $0xA;
	s7 =	simm.s32 $0xD;
	v52 =	vadd.s32 v6, v46;
	v50 =	vld [tilespmem:s1+$0xFFFFFE80];
	v46 =	vshll.u32 v40, v2;
	v40 =	vmov s8;
	[tilespmem:v57+s22+$0x0] =	vst.idx.msk $0xffff, v56  }
0x2b7: {  	s2 =	simm.s32 $0x10;
	v53 =	vadd.s32 v12, v53;
	[tilespmem:v39+s22+$0x0] =	vst.idx.msk $0xffff, v55;
	v55 =	vmov s4;
	v39 =	vmov s7;
	s4 =	simm.s32 $0xF;
	v51 =	vld [tilespmem:s1+$0xFFFFFEC0]  }
.LBB2_9:
0x2b8: {  	p0 =	slt.u32 s2, $0x78;
	v54 =	vshrl.u32 v54, $0x3;
	v56 =	vmov s4;
	v57 =	vld [tilespmem:s1+$0xFFFFFF00];
	v36 =	vadd.s32 v14, v36;
	[tilespmem:v42+s22+$0x0] =	vst.idx.msk $0xffff, v41  }
0x2b9: {  	v41 =	vshrl.u32 v55, $0x3;
	v35 =	vadd.s32 v19, v35;
	v42 =	vshrl.u32 v56, $0x3;
	v55 =	vld [tilespmem:s1+$0xFFFFFF40];
	[tilespmem:v44+s22+$0x0] =	vst.idx.msk $0xffff, v43  }
0x2ba: {  	v38 =	vadd.s32 v3, v38;
	v43 =	vshrl.u32 v45, $0x3;
	v42 =	vshll.u32 v42, v2;
	[tilespmem:v49+s22+$0x0] =	vst.idx.msk $0xffff, v47;
	v44 =	vld [tilespmem:s1+$0xFFFFFF80]  }
0x2bb: {  	v37 =	vadd.s32 v15, v37;
	v45 =	vshrl.u32 v48, $0x3;
	v42 =	vbroadcast v42, $0x0;
	[tilespmem:v52+s22+$0x0] =	vst.idx.msk $0xffff, v50;
	v47 =	vld [tilespmem:s1+$0xFFFFFFC0]  }
0x2bc: {  	v48 =	vshll.u32 v54, v2;
	v50 =	vadd.s32 v4, v34;
	v34 =	vbroadcast v46, $0x0;
	v49 =	vld [tilespmem:s1+$0xFFFFFE40];
	[tilespmem:v53+s22+$0x0] =	vst.idx.msk $0xffff, v51;
	s1 =	sadd.s32 $0x200, s1  }
0x2bd: {  	v41 =	vshll.u32 v41, v2;
	v46 =	vbroadcast v48, $0x0;
	v48 =	vld [tilespmem:s1+$0xFFFFFFD0];
	v51 =	vadd.s32 v13, v42;
	[tilespmem:v36+s22+$0x0] =	vst.idx.msk $0xffff, v57  }
0x2be: {  	v56 =	vbroadcast v41, $0x0;
	v53 =	vadd.s32 v5, v34;
	v36 =	vshll.u32 v43, v2;
	v52 =	vld [tilespmem:s1+$0xFFFFFE10];
	[tilespmem:v35+s22+$0x0] =	vst.idx.msk $0xffff, v55  }
0x2bf: {  	v43 =	vadd.s32 v18, v46;
	v36 =	vbroadcast v36, $0x0;
	v35 =	vshll.u32 v45, v2;
	v41 =	vld [tilespmem:s1+$0xFFFFFE50];
	[tilespmem:v38+s22+$0x0] =	vst.idx.msk $0xffff, v44  }
0x2c0: {  	v45 =	vadd.s32 v24, v56;
	v35 =	vbroadcast v35, $0x0;
	v38 =	vshrl.u32 v39, $0x3;
	v44 =	vld [tilespmem:s1+$0xFFFFFE90];
	[tilespmem:v37+s22+$0x0] =	vst.idx.msk $0xffff, v47  }
0x2c1: {  	v40 =	vshrl.u32 v40, $0x3;
	v47 =	vadd.s32 v7, v36;
	v37 =	vshll.u32 v38, v2;
	v39 =	vld [tilespmem:s1+$0xFFFFFED0];
	[tilespmem:v50+s22+$0x0] =	vst.idx.msk $0xffff, v49  }
0x2c2: {  	v50 =	vadd.s32 v9, v35;
	v38 =	vbroadcast v37, $0x0;
	v37 =	vshll.u32 v40, v2;
	v49 =	vld [tilespmem:s1+$0xFFFFFF10];
	[tilespmem:v51+s22+$0x0] =	vst.idx.msk $0xffff, v48  }
0x2c3: {  	v37 =	vbroadcast v37, $0x0;
	v48 =	vadd.s32 v27, v42;
	[tilespmem:v53+s22+$0x0] =	vst.idx.msk $0xffff, v52;
	v40 =	vld [tilespmem:s1+$0xFFFFFFE0]  }
0x2c4: {  	[tilespmem:v43+s22+$0x0] =	vst.idx.msk $0xffff, v41;
	v41 =	vld [tilespmem:s1+$0xFFFFFF50];
	v43 =	vadd.s32 v8, v38  }
0x2c5: {  	[tilespmem:v45+s22+$0x0] =	vst.idx.msk $0xffff, v44;
	v44 =	vld [tilespmem:s1+$0xFFFFFF90];
	v45 =	vadd.s32 v16, v37  }
0x2c6: {  	v52 =	vadd.s32 v33, v46;
	v51 =	vld [tilespmem:s1+$0xFFFFFE60];
	[tilespmem:v47+s22+$0x0] =	vst.idx.msk $0xffff, v39  }
0x2c7: {  	v47 =	vadd.s32 v31, v56;
	v39 =	vld [tilespmem:s1+$0xFFFFFEA0];
	[tilespmem:v50+s22+$0x0] =	vst.idx.msk $0xffff, v49  }
0x2c8: {  	v50 =	vadd.s32 v26, v36;
	v49 =	vld [tilespmem:s1+$0xFFFFFEE0];
	[tilespmem:v48+s22+$0x0] =	vst.idx.msk $0xffff, v40  }
0x2c9: {  	[tilespmem:v43+s22+$0x0] =	vst.idx.msk $0xffff, v41;
	v40 =	vld [tilespmem:s1+$0xFFFFFFF0];
	v41 =	vadd.s32 v28, v42  }
0x2ca: {  	v48 =	vadd.s32 v21, v35;
	v43 =	vld [tilespmem:s1+$0xFFFFFF20];
	[tilespmem:v45+s22+$0x0] =	vst.idx.msk $0xffff, v44  }
0x2cb: {  	v45 =	vadd.s32 v10, v38;
	[tilespmem:v52+s22+$0x0] =	vst.idx.msk $0xffff, v51;
	v44 =	vld [tilespmem:s1+$0xFFFFFF60]  }
0x2cc: {  	[tilespmem:v47+s22+$0x0] =	vst.idx.msk $0xffff, v39;
	v39 =	vld [tilespmem:s1+$0xFFFFFFA0];
	v47 =	vadd.s32 v25, v37  }
0x2cd: {  	v52 =	vadd.s32 v11, v34;
	v51 =	vld [tilespmem:s1+$0xFFFFFE20];
	[tilespmem:v50+s22+$0x0] =	vst.idx.msk $0xffff, v49  }
0x2ce: {  	v50 =	vadd.s32 v30, v46;
	v49 =	vld [tilespmem:s1+$0xFFFFFE70];
	[tilespmem:v41+s22+$0x0] =	vst.idx.msk $0xffff, v40  }
0x2cf: {  	[tilespmem:v48+s22+$0x0] =	vst.idx.msk $0xffff, v43;
	v40 =	vld [tilespmem:s1+$0x0];
	v48 =	vadd.s32 v20, v42  }
0x2d0: {  	v57 =	vadd.s32 v32, v56;
	v53 =	vld [tilespmem:s1+$0xFFFFFEB0];
	[tilespmem:v45+s22+$0x0] =	vst.idx.msk $0xffff, v44  }
0x2d1: {  	v59 =	vadd.s32 v29, v36;
	v58 =	vld [tilespmem:s1+$0xFFFFFEF0];
	[tilespmem:v47+s22+$0x0] =	vst.idx.msk $0xffff, v39  }
0x2d2: {  	v61 =	vadd.s32 v22, v35;
	[tilespmem:v52+s22+$0x0] =	vst.idx.msk $0xffff, v51;
	v60 =	vld [tilespmem:s1+$0xFFFFFF30]  }
.Ltmp3:
0x2d3: {  	s4 =	sadd.s32 $0x1, s2;
	v42 =	vadd.s32 v1, v38;
	v39 =	vmov s2;
	[tilespmem:v50+s22+$0x0] =	vst.idx.msk $0xffff, v49;
	v41 =	vld [tilespmem:s1+$0xFFFFFF70];
	(pc) =	sbr.rel @p0 .LBB2_9-.Ltmp3, $4  }
0x2d4: {  	s5 =	sadd.s32 $0x3, s2;
	v54 =	vmov s4;
	s4 =	sadd.s32 $0x2, s2;
	v44 =	vadd.s32 v17, v37;
	v51 =	vshrl.u32 v39, $0x3;
	v43 =	vld [tilespmem:s1+$0xFFFFFFB0];
	[tilespmem:v48+s22+$0x0] =	vst.idx.msk $0xffff, v40  }
0x2d5: {  	v55 =	vmov s4;
	s4 =	sadd.s32 $0x4, s2;
	v45 =	vmov s5;
	s5 =	sadd.s32 $0x5, s2;
	v49 =	vadd.s32 v23, v34;
	v47 =	vld [tilespmem:s1+$0xFFFFFE30];
	[tilespmem:v57+s22+$0x0] =	vst.idx.msk $0xffff, v53  }
0x2d6: {  	v39 =	vmov s5;
	v52 =	vadd.s32 v6, v46;
	v48 =	vmov s4;
	s4 =	sadd.s32 $0x6, s2;
	v50 =	vld [tilespmem:s1+$0xFFFFFE80];
	[tilespmem:v59+s22+$0x0] =	vst.idx.msk $0xffff, v58  }
0x2d7: {  	v46 =	vshll.u32 v51, v2;
	v40 =	vmov s4;
	s4 =	sadd.s32 $0x7, s2;
	s2 =	sadd.s32 $0x8, s2;
	v53 =	vadd.s32 v12, v56;
	v51 =	vld [tilespmem:s1+$0xFFFFFEC0];
	[tilespmem:v61+s22+$0x0] =	vst.idx.msk $0xffff, v60  }
0x2d8: {  	_ =	sdelay $0x2  }
0x2d9: {  	v54 =	vshrl.u32 v54, $0x3;
	v56 =	vmov s4  }
0x2da: {  	v57 =	vld [tilespmem:s1+$0xFFFFFF00];
	v36 =	vadd.s32 v14, v36;
	[tilespmem:v42+s22+$0x0] =	vst.idx.msk $0xffff, v41;
	v60 =	vshrl.u32 v55, $0x3;
	v35 =	vadd.s32 v19, v35  }
0x2db: {  	v62 =	vld [tilespmem:s1+$0xFFFFFF40];
	v63 =	vshrl.u32 v45, $0x3;
	v38 =	vadd.s32 v3, v38;
	v45 =	vshrl.u32 v48, $0x3;
	[tilespmem:v44+s22+$0x0] =	vst.idx.msk $0xffff, v43  }
0x2dc: {  	v37 =	vadd.s32 v15, v37;
	v46 =	vbroadcast v46, $0x0;
	v34 =	vadd.s32 v4, v34;
	v44 =	vld [tilespmem:s1+$0xFFFFFF80];
	[tilespmem:v49+s22+$0x0] =	vst.idx.msk $0xffff, v47  }
0x2dd: {  	s2 =	sadd.s32 $0x200, s1;
	v39 =	vshrl.u32 v39, $0x3;
	v61 =	vshrl.u32 v56, $0x3;
	v41 =	vshll.u32 v60, v2;
	v47 =	vld [tilespmem:s1+$0xFFFFFFC0];
	[tilespmem:v52+s22+$0x0] =	vst.idx.msk $0xffff, v50  }
0x2de: {  	v60 =	vld [tilespmem:s2+$0xFFFFFE10];
	v42 =	vshll.u32 v61, v2;
	v61 =	vadd.s32 v5, v46;
	v41 =	vbroadcast v41, $0x0;
	[tilespmem:v53+s22+$0x0] =	vst.idx.msk $0xffff, v51  }
0x2df: {  	v40 =	vshrl.u32 v40, $0x3;
	v56 =	vshll.u32 v54, v2;
	v42 =	vbroadcast v42, $0x0;
	v49 =	vld [tilespmem:s1+$0xFFFFFE40];
	[tilespmem:v36+s22+$0x0] =	vst.idx.msk $0xffff, v57  }
0x2e0: {  	v43 =	vshll.u32 v63, v2;
	v54 =	vld [tilespmem:s2+$0xFFFFFE90];
	v48 =	vbroadcast v56, $0x0;
	v55 =	vadd.s32 v24, v41;
	[tilespmem:v35+s22+$0x0] =	vst.idx.msk $0xffff, v62  }
0x2e1: {  	v58 =	vld [tilespmem:s2+$0xFFFFFFD0];
	v40 =	vshll.u32 v40, v2;
	v43 =	vbroadcast v43, $0x0;
	v59 =	vadd.s32 v13, v42;
	[tilespmem:v38+s22+$0x0] =	vst.idx.msk $0xffff, v44  }
0x2e2: {  	v45 =	vshll.u32 v45, v2;
	v63 =	vadd.s32 v18, v48;
	v62 =	vld [tilespmem:s2+$0xFFFFFE50];
	v36 =	vbroadcast v40, $0x0;
	[tilespmem:v37+s22+$0x0] =	vst.idx.msk $0xffff, v47  }
0x2e3: {  	v39 =	vshll.u32 v39, v2;
	v45 =	vbroadcast v45, $0x0;
	v37 =	vld [tilespmem:s2+$0xFFFFFED0];
	v47 =	vadd.s32 v7, v43;
	[tilespmem:v61+s22+$0x0] =	vst.idx.msk $0xffff, v60  }
0x2e4: {  	v39 =	vbroadcast v39, $0x0;
	v60 =	vld [tilespmem:s2+$0xFFFFFF90];
	v61 =	vadd.s32 v16, v36;
	[tilespmem:v34+s22+$0x0] =	vst.idx.msk $0xffff, v49  }
0x2e5: {  	v34 =	vld [tilespmem:s2+$0xFFFFFF10];
	v49 =	vadd.s32 v9, v45;
	[tilespmem:v55+s22+$0x0] =	vst.idx.msk $0xffff, v54  }
0x2e6: {  	[tilespmem:v59+s22+$0x0] =	vst.idx.msk $0xffff, v58;
	v58 =	vld [tilespmem:s2+$0xFFFFFF50];
	v59 =	vadd.s32 v8, v39  }
0x2e7: {  	v57 =	vadd.s32 v27, v42;
	[tilespmem:v63+s22+$0x0] =	vst.idx.msk $0xffff, v62;
	v56 =	vld [tilespmem:s2+$0xFFFFFFE0]  }
0x2e8: {  	v63 =	vadd.s32 v33, v48;
	v62 =	vld [tilespmem:s2+$0xFFFFFE60];
	[tilespmem:v47+s22+$0x0] =	vst.idx.msk $0xffff, v37  }
0x2e9: {  	v55 =	vadd.s32 v31, v41;
	v54 =	vld [tilespmem:s2+$0xFFFFFEA0];
	[tilespmem:v61+s22+$0x0] =	vst.idx.msk $0xffff, v60  }
0x2ea: {  	[tilespmem:v49+s22+$0x0] =	vst.idx.msk $0xffff, v34;
	v34 =	vld [tilespmem:s2+$0xFFFFFEE0];
	v49 =	vadd.s32 v26, v43  }
0x2eb: {  	v61 =	vadd.s32 v25, v36;
	v60 =	vld [tilespmem:s2+$0xFFFFFFA0];
	[tilespmem:v59+s22+$0x0] =	vst.idx.msk $0xffff, v58  }
0x2ec: {  	[tilespmem:v57+s22+$0x0] =	vst.idx.msk $0xffff, v56;
	v56 =	vld [tilespmem:s2+$0xFFFFFF20];
	v57 =	vadd.s32 v21, v45  }
0x2ed: {  	[tilespmem:v63+s22+$0x0] =	vst.idx.msk $0xffff, v62;
	v62 =	vld [tilespmem:s2+$0xFFFFFE20];
	v63 =	vadd.s32 v11, v46  }
0x2ee: {  	v40 =	vadd.s32 v28, v42;
	[tilespmem:v55+s22+$0x0] =	vst.idx.msk $0xffff, v54;
	v35 =	vld [tilespmem:s2+$0xFFFFFFF0]  }
0x2ef: {  	v59 =	vadd.s32 v10, v39;
	v58 =	vld [tilespmem:s2+$0xFFFFFF60];
	[tilespmem:v49+s22+$0x0] =	vst.idx.msk $0xffff, v34  }
0x2f0: {  	v55 =	vadd.s32 v30, v48;
	v54 =	vld [tilespmem:s2+$0xFFFFFE70];
	[tilespmem:v61+s22+$0x0] =	vst.idx.msk $0xffff, v60  }
0x2f1: {  	[tilespmem:v57+s22+$0x0] =	vst.idx.msk $0xffff, v56;
	v56 =	vld [tilespmem:s2+$0xFFFFFEF0];
	v57 =	vadd.s32 v29, v43  }
0x2f2: {  	[tilespmem:v63+s22+$0x0] =	vst.idx.msk $0xffff, v62;
	v62 =	vld [tilespmem:s2+$0xFFFFFFB0];
	v63 =	vadd.s32 v17, v36  }
0x2f3: {  	v50 =	vadd.s32 v32, v41;
	[tilespmem:v40+s22+$0x0] =	vst.idx.msk $0xffff, v35;
	v40 =	vadd.s32 v20, v42;
	v42 =	vld [tilespmem:s2+$0xFFFFFEB0]  }
0x2f4: {  	[tilespmem:v59+s22+$0x0] =	vst.idx.msk $0xffff, v58;
	v59 =	vadd.s32 v22, v45;
	v58 =	vld [tilespmem:s2+$0xFFFFFF30]  }
0x2f5: {  	v61 =	vadd.s32 v1, v39;
	[tilespmem:v55+s22+$0x0] =	vst.idx.msk $0xffff, v54;
	v60 =	vld [tilespmem:s2+$0xFFFFFF70]  }
0x2f6: {  	v53 =	vld [tilespmem:s2+$0xFFFFFE30];
	v54 =	vadd.s32 v23, v46;
	[tilespmem:v57+s22+$0x0] =	vst.idx.msk $0xffff, v56  }
0x2f7: {  	v35 =	vld [tilespmem:s2+$0x0];
	[tilespmem:v63+s22+$0x0] =	vst.idx.msk $0xffff, v62  }
0x2f8: {  	v48 =	vadd.s32 v6, v48;
	v55 =	vld [tilespmem:s2+$0xFFFFFE80];
	[tilespmem:v50+s22+$0x0] =	vst.idx.msk $0xffff, v42  }
0x2f9: {  	v43 =	vadd.s32 v14, v43;
	[tilespmem:v59+s22+$0x0] =	vst.idx.msk $0xffff, v58;
	v57 =	vld [tilespmem:s2+$0xFFFFFF00]  }
0x2fa: {  	v36 =	vadd.s32 v15, v36;
	[tilespmem:v61+s22+$0x0] =	vst.idx.msk $0xffff, v60;
	v61 =	vld [tilespmem:s2+$0xFFFFFFC0]  }
0x2fb: {  	v41 =	vadd.s32 v12, v41;
	[tilespmem:v54+s22+$0x0] =	vst.idx.msk $0xffff, v53;
	v56 =	vld [tilespmem:s2+$0xFFFFFEC0]  }
0x2fc: {  	v59 =	vadd.s32 v19, v45;
	[tilespmem:v40+s22+$0x0] =	vst.idx.msk $0xffff, v35;
	v58 =	vld [tilespmem:s2+$0xFFFFFF40]  }
0x2fd: {  	v39 =	vadd.s32 v3, v39;
	v60 =	vld [tilespmem:s2+$0xFFFFFF80];
	[tilespmem:v48+s22+$0x0] =	vst.idx.msk $0xffff, v55  }
0x2fe: {  	v63 =	vadd.s32 v4, v46;
	v62 =	vld [tilespmem:s2+$0xFFFFFE40];
	[tilespmem:v43+s22+$0x0] =	vst.idx.msk $0xffff, v57  }
0x2ff: {  	[tilespmem:v36+s22+$0x0] =	vst.idx.msk $0xffff, v61  }
0x300: {  	[tilespmem:v41+s22+$0x0] =	vst.idx.msk $0xffff, v56  }
0x301: {  	[tilespmem:v59+s22+$0x0] =	vst.idx.msk $0xffff, v58  }
0x302: {  	[tilespmem:v39+s22+$0x0] =	vst.idx.msk $0xffff, v60  }
0x303: {  	s4 =	simm.s32 $0x16A00;
	s2 =	sadd.s32 s16, s13;
	[tilespmem:v63+s22+$0x0] =	vst.idx.msk $0xffff, v62  }
0x304: {  	[hbm4b:s2+s3] =	stream.linear.scatter [tilespmem:s4], [sflag:$0x6], $0x80, $0x38;
	[tilespmem:$0x1D000] =	vst v63  }
0x305: {  	s5 =	simm.s32 $0x16A88;
	s6 =	sadd.s32 $0x10, s2  }
0x306: {  	[hbm4b:s6+s3] =	stream.linear.scatter [tilespmem:s5], [sflag:$0x6], $0x80, $0x38;
	[tilespmem:$0x1D000] =	vst v63  }
0x307: {  	s7 =	simm.s32 $0x16B10;
	s1 =	simm.s32 $0x440;
	s8 =	sadd.s32 $0x20, s2  }
0x308: {  	[hbm4b:s8+s3] =	stream.linear.scatter [tilespmem:s7], [sflag:$0x6], $0x80, $0x38;
	[tilespmem:$0x1D000] =	vst v63  }
0x309: {  	s4 =	simm.s32 $0x2200;
	s5 =	simm.s32 $0x16B98;
	s6 =	sadd.s32 $0x30, s2  }
0x30a: {  	[hbm4b:s6+s3] =	stream.linear.scatter [tilespmem:s5], [sflag:$0x6], $0x80, $0x38;
	[tilespmem:$0x1D000] =	vst v63  }
0x30b: {  	s7 =	simm.s32 $0x16C20;
	s8 =	sadd.s32 $0x40, s2;
	s5 =	simm.s32 $0x16CA8  }
0x30c: {  	[hbm4b:s8+s3] =	stream.linear.scatter [tilespmem:s7], [sflag:$0x6], $0x80, $0x38;
	[tilespmem:$0x1D000] =	vst v63  }
0x30d: {  	s6 =	sadd.s32 $0x50, s2;
	s7 =	simm.s32 $0x16D30;
	s8 =	sadd.s32 $0x60, s2  }
0x30e: {  	[hbm4b:s6+s3] =	stream.linear.scatter [tilespmem:s5], [sflag:$0x6], $0x80, $0x38;
	[tilespmem:$0x1D000] =	vst v63  }
0x30f: {  	v63 =	vld [tilespmem:$0x1FE50];
	s5 =	simm.s32 $0x16DB8;
	s6 =	sadd.s32 $0x70, s2;
	s2 =	sadd.s32 $0x1000, s2  }
0x310: {  	v62 =	vld [tilespmem:$0x1FED0];
	[hbm4b:s8+s3] =	stream.linear.scatter [tilespmem:s7], [sflag:$0x6], $0x80, $0x38  }
.LBB2_11:
0x311: {  	[hbm4b:s6+s3] =	stream.linear.scatter [tilespmem:s5], [sflag:$0x6], $0x80, $0x38;
	[tilespmem:$0x1D000] =	vst v63  }
0x312: {  	s5 =	smov.u32 s1;
	s1 =	smov.u32 s4  }
0x313: {  	s7 =	sadd.s32 $0x1100, s4;
	s1 =	sshra.s32 s1, $0x2;
	s6 =	sadd.s32 $0x16A00, s5  }
0x314: {  	[hbm4b:s2+s3] =	stream.linear.scatter [tilespmem:s6], [sflag:$0x6], $0x80, $0x38;
	[tilespmem:$0x1D000] =	vst v63  }
0x315: {  	p0 =	sne.s32 s4, $0x7700;
	s4 =	sadd.s32 $0x16A88, s5;
	s6 =	sadd.s32 $0x10, s2  }
0x316: {  	[hbm4b:s6+s3] =	stream.linear.scatter [tilespmem:s4], [sflag:$0x6], $0x80, $0x38;
	[tilespmem:$0x1D000] =	vst v63  }
0x317: {  	s4 =	sadd.s32 $0x16B10, s5;
	s6 =	sadd.s32 $0x20, s2  }
0x318: {  	[hbm4b:s6+s3] =	stream.linear.scatter [tilespmem:s4], [sflag:$0x6], $0x80, $0x38;
	[tilespmem:$0x1D000] =	vst v63  }
0x319: {  	s4 =	sadd.s32 $0x16B98, s5;
	s6 =	sadd.s32 $0x30, s2  }
0x31a: {  	[hbm4b:s6+s3] =	stream.linear.scatter [tilespmem:s4], [sflag:$0x6], $0x80, $0x38;
	[tilespmem:$0x1D000] =	vst v63  }
0x31b: {  	s4 =	sadd.s32 $0x16C20, s5;
	s6 =	sadd.s32 $0x40, s2  }
0x31c: {  	[hbm4b:s6+s3] =	stream.linear.scatter [tilespmem:s4], [sflag:$0x6], $0x80, $0x38;
	[tilespmem:$0x1D000] =	vst v63  }
.Ltmp4:
0x31d: {  	s4 =	sadd.s32 $0x16CA8, s5;
	s6 =	sadd.s32 $0x50, s2;
	(pc) =	sbr.rel @p0 .LBB2_11-.Ltmp4, $4  }
0x31e: {  	[hbm4b:s6+s3] =	stream.linear.scatter [tilespmem:s4], [sflag:$0x6], $0x80, $0x38;
	[tilespmem:$0x1D000] =	vst v63  }
0x31f: {  	s4 =	sadd.s32 $0x16D30, s5;
	s6 =	sadd.s32 $0x60, s2;
	s5 =	sadd.s32 $0x16DB8, s5  }
0x320: {  	[hbm4b:s6+s3] =	stream.linear.scatter [tilespmem:s4], [sflag:$0x6], $0x80, $0x38;
	[tilespmem:$0x1D000] =	vst v63  }
0x321: {  	s6 =	sadd.s32 $0x70, s2;
	s2 =	sadd.s32 $0x1000, s2;
	s4 =	smov.u32 s7  }
0x322: {  	[hbm4b:s6+s3] =	stream.linear.scatter [tilespmem:s5], [sflag:$0x6], $0x80, $0x38;
	[tilespmem:$0x1D000] =	vst v63  }
0x323: {  	s4 =	sadd.s32 $0x16A00, s1  }
0x324: {  	[hbm4b:s2+s3] =	stream.linear.scatter [tilespmem:s4], [sflag:$0x6], $0x80, $0x38;
	[tilespmem:$0x1D000] =	vst v63  }
0x325: {  	s7 =	sadd.s32 $0x16A88, s1;
	s8 =	sadd.s32 $0x10, s2  }
0x326: {  	[hbm4b:s8+s3] =	stream.linear.scatter [tilespmem:s7], [sflag:$0x6], $0x80, $0x38;
	[tilespmem:$0x1D000] =	vst v63  }
0x327: {  	s5 =	sadd.s32 $0x16B10, s1;
	s6 =	sadd.s32 $0x20, s2  }
0x328: {  	[hbm4b:s6+s3] =	stream.linear.scatter [tilespmem:s5], [sflag:$0x6], $0x80, $0x38;
	[tilespmem:$0x1D000] =	vst v63  }
0x329: {  	s7 =	sadd.s32 $0x16B98, s1;
	s8 =	sadd.s32 $0x30, s2  }
0x32a: {  	[hbm4b:s8+s3] =	stream.linear.scatter [tilespmem:s7], [sflag:$0x6], $0x80, $0x38;
	[tilespmem:$0x1D000] =	vst v63  }
0x32b: {  	s5 =	sadd.s32 $0x16C20, s1;
	s6 =	sadd.s32 $0x40, s2  }
0x32c: {  	[hbm4b:s6+s3] =	stream.linear.scatter [tilespmem:s5], [sflag:$0x6], $0x80, $0x38;
	[tilespmem:$0x1D000] =	vst v63  }
0x32d: {  	p0 =	seq.s32 s14, $0x31;
	s7 =	sadd.s32 $0x16CA8, s1;
	s8 =	sadd.s32 $0x50, s2  }
0x32e: {  	[hbm4b:s8+s3] =	stream.linear.scatter [tilespmem:s7], [sflag:$0x6], $0x80, $0x38;
	[tilespmem:$0x1D000] =	vst v63  }
0x32f: {  	s6 =	sadd.s32 $0x16D30, s1;
	s5 =	simm.s32 $0x0;
	s7 =	sadd.s32 $0x60, s2  }
0x330: {  	[hbm4b:s7+s3] =	stream.linear.scatter [tilespmem:s6], [sflag:$0x6], $0x80, $0x38;
	[tilespmem:$0x1D000] =	vst v63  }
0x331: {  	s4 =	sadd.s32 $0x70, s2;
	v34 =	vmov s5;
	s5 =	sshll.u32 @!p0 s14, $0x9;
	s8 =	sadd.s32 $0x16DB8, s1  }
0x332: {  	[hbm4b:s4+s3] =	stream.linear.scatter [tilespmem:s8], [sflag:$0x6], $0x80, $0x38;
	[tilespmem:$0x1D000] =	vst v63  }
0x333: {  	v34 =	vshrl.u32 v34, $0x3;
	s5 =	sand.u32 @!p0 $0x3FFFFE00, s5;
	_ =	swait.ge [sflag:s26], $0x2000  }
0x334: {  	v34 =	vshll.u32 v34, v2;
	s6 =	simm.s32 $0x1;
	s7 =	simm.s32 $0x2;
	[sflag:s26] =	ssyncset.done $0x0  }
0x335: {  	v34 =	vbroadcast v34, $0x0;
	v35 =	vmov s6;
	v36 =	vmov s7;
	s6 =	simm.s32 $0x7;
	s7 =	simm.s32 $0x5;
	[sflag:s26] =	ssyncadd.s32 $0xFFFFE000  }
0x336: {  	s2 =	simm.s32 @!p0 $0x80;
	s1 =	sadd.s32 @!p0 $0x6680, s5;
	v39 =	vmov s6;
	v40 =	vmov s7;
	v35 =	vshrl.u32 v35, $0x3;
	_ =	swait.ge [sflag:s28], $0x2000  }
0x337: {  	s8 =	simm.s32 $0x3;
	s4 =	simm.s32 $0x4;
	v36 =	vshrl.u32 v36, $0x3;
	v45 =	vadd.s32 v5, v34;
	v39 =	vshrl.u32 v39, $0x3;
	[sflag:s28] =	ssyncset.done $0x0  }
0x338: {  	v37 =	vmov s8;
	v38 =	vmov s4;
	s8 =	simm.s32 $0x6;
	s4 =	simm.s32 @!p0 $0xE800;
	v39 =	vshll.u32 v39, v2;
	[sflag:s28] =	ssyncadd.s32 $0xFFFFE000  }
0x339: {  	v35 =	vshll.u32 v35, v2;
	v57 =	vshll.u32 v36, v2;
	v39 =	vbroadcast v39, $0x0;
	[tilespmem:s4], [sflag:$0x2] =	stream.indirect.gather @!p0 [hbm4b:s10+s2], $0x40, s1, s2, $0xb8;
	[tilespmem:$0x1D000] =	vst v63  }
0x33a: {  	v60 =	vshrl.u32 v40, $0x3;
	v41 =	vmov s8;
	v37 =	vshrl.u32 v37, $0x3;
	s1 =	simm.s32 $0x109F0  }
0x33b: {  	v38 =	vshrl.u32 v38, $0x3;
	v46 =	vbroadcast v35, $0x0;
	v43 =	vadd.s32 v13, v39;
	v42 =	vld [tilespmem:s1+$0xFFFFFFD0]  }
0x33c: {  	v53 =	vbroadcast v57, $0x0;
	v58 =	vshll.u32 v37, v2;
	v59 =	vshll.u32 v38, v2;
	v44 =	vld [tilespmem:s1+$0xFFFFFE10]  }
0x33d: {  	v37 =	vshll.u32 v60, v2;
	v48 =	vadd.s32 v18, v46;
	v36 =	vbroadcast v58, $0x0;
	v47 =	vld [tilespmem:s1+$0xFFFFFE50]  }
0x33e: {  	v41 =	vshrl.u32 v41, $0x3;
	v50 =	vadd.s32 v24, v53;
	v35 =	vbroadcast v59, $0x0;
	v49 =	vld [tilespmem:s1+$0xFFFFFE90]  }
0x33f: {  	v38 =	vbroadcast v37, $0x0;
	v56 =	vshll.u32 v41, v2;
	v51 =	vadd.s32 v7, v36;
	v61 =	vld [tilespmem:s1+$0xFFFFFED0]  }
0x340: {  	v37 =	vbroadcast v56, $0x0;
	v54 =	vadd.s32 v9, v35;
	v52 =	vld [tilespmem:s1+$0xFFFFFF10];
	[tilespmem:v43+s25+$0x0] =	vst.idx.msk $0xffff, v42  }
0x341: {  	v59 =	vadd.s32 v8, v38;
	v58 =	vld [tilespmem:s1+$0xFFFFFF50];
	[tilespmem:v45+s25+$0x0] =	vst.idx.msk $0xffff, v44  }
0x342: {  	[tilespmem:v48+s25+$0x0] =	vst.idx.msk $0xffff, v47;
	v45 =	vld [tilespmem:s1+$0xFFFFFF90];
	v47 =	vadd.s32 v16, v37  }
0x343: {  	v57 =	vadd.s32 v27, v39;
	[tilespmem:v50+s25+$0x0] =	vst.idx.msk $0xffff, v49;
	v41 =	vld [tilespmem:s1+$0xFFFFFFE0]  }
0x344: {  	v49 =	vadd.s32 v33, v46;
	[tilespmem:v51+s25+$0x0] =	vst.idx.msk $0xffff, v61;
	v48 =	vld [tilespmem:s1+$0xFFFFFE60]  }
0x345: {  	v61 =	vadd.s32 v31, v53;
	[tilespmem:v54+s25+$0x0] =	vst.idx.msk $0xffff, v52;
	v60 =	vld [tilespmem:s1+$0xFFFFFEA0]  }
0x346: {  	v56 =	vadd.s32 v26, v36;
	[tilespmem:v59+s25+$0x0] =	vst.idx.msk $0xffff, v58;
	v51 =	vld [tilespmem:s1+$0xFFFFFEE0]  }
0x347: {  	v59 =	vadd.s32 v21, v35;
	v58 =	vld [tilespmem:s1+$0xFFFFFF20];
	[tilespmem:v47+s25+$0x0] =	vst.idx.msk $0xffff, v45  }
0x348: {  	v45 =	vld [tilespmem:s1+$0xFFFFFF60];
	v47 =	vadd.s32 v10, v38;
	[tilespmem:v57+s25+$0x0] =	vst.idx.msk $0xffff, v41  }
0x349: {  	v57 =	vadd.s32 v28, v39;
	[tilespmem:v49+s25+$0x0] =	vst.idx.msk $0xffff, v48;
	v41 =	vld [tilespmem:s1+$0xFFFFFFF0]  }
0x34a: {  	[tilespmem:v61+s25+$0x0] =	vst.idx.msk $0xffff, v60;
	v40 =	vld [tilespmem:s1+$0xFFFFFFA0];
	v48 =	vadd.s32 v25, v37  }
0x34b: {  	v60 =	vld [tilespmem:s1+$0xFFFFFE20];
	v61 =	vadd.s32 v11, v34;
	[tilespmem:v56+s25+$0x0] =	vst.idx.msk $0xffff, v51  }
0x34c: {  	v52 =	vadd.s32 v30, v46;
	[tilespmem:v59+s25+$0x0] =	vst.idx.msk $0xffff, v58;
	v51 =	vld [tilespmem:s1+$0xFFFFFE70]  }
0x34d: {  	v59 =	vadd.s32 v29, v36;
	v58 =	vld [tilespmem:s1+$0xFFFFFEF0];
	[tilespmem:v47+s25+$0x0] =	vst.idx.msk $0xffff, v45  }
0x34e: {  	v56 =	vld [tilespmem:s1+$0xFFFFFEB0];
	[tilespmem:v57+s25+$0x0] =	vst.idx.msk $0xffff, v41;
	v57 =	vadd.s32 v32, v53  }
0x34f: {  	v39 =	vadd.s32 v20, v39;
	[tilespmem:v48+s25+$0x0] =	vst.idx.msk $0xffff, v40;
	v55 =	vld [tilespmem:s1+$0x0]  }
0x350: {  	s4 =	simm.s32 $0x8;
	[tilespmem:v61+s25+$0x0] =	vst.idx.msk $0xffff, v60;
	v60 =	vld [tilespmem:s1+$0xFFFFFF30];
	v61 =	vadd.s32 v22, v35  }
0x351: {  	s6 =	simm.s32 $0x9;
	v54 =	vmov s4;
	v42 =	vadd.s32 v1, v38;
	[tilespmem:v52+s25+$0x0] =	vst.idx.msk $0xffff, v51;
	v41 =	vld [tilespmem:s1+$0xFFFFFF70]  }
0x352: {  	s8 =	simm.s32 $0xB;
	v44 =	vadd.s32 v17, v37;
	v40 =	vshrl.u32 v54, $0x3;
	v54 =	vmov s6;
	s6 =	simm.s32 $0xC;
	v43 =	vld [tilespmem:s1+$0xFFFFFFB0];
	[tilespmem:v59+s25+$0x0] =	vst.idx.msk $0xffff, v58  }
0x353: {  	s7 =	simm.s32 $0xA;
	v49 =	vadd.s32 v23, v34;
	v45 =	vmov s8;
	v47 =	vld [tilespmem:s1+$0xFFFFFE30];
	v48 =	vmov s6;
	[tilespmem:v57+s25+$0x0] =	vst.idx.msk $0xffff, v56  }
0x354: {  	s8 =	simm.s32 $0xE;
	v52 =	vadd.s32 v6, v46;
	v46 =	vshll.u32 v40, v2;
	v50 =	vld [tilespmem:s1+$0xFFFFFE80];
	[tilespmem:v39+s25+$0x0] =	vst.idx.msk $0xffff, v55;
	v55 =	vmov s7;
	s7 =	simm.s32 $0xD  }
0x355: {  	s2 =	simm.s32 $0x10;
	s4 =	simm.s32 $0xF;
	v40 =	vmov s8;
	v53 =	vadd.s32 v12, v53;
	[tilespmem:v61+s25+$0x0] =	vst.idx.msk $0xffff, v60;
	v51 =	vld [tilespmem:s1+$0xFFFFFEC0];
	v39 =	vmov s7  }
.LBB2_13:
0x356: {  	p1 =	slt.u32 s2, $0x78;
	v54 =	vshrl.u32 v54, $0x3;
	v56 =	vmov s4;
	v57 =	vld [tilespmem:s1+$0xFFFFFF00];
	v36 =	vadd.s32 v14, v36;
	[tilespmem:v42+s25+$0x0] =	vst.idx.msk $0xffff, v41  }
0x357: {  	v41 =	vshrl.u32 v55, $0x3;
	v35 =	vadd.s32 v19, v35;
	v42 =	vshrl.u32 v56, $0x3;
	v55 =	vld [tilespmem:s1+$0xFFFFFF40];
	[tilespmem:v44+s25+$0x0] =	vst.idx.msk $0xffff, v43  }
0x358: {  	v38 =	vadd.s32 v3, v38;
	v43 =	vshrl.u32 v45, $0x3;
	v42 =	vshll.u32 v42, v2;
	[tilespmem:v49+s25+$0x0] =	vst.idx.msk $0xffff, v47;
	v44 =	vld [tilespmem:s1+$0xFFFFFF80]  }
0x359: {  	v37 =	vadd.s32 v15, v37;
	v45 =	vshrl.u32 v48, $0x3;
	v42 =	vbroadcast v42, $0x0;
	[tilespmem:v52+s25+$0x0] =	vst.idx.msk $0xffff, v50;
	v47 =	vld [tilespmem:s1+$0xFFFFFFC0]  }
0x35a: {  	v48 =	vshll.u32 v54, v2;
	v50 =	vadd.s32 v4, v34;
	v34 =	vbroadcast v46, $0x0;
	v49 =	vld [tilespmem:s1+$0xFFFFFE40];
	[tilespmem:v53+s25+$0x0] =	vst.idx.msk $0xffff, v51;
	s1 =	sadd.s32 $0x200, s1  }
0x35b: {  	v41 =	vshll.u32 v41, v2;
	v46 =	vbroadcast v48, $0x0;
	v48 =	vld [tilespmem:s1+$0xFFFFFFD0];
	v51 =	vadd.s32 v13, v42;
	[tilespmem:v36+s25+$0x0] =	vst.idx.msk $0xffff, v57  }
0x35c: {  	v56 =	vbroadcast v41, $0x0;
	v53 =	vadd.s32 v5, v34;
	v36 =	vshll.u32 v43, v2;
	v52 =	vld [tilespmem:s1+$0xFFFFFE10];
	[tilespmem:v35+s25+$0x0] =	vst.idx.msk $0xffff, v55  }
0x35d: {  	v43 =	vadd.s32 v18, v46;
	v36 =	vbroadcast v36, $0x0;
	v35 =	vshll.u32 v45, v2;
	v41 =	vld [tilespmem:s1+$0xFFFFFE50];
	[tilespmem:v38+s25+$0x0] =	vst.idx.msk $0xffff, v44  }
0x35e: {  	v45 =	vadd.s32 v24, v56;
	v35 =	vbroadcast v35, $0x0;
	v38 =	vshrl.u32 v39, $0x3;
	v44 =	vld [tilespmem:s1+$0xFFFFFE90];
	[tilespmem:v37+s25+$0x0] =	vst.idx.msk $0xffff, v47  }
0x35f: {  	v40 =	vshrl.u32 v40, $0x3;
	v47 =	vadd.s32 v7, v36;
	v37 =	vshll.u32 v38, v2;
	v39 =	vld [tilespmem:s1+$0xFFFFFED0];
	[tilespmem:v50+s25+$0x0] =	vst.idx.msk $0xffff, v49  }
0x360: {  	v50 =	vadd.s32 v9, v35;
	v38 =	vbroadcast v37, $0x0;
	v37 =	vshll.u32 v40, v2;
	v49 =	vld [tilespmem:s1+$0xFFFFFF10];
	[tilespmem:v51+s25+$0x0] =	vst.idx.msk $0xffff, v48  }
0x361: {  	v37 =	vbroadcast v37, $0x0;
	v48 =	vadd.s32 v27, v42;
	[tilespmem:v53+s25+$0x0] =	vst.idx.msk $0xffff, v52;
	v40 =	vld [tilespmem:s1+$0xFFFFFFE0]  }
0x362: {  	[tilespmem:v43+s25+$0x0] =	vst.idx.msk $0xffff, v41;
	v41 =	vld [tilespmem:s1+$0xFFFFFF50];
	v43 =	vadd.s32 v8, v38  }
0x363: {  	[tilespmem:v45+s25+$0x0] =	vst.idx.msk $0xffff, v44;
	v44 =	vld [tilespmem:s1+$0xFFFFFF90];
	v45 =	vadd.s32 v16, v37  }
0x364: {  	v52 =	vadd.s32 v33, v46;
	v51 =	vld [tilespmem:s1+$0xFFFFFE60];
	[tilespmem:v47+s25+$0x0] =	vst.idx.msk $0xffff, v39  }
0x365: {  	v47 =	vadd.s32 v31, v56;
	v39 =	vld [tilespmem:s1+$0xFFFFFEA0];
	[tilespmem:v50+s25+$0x0] =	vst.idx.msk $0xffff, v49  }
0x366: {  	v50 =	vadd.s32 v26, v36;
	v49 =	vld [tilespmem:s1+$0xFFFFFEE0];
	[tilespmem:v48+s25+$0x0] =	vst.idx.msk $0xffff, v40  }
0x367: {  	[tilespmem:v43+s25+$0x0] =	vst.idx.msk $0xffff, v41;
	v40 =	vld [tilespmem:s1+$0xFFFFFFF0];
	v41 =	vadd.s32 v28, v42  }
0x368: {  	v48 =	vadd.s32 v21, v35;
	v43 =	vld [tilespmem:s1+$0xFFFFFF20];
	[tilespmem:v45+s25+$0x0] =	vst.idx.msk $0xffff, v44  }
0x369: {  	v45 =	vadd.s32 v10, v38;
	[tilespmem:v52+s25+$0x0] =	vst.idx.msk $0xffff, v51;
	v44 =	vld [tilespmem:s1+$0xFFFFFF60]  }
0x36a: {  	[tilespmem:v47+s25+$0x0] =	vst.idx.msk $0xffff, v39;
	v39 =	vld [tilespmem:s1+$0xFFFFFFA0];
	v47 =	vadd.s32 v25, v37  }
0x36b: {  	v52 =	vadd.s32 v11, v34;
	v51 =	vld [tilespmem:s1+$0xFFFFFE20];
	[tilespmem:v50+s25+$0x0] =	vst.idx.msk $0xffff, v49  }
0x36c: {  	v50 =	vadd.s32 v30, v46;
	v49 =	vld [tilespmem:s1+$0xFFFFFE70];
	[tilespmem:v41+s25+$0x0] =	vst.idx.msk $0xffff, v40  }
0x36d: {  	[tilespmem:v48+s25+$0x0] =	vst.idx.msk $0xffff, v43;
	v40 =	vld [tilespmem:s1+$0x0];
	v48 =	vadd.s32 v20, v42  }
0x36e: {  	v57 =	vadd.s32 v32, v56;
	v53 =	vld [tilespmem:s1+$0xFFFFFEB0];
	[tilespmem:v45+s25+$0x0] =	vst.idx.msk $0xffff, v44  }
0x36f: {  	v59 =	vadd.s32 v29, v36;
	v58 =	vld [tilespmem:s1+$0xFFFFFEF0];
	[tilespmem:v47+s25+$0x0] =	vst.idx.msk $0xffff, v39  }
0x370: {  	v61 =	vadd.s32 v22, v35;
	[tilespmem:v52+s25+$0x0] =	vst.idx.msk $0xffff, v51;
	v60 =	vld [tilespmem:s1+$0xFFFFFF30]  }
.Ltmp5:
0x371: {  	s4 =	sadd.s32 $0x1, s2;
	v42 =	vadd.s32 v1, v38;
	v39 =	vmov s2;
	[tilespmem:v50+s25+$0x0] =	vst.idx.msk $0xffff, v49;
	v41 =	vld [tilespmem:s1+$0xFFFFFF70];
	(pc) =	sbr.rel @p1 .LBB2_13-.Ltmp5, $4  }
0x372: {  	s6 =	sadd.s32 $0x3, s2;
	v54 =	vmov s4;
	s4 =	sadd.s32 $0x2, s2;
	v44 =	vadd.s32 v17, v37;
	v51 =	vshrl.u32 v39, $0x3;
	v43 =	vld [tilespmem:s1+$0xFFFFFFB0];
	[tilespmem:v48+s25+$0x0] =	vst.idx.msk $0xffff, v40  }
0x373: {  	v55 =	vmov s4;
	s4 =	sadd.s32 $0x4, s2;
	v45 =	vmov s6;
	s6 =	sadd.s32 $0x5, s2;
	v49 =	vadd.s32 v23, v34;
	v47 =	vld [tilespmem:s1+$0xFFFFFE30];
	[tilespmem:v57+s25+$0x0] =	vst.idx.msk $0xffff, v53  }
0x374: {  	v39 =	vmov s6;
	v52 =	vadd.s32 v6, v46;
	v48 =	vmov s4;
	s4 =	sadd.s32 $0x6, s2;
	v50 =	vld [tilespmem:s1+$0xFFFFFE80];
	[tilespmem:v59+s25+$0x0] =	vst.idx.msk $0xffff, v58  }
0x375: {  	v46 =	vshll.u32 v51, v2;
	v40 =	vmov s4;
	s4 =	sadd.s32 $0x7, s2;
	s2 =	sadd.s32 $0x8, s2;
	v53 =	vadd.s32 v12, v56;
	v51 =	vld [tilespmem:s1+$0xFFFFFEC0];
	[tilespmem:v61+s25+$0x0] =	vst.idx.msk $0xffff, v60  }
0x376: {  	_ =	sdelay $0x2  }
0x377: {  	v54 =	vshrl.u32 v54, $0x3  }
0x378: {  	v56 =	vmov s4;
	v57 =	vld [tilespmem:s1+$0xFFFFFF00];
	v36 =	vadd.s32 v14, v36;
	[tilespmem:v42+s25+$0x0] =	vst.idx.msk $0xffff, v41;
	v41 =	vshrl.u32 v55, $0x3  }
0x379: {  	v55 =	vld [tilespmem:s1+$0xFFFFFF40];
	v35 =	vadd.s32 v19, v35;
	v61 =	vshrl.u32 v45, $0x3;
	v60 =	vshrl.u32 v56, $0x3;
	[tilespmem:v44+s25+$0x0] =	vst.idx.msk $0xffff, v43  }
0x37a: {  	v38 =	vadd.s32 v3, v38;
	v58 =	vshrl.u32 v48, $0x3;
	v56 =	vld [tilespmem:s1+$0xFFFFFF80];
	v42 =	vshll.u32 v60, v2;
	[tilespmem:v49+s25+$0x0] =	vst.idx.msk $0xffff, v47  }
0x37b: {  	v37 =	vadd.s32 v15, v37;
	v59 =	vld [tilespmem:s1+$0xFFFFFFC0];
	v60 =	vshll.u32 v54, v2;
	v42 =	vbroadcast v42, $0x0;
	[tilespmem:v52+s25+$0x0] =	vst.idx.msk $0xffff, v50  }
0x37c: {  	v46 =	vbroadcast v46, $0x0;
	v34 =	vadd.s32 v4, v34;
	s2 =	sadd.s32 $0x200, s1;
	v49 =	vld [tilespmem:s1+$0xFFFFFE40];
	v48 =	vbroadcast v60, $0x0;
	[tilespmem:v53+s25+$0x0] =	vst.idx.msk $0xffff, v51  }
0x37d: {  	v39 =	vshrl.u32 v39, $0x3;
	v41 =	vshll.u32 v41, v2;
	v50 =	vld [tilespmem:s2+$0xFFFFFFD0];
	v51 =	vadd.s32 v13, v42;
	[tilespmem:v36+s25+$0x0] =	vst.idx.msk $0xffff, v57  }
0x37e: {  	v43 =	vshll.u32 v61, v2;
	v41 =	vbroadcast v41, $0x0;
	[tilespmem:v35+s25+$0x0] =	vst.idx.msk $0xffff, v55;
	v35 =	vld [tilespmem:s2+$0xFFFFFE50];
	v61 =	vadd.s32 v18, v48  }
0x37f: {  	v45 =	vshll.u32 v58, v2;
	v43 =	vbroadcast v43, $0x0;
	v52 =	vadd.s32 v5, v46;
	v36 =	vld [tilespmem:s2+$0xFFFFFE10];
	[tilespmem:v38+s25+$0x0] =	vst.idx.msk $0xffff, v56  }
0x380: {  	v39 =	vshll.u32 v39, v2;
	v45 =	vbroadcast v45, $0x0;
	v55 =	vld [tilespmem:s2+$0xFFFFFE90];
	v56 =	vadd.s32 v24, v41;
	[tilespmem:v37+s25+$0x0] =	vst.idx.msk $0xffff, v59  }
0x381: {  	v39 =	vbroadcast v39, $0x0;
	v58 =	vadd.s32 v7, v43;
	v57 =	vld [tilespmem:s2+$0xFFFFFED0];
	[tilespmem:v34+s25+$0x0] =	vst.idx.msk $0xffff, v49  }
0x382: {  	v40 =	vshrl.u32 v40, $0x3;
	v60 =	vadd.s32 v9, v45;
	v59 =	vld [tilespmem:s2+$0xFFFFFF10];
	[tilespmem:v51+s25+$0x0] =	vst.idx.msk $0xffff, v50  }
0x383: {  	v40 =	vshll.u32 v40, v2;
	[tilespmem:v61+s25+$0x0] =	vst.idx.msk $0xffff, v35;
	v35 =	vld [tilespmem:s2+$0xFFFFFF50];
	v61 =	vadd.s32 v8, v39  }
0x384: {  	[tilespmem:v52+s25+$0x0] =	vst.idx.msk $0xffff, v36;
	v36 =	vbroadcast v40, $0x0;
	v50 =	vadd.s32 v27, v42;
	v40 =	vld [tilespmem:s2+$0xFFFFFFE0]  }
0x385: {  	[tilespmem:v56+s25+$0x0] =	vst.idx.msk $0xffff, v55;
	v52 =	vld [tilespmem:s2+$0xFFFFFE60];
	v56 =	vadd.s32 v33, v48  }
0x386: {  	v38 =	vld [tilespmem:s2+$0xFFFFFF90];
	[tilespmem:v58+s25+$0x0] =	vst.idx.msk $0xffff, v57;
	v44 =	vadd.s32 v16, v36  }
0x387: {  	v58 =	vadd.s32 v31, v41;
	v57 =	vld [tilespmem:s2+$0xFFFFFEA0];
	[tilespmem:v60+s25+$0x0] =	vst.idx.msk $0xffff, v59  }
0x388: {  	v59 =	vld [tilespmem:s2+$0xFFFFFEE0];
	v60 =	vadd.s32 v26, v43;
	[tilespmem:v61+s25+$0x0] =	vst.idx.msk $0xffff, v35  }
0x389: {  	v61 =	vadd.s32 v21, v45;
	[tilespmem:v50+s25+$0x0] =	vst.idx.msk $0xffff, v40;
	v50 =	vld [tilespmem:s2+$0xFFFFFF20]  }
0x38a: {  	v40 =	vadd.s32 v28, v42;
	[tilespmem:v56+s25+$0x0] =	vst.idx.msk $0xffff, v52;
	v35 =	vld [tilespmem:s2+$0xFFFFFFF0]  }
0x38b: {  	[tilespmem:v44+s25+$0x0] =	vst.idx.msk $0xffff, v38;
	v38 =	vld [tilespmem:s2+$0xFFFFFF60];
	v44 =	vadd.s32 v10, v39  }
0x38c: {  	[tilespmem:v58+s25+$0x0] =	vst.idx.msk $0xffff, v57;
	v57 =	vld [tilespmem:s2+$0xFFFFFE20];
	v58 =	vadd.s32 v11, v46  }
0x38d: {  	v56 =	vadd.s32 v25, v36;
	[tilespmem:v60+s25+$0x0] =	vst.idx.msk $0xffff, v59;
	v37 =	vld [tilespmem:s2+$0xFFFFFFA0]  }
0x38e: {  	v59 =	vld [tilespmem:s2+$0xFFFFFE70];
	v60 =	vadd.s32 v30, v48;
	[tilespmem:v61+s25+$0x0] =	vst.idx.msk $0xffff, v50  }
0x38f: {  	v61 =	vadd.s32 v20, v42;
	v42 =	vld [tilespmem:s2+$0xFFFFFEB0];
	v50 =	vadd.s32 v32, v41;
	[tilespmem:v40+s25+$0x0] =	vst.idx.msk $0xffff, v35  }
0x390: {  	[tilespmem:v44+s25+$0x0] =	vst.idx.msk $0xffff, v38;
	v38 =	vld [tilespmem:s2+$0xFFFFFEF0];
	v44 =	vadd.s32 v29, v43  }
0x391: {  	[tilespmem:v58+s25+$0x0] =	vst.idx.msk $0xffff, v57;
	v35 =	vld [tilespmem:s2+$0x0]  }
0x392: {  	v47 =	vadd.s32 v22, v45;
	[tilespmem:v56+s25+$0x0] =	vst.idx.msk $0xffff, v37;
	v37 =	vld [tilespmem:s2+$0xFFFFFF30]  }
0x393: {  	[tilespmem:v60+s25+$0x0] =	vst.idx.msk $0xffff, v59;
	v57 =	vadd.s32 v1, v39;
	v56 =	vld [tilespmem:s2+$0xFFFFFF70]  }
0x394: {  	v48 =	vadd.s32 v6, v48;
	v53 =	vld [tilespmem:s2+$0xFFFFFE80];
	[tilespmem:v50+s25+$0x0] =	vst.idx.msk $0xffff, v42  }
0x395: {  	v59 =	vadd.s32 v17, v36;
	v58 =	vld [tilespmem:s2+$0xFFFFFFB0];
	[tilespmem:v44+s25+$0x0] =	vst.idx.msk $0xffff, v38  }
0x396: {  	v60 =	vld [tilespmem:s2+$0xFFFFFE30];
	[tilespmem:v61+s25+$0x0] =	vst.idx.msk $0xffff, v35;
	v61 =	vadd.s32 v23, v46  }
0x397: {  	v41 =	vadd.s32 v12, v41;
	v54 =	vld [tilespmem:s2+$0xFFFFFEC0];
	[tilespmem:v47+s25+$0x0] =	vst.idx.msk $0xffff, v37  }
0x398: {  	v43 =	vadd.s32 v14, v43;
	v55 =	vld [tilespmem:s2+$0xFFFFFF00];
	[tilespmem:v57+s25+$0x0] =	vst.idx.msk $0xffff, v56  }
0x399: {  	v57 =	vadd.s32 v19, v45;
	[tilespmem:v48+s25+$0x0] =	vst.idx.msk $0xffff, v53;
	v56 =	vld [tilespmem:s2+$0xFFFFFF40]  }
0x39a: {  	v39 =	vadd.s32 v3, v39;
	[tilespmem:v59+s25+$0x0] =	vst.idx.msk $0xffff, v58;
	v58 =	vld [tilespmem:s2+$0xFFFFFF80]  }
0x39b: {  	v36 =	vadd.s32 v15, v36;
	v59 =	vld [tilespmem:s2+$0xFFFFFFC0];
	[tilespmem:v61+s25+$0x0] =	vst.idx.msk $0xffff, v60  }
0x39c: {  	[tilespmem:v41+s25+$0x0] =	vst.idx.msk $0xffff, v54;
	v61 =	vadd.s32 v4, v46;
	v60 =	vld [tilespmem:s2+$0xFFFFFE40]  }
0x39d: {  	[tilespmem:v43+s25+$0x0] =	vst.idx.msk $0xffff, v55  }
0x39e: {  	[tilespmem:v57+s25+$0x0] =	vst.idx.msk $0xffff, v56  }
0x39f: {  	[tilespmem:v39+s25+$0x0] =	vst.idx.msk $0xffff, v58  }
0x3a0: {  	[tilespmem:v36+s25+$0x0] =	vst.idx.msk $0xffff, v59  }
0x3a1: {  	s4 =	simm.s32 $0x18C00;
	s2 =	sadd.s32 s16, s17;
	[tilespmem:v61+s25+$0x0] =	vst.idx.msk $0xffff, v60  }
0x3a2: {  	[hbm4b:s2+s3] =	stream.linear.scatter [tilespmem:s4], [sflag:$0x7], $0x80, $0x38;
	[tilespmem:$0x1D000] =	vst v63  }
0x3a3: {  	s6 =	simm.s32 $0x18C88;
	s7 =	sadd.s32 $0x10, s2  }
0x3a4: {  	[hbm4b:s7+s3] =	stream.linear.scatter [tilespmem:s6], [sflag:$0x7], $0x80, $0x38;
	[tilespmem:$0x1D000] =	vst v63  }
0x3a5: {  	s8 =	simm.s32 $0x18D10;
	s1 =	simm.s32 $0x440;
	s16 =	sadd.s32 $0x20, s2  }
0x3a6: {  	[hbm4b:s16+s3] =	stream.linear.scatter [tilespmem:s8], [sflag:$0x7], $0x80, $0x38;
	[tilespmem:$0x1D000] =	vst v63  }
0x3a7: {  	s4 =	simm.s32 $0x2200;
	s6 =	simm.s32 $0x18D98;
	s7 =	sadd.s32 $0x30, s2  }
0x3a8: {  	[hbm4b:s7+s3] =	stream.linear.scatter [tilespmem:s6], [sflag:$0x7], $0x80, $0x38;
	[tilespmem:$0x1D000] =	vst v63  }
0x3a9: {  	s8 =	simm.s32 $0x18E20;
	s16 =	sadd.s32 $0x40, s2;
	s6 =	simm.s32 $0x18EA8  }
0x3aa: {  	[hbm4b:s16+s3] =	stream.linear.scatter [tilespmem:s8], [sflag:$0x7], $0x80, $0x38;
	[tilespmem:$0x1D000] =	vst v63  }
0x3ab: {  	s7 =	sadd.s32 $0x50, s2;
	s8 =	simm.s32 $0x18F30;
	s16 =	sadd.s32 $0x60, s2  }
0x3ac: {  	[hbm4b:s7+s3] =	stream.linear.scatter [tilespmem:s6], [sflag:$0x7], $0x80, $0x38;
	[tilespmem:$0x1D000] =	vst v63  }
0x3ad: {  	s6 =	simm.s32 $0x18FB8;
	s7 =	sadd.s32 $0x70, s2;
	s2 =	sadd.s32 $0x1000, s2  }
0x3ae: {  	[hbm4b:s16+s3] =	stream.linear.scatter [tilespmem:s8], [sflag:$0x7], $0x80, $0x38;
	[tilespmem:$0x1D000] =	vst v63  }
.LBB2_15:
0x3af: {  	[hbm4b:s7+s3] =	stream.linear.scatter [tilespmem:s6], [sflag:$0x7], $0x80, $0x38;
	[tilespmem:$0x1D000] =	vst v63  }
0x3b0: {  	s6 =	smov.u32 s1;
	s1 =	smov.u32 s4  }
0x3b1: {  	s8 =	sadd.s32 $0x1100, s4;
	s1 =	sshra.s32 s1, $0x2;
	s7 =	sadd.s32 $0x18C00, s6  }
0x3b2: {  	[hbm4b:s2+s3] =	stream.linear.scatter [tilespmem:s7], [sflag:$0x7], $0x80, $0x38;
	[tilespmem:$0x1D000] =	vst v63  }
0x3b3: {  	p1 =	sne.s32 s4, $0x7700;
	s4 =	sadd.s32 $0x18C88, s6;
	s7 =	sadd.s32 $0x10, s2  }
0x3b4: {  	[hbm4b:s7+s3] =	stream.linear.scatter [tilespmem:s4], [sflag:$0x7], $0x80, $0x38;
	[tilespmem:$0x1D000] =	vst v63  }
0x3b5: {  	s4 =	sadd.s32 $0x18D10, s6;
	s7 =	sadd.s32 $0x20, s2  }
0x3b6: {  	[hbm4b:s7+s3] =	stream.linear.scatter [tilespmem:s4], [sflag:$0x7], $0x80, $0x38;
	[tilespmem:$0x1D000] =	vst v63  }
0x3b7: {  	s4 =	sadd.s32 $0x18D98, s6;
	s7 =	sadd.s32 $0x30, s2  }
0x3b8: {  	[hbm4b:s7+s3] =	stream.linear.scatter [tilespmem:s4], [sflag:$0x7], $0x80, $0x38;
	[tilespmem:$0x1D000] =	vst v63  }
0x3b9: {  	s4 =	sadd.s32 $0x18E20, s6;
	s7 =	sadd.s32 $0x40, s2  }
0x3ba: {  	[hbm4b:s7+s3] =	stream.linear.scatter [tilespmem:s4], [sflag:$0x7], $0x80, $0x38;
	[tilespmem:$0x1D000] =	vst v63  }
.Ltmp6:
0x3bb: {  	s4 =	sadd.s32 $0x18EA8, s6;
	s7 =	sadd.s32 $0x50, s2;
	(pc) =	sbr.rel @p1 .LBB2_15-.Ltmp6, $4  }
0x3bc: {  	[hbm4b:s7+s3] =	stream.linear.scatter [tilespmem:s4], [sflag:$0x7], $0x80, $0x38;
	[tilespmem:$0x1D000] =	vst v63  }
0x3bd: {  	s4 =	sadd.s32 $0x18F30, s6;
	s7 =	sadd.s32 $0x60, s2;
	s6 =	sadd.s32 $0x18FB8, s6  }
0x3be: {  	[hbm4b:s7+s3] =	stream.linear.scatter [tilespmem:s4], [sflag:$0x7], $0x80, $0x38;
	[tilespmem:$0x1D000] =	vst v63  }
0x3bf: {  	s7 =	sadd.s32 $0x70, s2;
	s2 =	sadd.s32 $0x1000, s2;
	s4 =	smov.u32 s8  }
0x3c0: {  	[hbm4b:s7+s3] =	stream.linear.scatter [tilespmem:s6], [sflag:$0x7], $0x80, $0x38;
	[tilespmem:$0x1D000] =	vst v63  }
0x3c1: {  	s4 =	sadd.s32 $0x18C00, s1  }
0x3c2: {  	[hbm4b:s2+s3] =	stream.linear.scatter [tilespmem:s4], [sflag:$0x7], $0x80, $0x38;
	[tilespmem:$0x1D000] =	vst v63  }
0x3c3: {  	s8 =	sadd.s32 $0x18C88, s1;
	s16 =	sadd.s32 $0x10, s2  }
0x3c4: {  	[hbm4b:s16+s3] =	stream.linear.scatter [tilespmem:s8], [sflag:$0x7], $0x80, $0x38;
	[tilespmem:$0x1D000] =	vst v63  }
0x3c5: {  	s6 =	sadd.s32 $0x18D10, s1;
	s7 =	sadd.s32 $0x20, s2  }
0x3c6: {  	[hbm4b:s7+s3] =	stream.linear.scatter [tilespmem:s6], [sflag:$0x7], $0x80, $0x38;
	[tilespmem:$0x1D000] =	vst v63  }
0x3c7: {  	s8 =	sadd.s32 $0x18D98, s1;
	s16 =	sadd.s32 $0x30, s2  }
0x3c8: {  	[hbm4b:s16+s3] =	stream.linear.scatter [tilespmem:s8], [sflag:$0x7], $0x80, $0x38;
	[tilespmem:$0x1D000] =	vst v63  }
0x3c9: {  	s6 =	sadd.s32 $0x18E20, s1;
	s7 =	sadd.s32 $0x40, s2  }
0x3ca: {  	[hbm4b:s7+s3] =	stream.linear.scatter [tilespmem:s6], [sflag:$0x7], $0x80, $0x38;
	[tilespmem:$0x1D000] =	vst v63  }
0x3cb: {  	s8 =	sadd.s32 $0x18EA8, s1;
	s16 =	sadd.s32 $0x50, s2  }
0x3cc: {  	[hbm4b:s16+s3] =	stream.linear.scatter [tilespmem:s8], [sflag:$0x7], $0x80, $0x38;
	[tilespmem:$0x1D000] =	vst v63  }
0x3cd: {  	s7 =	sadd.s32 $0x18F30, s1;
	s6 =	simm.s32 $0x0;
	s8 =	sadd.s32 $0x60, s2  }
0x3ce: {  	[hbm4b:s8+s3] =	stream.linear.scatter [tilespmem:s7], [sflag:$0x7], $0x80, $0x38;
	[tilespmem:$0x1D000] =	vst v63  }
0x3cf: {  	s4 =	sadd.s32 $0x70, s2;
	v34 =	vmov s6;
	s6 =	simm.s32 $0x7;
	s16 =	sadd.s32 $0x18FB8, s1  }
0x3d0: {  	v39 =	vmov s6;
	[hbm4b:s4+s3] =	stream.linear.scatter [tilespmem:s16], [sflag:$0x7], $0x80, $0x38;
	[tilespmem:$0x1D000] =	vst v63  }
0x3d1: {  	v34 =	vshrl.u32 v34, $0x3;
	v39 =	vshrl.u32 v39, $0x3;
	_ =	swait.ge [sflag:s30], $0x2000  }
0x3d2: {  	v34 =	vshll.u32 v34, v2;
	s7 =	simm.s32 $0x1;
	s8 =	simm.s32 $0x2;
	v39 =	vshll.u32 v39, v2;
	[sflag:s30] =	ssyncset.done $0x0  }
0x3d3: {  	v34 =	vbroadcast v34, $0x0;
	v35 =	vmov s7;
	v36 =	vmov s8;
	s7 =	simm.s32 $0x5;
	s8 =	simm.s32 $0x6;
	[sflag:s30] =	ssyncadd.s32 $0xFFFFE000  }
0x3d4: {  	s2 =	sadd.s32 @!p0 $0x6700, s5;
	s5 =	simm.s32 @!p0 $0x10800;
	v39 =	vbroadcast v39, $0x0;
	v40 =	vmov s7;
	v41 =	vmov s8;
	_ =	swait.ge [sflag:s31], $0x2000  }
0x3d5: {  	s16 =	simm.s32 $0x3;
	s4 =	simm.s32 $0x4;
	v35 =	vshrl.u32 v35, $0x3;
	v36 =	vshrl.u32 v36, $0x3;
	v45 =	vadd.s32 v5, v34;
	[sflag:s31] =	ssyncset.done $0x0  }
0x3d6: {  	s1 =	simm.s32 $0x129F0;
	v37 =	vmov s16;
	v38 =	vmov s4;
	s4 =	simm.s32 @!p0 $0x80;
	v35 =	vshll.u32 v35, v2;
	[sflag:s31] =	ssyncadd.s32 $0xFFFFE000  }
0x3d7: {  	v57 =	vshll.u32 v36, v2;
	v43 =	vadd.s32 v13, v39;
	v60 =	vshrl.u32 v40, $0x3;
	[tilespmem:s5], [sflag:$0x3] =	stream.indirect.gather @!p0 [hbm4b:s10+s4], $0x40, s2, s4, $0xb8;
	[tilespmem:$0x1D000] =	vst v63  }
0x3d8: {  	v41 =	vshrl.u32 v41, $0x3;
	v37 =	vshrl.u32 v37, $0x3;
	v46 =	vbroadcast v35, $0x0;
	v42 =	vld [tilespmem:s1+$0xFFFFFFD0]  }
0x3d9: {  	v38 =	vshrl.u32 v38, $0x3;
	v53 =	vbroadcast v57, $0x0;
	v58 =	vshll.u32 v37, v2;
	v44 =	vld [tilespmem:s1+$0xFFFFFE10]  }
0x3da: {  	v59 =	vshll.u32 v38, v2;
	v48 =	vadd.s32 v18, v46;
	v36 =	vbroadcast v58, $0x0;
	v47 =	vld [tilespmem:s1+$0xFFFFFE50]  }
0x3db: {  	v37 =	vshll.u32 v60, v2;
	v50 =	vadd.s32 v24, v53;
	v35 =	vbroadcast v59, $0x0;
	v49 =	vld [tilespmem:s1+$0xFFFFFE90]  }
0x3dc: {  	v56 =	vshll.u32 v41, v2;
	v38 =	vbroadcast v37, $0x0;
	v51 =	vadd.s32 v7, v36;
	v61 =	vld [tilespmem:s1+$0xFFFFFED0]  }
0x3dd: {  	v37 =	vbroadcast v56, $0x0;
	v54 =	vadd.s32 v9, v35;
	v52 =	vld [tilespmem:s1+$0xFFFFFF10];
	[tilespmem:v43+s29+$0x0] =	vst.idx.msk $0xffff, v42  }
0x3de: {  	v59 =	vadd.s32 v8, v38;
	v58 =	vld [tilespmem:s1+$0xFFFFFF50];
	[tilespmem:v45+s29+$0x0] =	vst.idx.msk $0xffff, v44  }
0x3df: {  	[tilespmem:v48+s29+$0x0] =	vst.idx.msk $0xffff, v47;
	v45 =	vld [tilespmem:s1+$0xFFFFFF90];
	v47 =	vadd.s32 v16, v37  }
0x3e0: {  	v57 =	vadd.s32 v27, v39;
	[tilespmem:v50+s29+$0x0] =	vst.idx.msk $0xffff, v49;
	v41 =	vld [tilespmem:s1+$0xFFFFFFE0]  }
0x3e1: {  	[tilespmem:v51+s29+$0x0] =	vst.idx.msk $0xffff, v61;
	v61 =	vadd.s32 v31, v53;
	v60 =	vld [tilespmem:s1+$0xFFFFFEA0]  }
0x3e2: {  	v49 =	vadd.s32 v33, v46;
	[tilespmem:v54+s29+$0x0] =	vst.idx.msk $0xffff, v52;
	v48 =	vld [tilespmem:s1+$0xFFFFFE60]  }
0x3e3: {  	v56 =	vadd.s32 v26, v36;
	[tilespmem:v59+s29+$0x0] =	vst.idx.msk $0xffff, v58;
	v51 =	vld [tilespmem:s1+$0xFFFFFEE0]  }
0x3e4: {  	v59 =	vadd.s32 v21, v35;
	v58 =	vld [tilespmem:s1+$0xFFFFFF20];
	[tilespmem:v47+s29+$0x0] =	vst.idx.msk $0xffff, v45  }
0x3e5: {  	v45 =	vld [tilespmem:s1+$0xFFFFFF60];
	v47 =	vadd.s32 v10, v38;
	[tilespmem:v57+s29+$0x0] =	vst.idx.msk $0xffff, v41  }
0x3e6: {  	[tilespmem:v61+s29+$0x0] =	vst.idx.msk $0xffff, v60;
	v60 =	vld [tilespmem:s1+$0xFFFFFE20];
	v61 =	vadd.s32 v11, v34  }
0x3e7: {  	v57 =	vadd.s32 v28, v39;
	[tilespmem:v49+s29+$0x0] =	vst.idx.msk $0xffff, v48;
	v41 =	vld [tilespmem:s1+$0xFFFFFFF0]  }
0x3e8: {  	v40 =	vld [tilespmem:s1+$0xFFFFFFA0];
	v48 =	vadd.s32 v25, v37;
	[tilespmem:v56+s29+$0x0] =	vst.idx.msk $0xffff, v51  }
0x3e9: {  	v52 =	vadd.s32 v30, v46;
	[tilespmem:v59+s29+$0x0] =	vst.idx.msk $0xffff, v58;
	v51 =	vld [tilespmem:s1+$0xFFFFFE70]  }
0x3ea: {  	v59 =	vadd.s32 v29, v36;
	v58 =	vld [tilespmem:s1+$0xFFFFFEF0];
	[tilespmem:v47+s29+$0x0] =	vst.idx.msk $0xffff, v45  }
0x3eb: {  	[tilespmem:v61+s29+$0x0] =	vst.idx.msk $0xffff, v60;
	v60 =	vld [tilespmem:s1+$0xFFFFFF30];
	v61 =	vadd.s32 v22, v35  }
0x3ec: {  	v56 =	vld [tilespmem:s1+$0xFFFFFEB0];
	[tilespmem:v57+s29+$0x0] =	vst.idx.msk $0xffff, v41;
	v57 =	vadd.s32 v32, v53  }
0x3ed: {  	s16 =	simm.s32 $0x8;
	v39 =	vadd.s32 v20, v39;
	[tilespmem:v48+s29+$0x0] =	vst.idx.msk $0xffff, v40;
	v55 =	vld [tilespmem:s1+$0x0]  }
0x3ee: {  	s6 =	simm.s32 $0xB;
	v54 =	vmov s16;
	v42 =	vadd.s32 v1, v38;
	[tilespmem:v52+s29+$0x0] =	vst.idx.msk $0xffff, v51;
	v41 =	vld [tilespmem:s1+$0xFFFFFF70]  }
0x3ef: {  	s7 =	simm.s32 $0xC;
	s4 =	simm.s32 $0x9;
	v44 =	vadd.s32 v17, v37;
	v49 =	vadd.s32 v23, v34;
	v45 =	vmov s6;
	v43 =	vld [tilespmem:s1+$0xFFFFFFB0];
	[tilespmem:v59+s29+$0x0] =	vst.idx.msk $0xffff, v58  }
0x3f0: {  	s16 =	simm.s32 $0xE;
	v40 =	vshrl.u32 v54, $0x3;
	v54 =	vmov s4;
	v48 =	vmov s7;
	v47 =	vld [tilespmem:s1+$0xFFFFFE30];
	[tilespmem:v61+s29+$0x0] =	vst.idx.msk $0xffff, v60  }
0x3f1: {  	s8 =	simm.s32 $0xD;
	s5 =	simm.s32 $0xA;
	v52 =	vadd.s32 v6, v46;
	v46 =	vshll.u32 v40, v2;
	v40 =	vmov s16;
	v50 =	vld [tilespmem:s1+$0xFFFFFE80];
	[tilespmem:v57+s29+$0x0] =	vst.idx.msk $0xffff, v56  }
0x3f2: {  	s2 =	simm.s32 $0x10;
	s4 =	simm.s32 $0xF;
	v53 =	vadd.s32 v12, v53;
	[tilespmem:v39+s29+$0x0] =	vst.idx.msk $0xffff, v55;
	v55 =	vmov s5;
	v39 =	vmov s8;
	v51 =	vld [tilespmem:s1+$0xFFFFFEC0]  }
.LBB2_17:
0x3f3: {  	p0 =	slt.u32 s2, $0x78;
	v54 =	vshrl.u32 v54, $0x3;
	v56 =	vmov s4;
	v57 =	vld [tilespmem:s1+$0xFFFFFF00];
	v36 =	vadd.s32 v14, v36;
	[tilespmem:v42+s29+$0x0] =	vst.idx.msk $0xffff, v41  }
0x3f4: {  	v41 =	vshrl.u32 v55, $0x3;
	v35 =	vadd.s32 v19, v35;
	v42 =	vshrl.u32 v56, $0x3;
	v55 =	vld [tilespmem:s1+$0xFFFFFF40];
	[tilespmem:v44+s29+$0x0] =	vst.idx.msk $0xffff, v43  }
0x3f5: {  	v38 =	vadd.s32 v3, v38;
	v43 =	vshrl.u32 v45, $0x3;
	v42 =	vshll.u32 v42, v2;
	[tilespmem:v49+s29+$0x0] =	vst.idx.msk $0xffff, v47;
	v44 =	vld [tilespmem:s1+$0xFFFFFF80]  }
0x3f6: {  	v37 =	vadd.s32 v15, v37;
	v45 =	vshrl.u32 v48, $0x3;
	v42 =	vbroadcast v42, $0x0;
	[tilespmem:v52+s29+$0x0] =	vst.idx.msk $0xffff, v50;
	v47 =	vld [tilespmem:s1+$0xFFFFFFC0]  }
0x3f7: {  	v48 =	vshll.u32 v54, v2;
	v50 =	vadd.s32 v4, v34;
	v34 =	vbroadcast v46, $0x0;
	v49 =	vld [tilespmem:s1+$0xFFFFFE40];
	[tilespmem:v53+s29+$0x0] =	vst.idx.msk $0xffff, v51;
	s1 =	sadd.s32 $0x200, s1  }
0x3f8: {  	v41 =	vshll.u32 v41, v2;
	v46 =	vbroadcast v48, $0x0;
	v48 =	vld [tilespmem:s1+$0xFFFFFFD0];
	v51 =	vadd.s32 v13, v42;
	[tilespmem:v36+s29+$0x0] =	vst.idx.msk $0xffff, v57  }
0x3f9: {  	v56 =	vbroadcast v41, $0x0;
	v53 =	vadd.s32 v5, v34;
	v36 =	vshll.u32 v43, v2;
	v52 =	vld [tilespmem:s1+$0xFFFFFE10];
	[tilespmem:v35+s29+$0x0] =	vst.idx.msk $0xffff, v55  }
0x3fa: {  	v43 =	vadd.s32 v18, v46;
	v36 =	vbroadcast v36, $0x0;
	v35 =	vshll.u32 v45, v2;
	v41 =	vld [tilespmem:s1+$0xFFFFFE50];
	[tilespmem:v38+s29+$0x0] =	vst.idx.msk $0xffff, v44  }
0x3fb: {  	v45 =	vadd.s32 v24, v56;
	v35 =	vbroadcast v35, $0x0;
	v38 =	vshrl.u32 v39, $0x3;
	v44 =	vld [tilespmem:s1+$0xFFFFFE90];
	[tilespmem:v37+s29+$0x0] =	vst.idx.msk $0xffff, v47  }
0x3fc: {  	v40 =	vshrl.u32 v40, $0x3;
	v47 =	vadd.s32 v7, v36;
	v37 =	vshll.u32 v38, v2;
	v39 =	vld [tilespmem:s1+$0xFFFFFED0];
	[tilespmem:v50+s29+$0x0] =	vst.idx.msk $0xffff, v49  }
0x3fd: {  	v50 =	vadd.s32 v9, v35;
	v38 =	vbroadcast v37, $0x0;
	v37 =	vshll.u32 v40, v2;
	v49 =	vld [tilespmem:s1+$0xFFFFFF10];
	[tilespmem:v51+s29+$0x0] =	vst.idx.msk $0xffff, v48  }
0x3fe: {  	v37 =	vbroadcast v37, $0x0;
	v48 =	vadd.s32 v27, v42;
	[tilespmem:v53+s29+$0x0] =	vst.idx.msk $0xffff, v52;
	v40 =	vld [tilespmem:s1+$0xFFFFFFE0]  }
0x3ff: {  	[tilespmem:v43+s29+$0x0] =	vst.idx.msk $0xffff, v41;
	v41 =	vld [tilespmem:s1+$0xFFFFFF50];
	v43 =	vadd.s32 v8, v38  }
0x400: {  	[tilespmem:v45+s29+$0x0] =	vst.idx.msk $0xffff, v44;
	v44 =	vld [tilespmem:s1+$0xFFFFFF90];
	v45 =	vadd.s32 v16, v37  }
0x401: {  	v52 =	vadd.s32 v33, v46;
	v51 =	vld [tilespmem:s1+$0xFFFFFE60];
	[tilespmem:v47+s29+$0x0] =	vst.idx.msk $0xffff, v39  }
0x402: {  	v47 =	vadd.s32 v31, v56;
	v39 =	vld [tilespmem:s1+$0xFFFFFEA0];
	[tilespmem:v50+s29+$0x0] =	vst.idx.msk $0xffff, v49  }
0x403: {  	v50 =	vadd.s32 v26, v36;
	v49 =	vld [tilespmem:s1+$0xFFFFFEE0];
	[tilespmem:v48+s29+$0x0] =	vst.idx.msk $0xffff, v40  }
0x404: {  	[tilespmem:v43+s29+$0x0] =	vst.idx.msk $0xffff, v41;
	v40 =	vld [tilespmem:s1+$0xFFFFFFF0];
	v41 =	vadd.s32 v28, v42  }
0x405: {  	v48 =	vadd.s32 v21, v35;
	v43 =	vld [tilespmem:s1+$0xFFFFFF20];
	[tilespmem:v45+s29+$0x0] =	vst.idx.msk $0xffff, v44  }
0x406: {  	v45 =	vadd.s32 v10, v38;
	[tilespmem:v52+s29+$0x0] =	vst.idx.msk $0xffff, v51;
	v44 =	vld [tilespmem:s1+$0xFFFFFF60]  }
0x407: {  	[tilespmem:v47+s29+$0x0] =	vst.idx.msk $0xffff, v39;
	v39 =	vld [tilespmem:s1+$0xFFFFFFA0];
	v47 =	vadd.s32 v25, v37  }
0x408: {  	v52 =	vadd.s32 v11, v34;
	v51 =	vld [tilespmem:s1+$0xFFFFFE20];
	[tilespmem:v50+s29+$0x0] =	vst.idx.msk $0xffff, v49  }
0x409: {  	v50 =	vadd.s32 v30, v46;
	v49 =	vld [tilespmem:s1+$0xFFFFFE70];
	[tilespmem:v41+s29+$0x0] =	vst.idx.msk $0xffff, v40  }
0x40a: {  	[tilespmem:v48+s29+$0x0] =	vst.idx.msk $0xffff, v43;
	v40 =	vld [tilespmem:s1+$0x0];
	v48 =	vadd.s32 v20, v42  }
0x40b: {  	v57 =	vadd.s32 v32, v56;
	v53 =	vld [tilespmem:s1+$0xFFFFFEB0];
	[tilespmem:v45+s29+$0x0] =	vst.idx.msk $0xffff, v44  }
0x40c: {  	v59 =	vadd.s32 v29, v36;
	v58 =	vld [tilespmem:s1+$0xFFFFFEF0];
	[tilespmem:v47+s29+$0x0] =	vst.idx.msk $0xffff, v39  }
0x40d: {  	v61 =	vadd.s32 v22, v35;
	[tilespmem:v52+s29+$0x0] =	vst.idx.msk $0xffff, v51;
	v60 =	vld [tilespmem:s1+$0xFFFFFF30]  }
.Ltmp7:
0x40e: {  	s4 =	sadd.s32 $0x1, s2;
	v42 =	vadd.s32 v1, v38;
	v39 =	vmov s2;
	[tilespmem:v50+s29+$0x0] =	vst.idx.msk $0xffff, v49;
	v41 =	vld [tilespmem:s1+$0xFFFFFF70];
	(pc) =	sbr.rel @p0 .LBB2_17-.Ltmp7, $4  }
0x40f: {  	s5 =	sadd.s32 $0x3, s2;
	v54 =	vmov s4;
	s4 =	sadd.s32 $0x2, s2;
	v44 =	vadd.s32 v17, v37;
	v51 =	vshrl.u32 v39, $0x3;
	v43 =	vld [tilespmem:s1+$0xFFFFFFB0];
	[tilespmem:v48+s29+$0x0] =	vst.idx.msk $0xffff, v40  }
0x410: {  	v55 =	vmov s4;
	s4 =	sadd.s32 $0x4, s2;
	v45 =	vmov s5;
	s5 =	sadd.s32 $0x5, s2;
	v49 =	vadd.s32 v23, v34;
	v47 =	vld [tilespmem:s1+$0xFFFFFE30];
	[tilespmem:v57+s29+$0x0] =	vst.idx.msk $0xffff, v53  }
0x411: {  	v39 =	vmov s5;
	v52 =	vadd.s32 v6, v46;
	v48 =	vmov s4;
	s4 =	sadd.s32 $0x6, s2;
	v50 =	vld [tilespmem:s1+$0xFFFFFE80];
	[tilespmem:v59+s29+$0x0] =	vst.idx.msk $0xffff, v58  }
0x412: {  	v46 =	vshll.u32 v51, v2;
	v40 =	vmov s4;
	s4 =	sadd.s32 $0x7, s2;
	s2 =	sadd.s32 $0x8, s2;
	v53 =	vadd.s32 v12, v56;
	v51 =	vld [tilespmem:s1+$0xFFFFFEC0];
	[tilespmem:v61+s29+$0x0] =	vst.idx.msk $0xffff, v60  }
0x413: {  	_ =	sdelay $0x2  }
0x414: {  	v54 =	vshrl.u32 v54, $0x3  }
0x415: {  	v56 =	vmov s4;
	v57 =	vld [tilespmem:s1+$0xFFFFFF00];
	v36 =	vadd.s32 v14, v36;
	[tilespmem:v42+s29+$0x0] =	vst.idx.msk $0xffff, v41;
	v35 =	vadd.s32 v19, v35  }
0x416: {  	v60 =	vshrl.u32 v55, $0x3;
	v55 =	vld [tilespmem:s1+$0xFFFFFF40];
	v38 =	vadd.s32 v3, v38;
	v37 =	vadd.s32 v15, v37;
	[tilespmem:v44+s29+$0x0] =	vst.idx.msk $0xffff, v43  }
0x417: {  	v46 =	vbroadcast v46, $0x0;
	v34 =	vadd.s32 v4, v34;
	v61 =	vshrl.u32 v56, $0x3;
	v44 =	vld [tilespmem:s1+$0xFFFFFF80];
	[tilespmem:v49+s29+$0x0] =	vst.idx.msk $0xffff, v47  }
0x418: {  	s16 =	sadd.s32 $0x200, s1;
	v56 =	vshrl.u32 v48, $0x3;
	v59 =	vshll.u32 v54, v2;
	v41 =	vshll.u32 v60, v2;
	v58 =	vld [tilespmem:s1+$0xFFFFFFC0];
	[tilespmem:v52+s29+$0x0] =	vst.idx.msk $0xffff, v50  }
0x419: {  	v42 =	vshll.u32 v61, v2;
	v48 =	vbroadcast v59, $0x0;
	v61 =	vld [tilespmem:s16+$0xFFFFFE10];
	v5 =	vadd.s32 v5, v46;
	[tilespmem:v53+s29+$0x0] =	vst.idx.msk $0xffff, v51  }
0x41a: {  	v39 =	vshrl.u32 v39, $0x3;
	v43 =	vshrl.u32 v45, $0x3;
	v41 =	vbroadcast v41, $0x0;
	v49 =	vld [tilespmem:s1+$0xFFFFFE40];
	[tilespmem:v36+s29+$0x0] =	vst.idx.msk $0xffff, v57  }
0x41b: {  	v43 =	vshll.u32 v43, v2;
	v42 =	vbroadcast v42, $0x0;
	v51 =	vld [tilespmem:s16+$0xFFFFFE50];
	v18 =	vadd.s32 v18, v48;
	[tilespmem:v35+s29+$0x0] =	vst.idx.msk $0xffff, v55  }
0x41c: {  	v39 =	vshll.u32 v39, v2;
	v43 =	vbroadcast v43, $0x0;
	v52 =	vld [tilespmem:s16+$0xFFFFFE90];
	v24 =	vadd.s32 v24, v41;
	[tilespmem:v38+s29+$0x0] =	vst.idx.msk $0xffff, v44  }
0x41d: {  	v60 =	vld [tilespmem:s16+$0xFFFFFFD0];
	v45 =	vshll.u32 v56, v2;
	v39 =	vbroadcast v39, $0x0;
	v13 =	vadd.s32 v13, v42;
	[tilespmem:v37+s29+$0x0] =	vst.idx.msk $0xffff, v58  }
0x41e: {  	v40 =	vshrl.u32 v40, $0x3;
	v53 =	vld [tilespmem:s16+$0xFFFFFED0];
	v7 =	vadd.s32 v7, v43;
	v44 =	vbroadcast v45, $0x0;
	[tilespmem:v5+s29+$0x0] =	vst.idx.msk $0xffff, v61  }
0x41f: {  	v40 =	vshll.u32 v40, v2;
	v8 =	vadd.s32 v8, v39;
	v55 =	vld [tilespmem:s16+$0xFFFFFF50];
	[tilespmem:v34+s29+$0x0] =	vst.idx.msk $0xffff, v49  }
0x420: {  	v54 =	vld [tilespmem:s16+$0xFFFFFF10];
	v5 =	vbroadcast v40, $0x0;
	v9 =	vadd.s32 v9, v44;
	[tilespmem:v18+s29+$0x0] =	vst.idx.msk $0xffff, v51  }
0x421: {  	v11 =	vadd.s32 v11, v46;
	v34 =	vld [tilespmem:s16+$0xFFFFFE20];
	[tilespmem:v24+s29+$0x0] =	vst.idx.msk $0xffff, v52  }
0x422: {  	v56 =	vld [tilespmem:s16+$0xFFFFFF90];
	v16 =	vadd.s32 v16, v5;
	[tilespmem:v13+s29+$0x0] =	vst.idx.msk $0xffff, v60  }
0x423: {  	v33 =	vadd.s32 v33, v48;
	v35 =	vld [tilespmem:s16+$0xFFFFFE60];
	[tilespmem:v7+s29+$0x0] =	vst.idx.msk $0xffff, v53  }
0x424: {  	v31 =	vadd.s32 v31, v41;
	v57 =	vld [tilespmem:s16+$0xFFFFFEA0];
	[tilespmem:v8+s29+$0x0] =	vst.idx.msk $0xffff, v55  }
0x425: {  	v27 =	vadd.s32 v27, v42;
	v13 =	vld [tilespmem:s16+$0xFFFFFFE0];
	[tilespmem:v9+s29+$0x0] =	vst.idx.msk $0xffff, v54  }
0x426: {  	v26 =	vadd.s32 v26, v43;
	v58 =	vld [tilespmem:s16+$0xFFFFFEE0];
	[tilespmem:v11+s29+$0x0] =	vst.idx.msk $0xffff, v34  }
0x427: {  	v10 =	vadd.s32 v10, v39;
	v60 =	vadd.s32 v28, v42;
	v28 =	vld [tilespmem:s16+$0xFFFFFF60];
	[tilespmem:v16+s29+$0x0] =	vst.idx.msk $0xffff, v56  }
0x428: {  	v21 =	vadd.s32 v21, v44;
	v61 =	vld [tilespmem:s16+$0xFFFFFF20];
	[tilespmem:v33+s29+$0x0] =	vst.idx.msk $0xffff, v35  }
0x429: {  	v53 =	vadd.s32 v23, v46;
	v52 =	vld [tilespmem:s16+$0xFFFFFE30];
	[tilespmem:v31+s29+$0x0] =	vst.idx.msk $0xffff, v57  }
0x42a: {  	v31 =	vld [tilespmem:s16+$0xFFFFFFA0];
	v33 =	vadd.s32 v25, v5;
	[tilespmem:v27+s29+$0x0] =	vst.idx.msk $0xffff, v13  }
0x42b: {  	v36 =	vadd.s32 v30, v48;
	[tilespmem:v26+s29+$0x0] =	vst.idx.msk $0xffff, v58;
	v35 =	vld [tilespmem:s16+$0xFFFFFE70]  }
0x42c: {  	v40 =	vadd.s32 v32, v41;
	v38 =	vld [tilespmem:s16+$0xFFFFFEB0];
	[tilespmem:v10+s29+$0x0] =	vst.idx.msk $0xffff, v28  }
0x42d: {  	v59 =	vld [tilespmem:s16+$0xFFFFFFF0];
	[tilespmem:v21+s29+$0x0] =	vst.idx.msk $0xffff, v61  }
0x42e: {  	v45 =	vadd.s32 v29, v43;
	v37 =	vadd.s32 v20, v42;
	v42 =	vld [tilespmem:s16+$0xFFFFFEF0];
	[tilespmem:v53+s29+$0x0] =	vst.idx.msk $0xffff, v52  }
0x42f: {  	v1 =	vadd.s32 v1, v39;
	v50 =	vld [tilespmem:s16+$0xFFFFFF70];
	[tilespmem:v33+s29+$0x0] =	vst.idx.msk $0xffff, v31  }
0x430: {  	v49 =	vadd.s32 v22, v44;
	v47 =	vld [tilespmem:s16+$0xFFFFFF30];
	[tilespmem:v36+s29+$0x0] =	vst.idx.msk $0xffff, v35  }
0x431: {  	v61 =	vadd.s32 v4, v46;
	v13 =	vld [tilespmem:s16+$0xFFFFFE40];
	[tilespmem:v40+s29+$0x0] =	vst.idx.msk $0xffff, v38  }
0x432: {  	v17 =	vadd.s32 v17, v5;
	v51 =	vld [tilespmem:s16+$0xFFFFFFB0];
	[tilespmem:v60+s29+$0x0] =	vst.idx.msk $0xffff, v59  }
0x433: {  	v6 =	vadd.s32 v6, v48;
	v54 =	vld [tilespmem:s16+$0xFFFFFE80];
	[tilespmem:v45+s29+$0x0] =	vst.idx.msk $0xffff, v42  }
0x434: {  	v12 =	vadd.s32 v12, v41;
	v55 =	vld [tilespmem:s16+$0xFFFFFEC0];
	[tilespmem:v1+s29+$0x0] =	vst.idx.msk $0xffff, v50  }
0x435: {  	v8 =	vld [tilespmem:s16+$0x0];
	[tilespmem:v49+s29+$0x0] =	vst.idx.msk $0xffff, v47  }
0x436: {  	v57 =	vadd.s32 v14, v43;
	v56 =	vld [tilespmem:s16+$0xFFFFFF00];
	[tilespmem:v61+s29+$0x0] =	vst.idx.msk $0xffff, v13  }
0x437: {  	v3 =	vadd.s32 v3, v39;
	v59 =	vld [tilespmem:s16+$0xFFFFFF80];
	[tilespmem:v17+s29+$0x0] =	vst.idx.msk $0xffff, v51  }
0x438: {  	v58 =	vadd.s32 v19, v44;
	v1 =	vld [tilespmem:s16+$0xFFFFFF40];
	[tilespmem:v6+s29+$0x0] =	vst.idx.msk $0xffff, v54  }
0x439: {  	v5 =	vadd.s32 v15, v5;
	v60 =	vld [tilespmem:s16+$0xFFFFFFC0];
	[tilespmem:v12+s29+$0x0] =	vst.idx.msk $0xffff, v55  }
0x43a: {  	[tilespmem:v37+s29+$0x0] =	vst.idx.msk $0xffff, v8  }
0x43b: {  	s2 =	sshll.u32 s15, $0x12;
	[tilespmem:v57+s29+$0x0] =	vst.idx.msk $0xffff, v56  }
0x43c: {  	s1 =	sor.u32 s12, s2;
	[tilespmem:v3+s29+$0x0] =	vst.idx.msk $0xffff, v59  }
0x43d: {  	s1 =	sshrl.u32 s1, $0x3;
	[tilespmem:v58+s29+$0x0] =	vst.idx.msk $0xffff, v1  }
0x43e: {  	s4 =	simm.s32 $0x1AE00;
	s2 =	sadd.s32 s9, s1;
	[tilespmem:v5+s29+$0x0] =	vst.idx.msk $0xffff, v60  }
0x43f: {  	[hbm4b:s2+s3] =	stream.linear.scatter [tilespmem:s4], [sflag:$0x8], $0x80, $0x38;
	[tilespmem:$0x1D000] =	vst v63  }
0x440: {  	s5 =	simm.s32 $0x1AE88;
	s6 =	sadd.s32 $0x10, s2  }
0x441: {  	[hbm4b:s6+s3] =	stream.linear.scatter [tilespmem:s5], [sflag:$0x8], $0x80, $0x38;
	[tilespmem:$0x1D000] =	vst v63  }
0x442: {  	s7 =	simm.s32 $0x1AF10;
	s15 =	simm.s32 $0x1AF98;
	s8 =	sadd.s32 $0x20, s2  }
0x443: {  	[hbm4b:s8+s3] =	stream.linear.scatter [tilespmem:s7], [sflag:$0x8], $0x80, $0x38;
	[tilespmem:$0x1D000] =	vst v63  }
0x444: {  	s1 =	simm.s32 $0x440;
	s16 =	sadd.s32 $0x30, s2;
	s4 =	simm.s32 $0x2200  }
0x445: {  	[hbm4b:s16+s3] =	stream.linear.scatter [tilespmem:s15], [sflag:$0x8], $0x80, $0x38;
	[tilespmem:$0x1D000] =	vst v63  }
0x446: {  	s5 =	simm.s32 $0x1B020;
	s6 =	sadd.s32 $0x40, s2;
	s7 =	simm.s32 $0x1B0A8  }
0x447: {  	[hbm4b:s6+s3] =	stream.linear.scatter [tilespmem:s5], [sflag:$0x8], $0x80, $0x38;
	[tilespmem:$0x1D000] =	vst v63  }
0x448: {  	s8 =	sadd.s32 $0x50, s2;
	s15 =	simm.s32 $0x1B130;
	s16 =	sadd.s32 $0x60, s2  }
0x449: {  	[hbm4b:s8+s3] =	stream.linear.scatter [tilespmem:s7], [sflag:$0x8], $0x80, $0x38;
	[tilespmem:$0x1D000] =	vst v63  }
0x44a: {  	s5 =	simm.s32 $0x1B1B8;
	s6 =	sadd.s32 $0x70, s2;
	s2 =	sadd.s32 $0x1000, s2  }
0x44b: {  	[hbm4b:s16+s3] =	stream.linear.scatter [tilespmem:s15], [sflag:$0x8], $0x80, $0x38;
	[tilespmem:$0x1D000] =	vst v63  }
.LBB2_19:
0x44c: {  	[hbm4b:s6+s3] =	stream.linear.scatter [tilespmem:s5], [sflag:$0x8], $0x80, $0x38;
	[tilespmem:$0x1D000] =	vst v63  }
0x44d: {  	s5 =	smov.u32 s1;
	s1 =	smov.u32 s4  }
0x44e: {  	s7 =	sadd.s32 $0x1100, s4;
	s1 =	sshra.s32 s1, $0x2;
	s6 =	sadd.s32 $0x1AE00, s5  }
0x44f: {  	[hbm4b:s2+s3] =	stream.linear.scatter [tilespmem:s6], [sflag:$0x8], $0x80, $0x38;
	[tilespmem:$0x1D000] =	vst v63  }
0x450: {  	p0 =	sne.s32 s4, $0x7700;
	s4 =	sadd.s32 $0x1AE88, s5;
	s6 =	sadd.s32 $0x10, s2  }
0x451: {  	[hbm4b:s6+s3] =	stream.linear.scatter [tilespmem:s4], [sflag:$0x8], $0x80, $0x38;
	[tilespmem:$0x1D000] =	vst v63  }
0x452: {  	s4 =	sadd.s32 $0x1AF10, s5;
	s6 =	sadd.s32 $0x20, s2  }
0x453: {  	[hbm4b:s6+s3] =	stream.linear.scatter [tilespmem:s4], [sflag:$0x8], $0x80, $0x38;
	[tilespmem:$0x1D000] =	vst v63  }
0x454: {  	s4 =	sadd.s32 $0x1AF98, s5;
	s6 =	sadd.s32 $0x30, s2  }
0x455: {  	[hbm4b:s6+s3] =	stream.linear.scatter [tilespmem:s4], [sflag:$0x8], $0x80, $0x38;
	[tilespmem:$0x1D000] =	vst v63  }
0x456: {  	s4 =	sadd.s32 $0x1B020, s5;
	s6 =	sadd.s32 $0x40, s2  }
0x457: {  	[hbm4b:s6+s3] =	stream.linear.scatter [tilespmem:s4], [sflag:$0x8], $0x80, $0x38;
	[tilespmem:$0x1D000] =	vst v63  }
.Ltmp8:
0x458: {  	s4 =	sadd.s32 $0x1B0A8, s5;
	s6 =	sadd.s32 $0x50, s2;
	(pc) =	sbr.rel @p0 .LBB2_19-.Ltmp8, $4  }
0x459: {  	[hbm4b:s6+s3] =	stream.linear.scatter [tilespmem:s4], [sflag:$0x8], $0x80, $0x38;
	[tilespmem:$0x1D000] =	vst v63  }
0x45a: {  	s4 =	sadd.s32 $0x1B130, s5;
	s6 =	sadd.s32 $0x60, s2;
	s5 =	sadd.s32 $0x1B1B8, s5  }
0x45b: {  	[hbm4b:s6+s3] =	stream.linear.scatter [tilespmem:s4], [sflag:$0x8], $0x80, $0x38;
	[tilespmem:$0x1D000] =	vst v63  }
0x45c: {  	s6 =	sadd.s32 $0x70, s2;
	s2 =	sadd.s32 $0x1000, s2;
	s4 =	smov.u32 s7  }
0x45d: {  	[hbm4b:s6+s3] =	stream.linear.scatter [tilespmem:s5], [sflag:$0x8], $0x80, $0x38;
	[tilespmem:$0x1D000] =	vst v63  }
0x45e: {  	s4 =	sadd.s32 $0x1AE00, s1  }
0x45f: {  	[hbm4b:s2+s3] =	stream.linear.scatter [tilespmem:s4], [sflag:$0x8], $0x80, $0x38;
	[tilespmem:$0x1D000] =	vst v63  }
0x460: {  	s15 =	sadd.s32 $0x1AE88, s1;
	s16 =	sadd.s32 $0x10, s2  }
0x461: {  	[hbm4b:s16+s3] =	stream.linear.scatter [tilespmem:s15], [sflag:$0x8], $0x80, $0x38;
	[tilespmem:$0x1D000] =	vst v63  }
0x462: {  	s5 =	sadd.s32 $0x1AF10, s1;
	s6 =	sadd.s32 $0x20, s2  }
0x463: {  	[hbm4b:s6+s3] =	stream.linear.scatter [tilespmem:s5], [sflag:$0x8], $0x80, $0x38;
	[tilespmem:$0x1D000] =	vst v63  }
0x464: {  	s7 =	sadd.s32 $0x1AF98, s1;
	s8 =	sadd.s32 $0x30, s2  }
0x465: {  	[hbm4b:s8+s3] =	stream.linear.scatter [tilespmem:s7], [sflag:$0x8], $0x80, $0x38;
	[tilespmem:$0x1D000] =	vst v63  }
0x466: {  	s14 =	sadd.s32 $0x1, s14;
	s15 =	sadd.s32 $0x1B020, s1;
	s16 =	sadd.s32 $0x40, s2  }
0x467: {  	[hbm4b:s16+s3] =	stream.linear.scatter [tilespmem:s15], [sflag:$0x8], $0x80, $0x38;
	[tilespmem:$0x1D000] =	vst v63  }
0x468: {  	p0 =	sne.s32 s14, $0x32;
	s5 =	sadd.s32 $0x1B0A8, s1;
	s6 =	sadd.s32 $0x50, s2  }
0x469: {  	[hbm4b:s6+s3] =	stream.linear.scatter [tilespmem:s5], [sflag:$0x8], $0x80, $0x38;
	[tilespmem:$0x1D000] =	vst v63  }
.Ltmp9:
0x46a: {  	_ = 	snop;
	(pc) =	sbr.rel @p0 .LBB2_4-.Ltmp9, $4  }
0x46b: {  	s7 =	sadd.s32 $0x1B130, s1;
	s8 =	sadd.s32 $0x60, s2  }
0x46c: {  	[hbm4b:s8+s3] =	stream.linear.scatter [tilespmem:s7], [sflag:$0x8], $0x80, $0x38;
	[tilespmem:$0x1D000] =	vst v63  }
0x46d: {  	s15 =	sadd.s32 $0x1B1B8, s1;
	s16 =	sadd.s32 $0x70, s2  }
0x46e: {  	[hbm4b:s16+s3] =	stream.linear.scatter [tilespmem:s15], [sflag:$0x8], $0x80, $0x38;
	[tilespmem:$0x1D000] =	vst v63  }
0x46f: {  	s0 =	simm.s32 $0x7  }
0x470: {  	_ =	swait.ge [sflag:s0], $0x2000  }
0x471: {  	[sflag:s0] =	ssyncset.done $0x0  }
0x472: {  	s1 =	simm.s32 $0x8;
	[sflag:s0] =	ssyncadd.s32 $0xFFFFE000  }
0x473: {  	_ =	swait.ge [sflag:s1], $0x2000  }
0x474: {  	v47 =	vld [tilespmem:$0x1FD60]  }
0x475: {  	v20 =	vld [tilespmem:$0x1FD70]  }
0x476: {  	v25 =	vld [tilespmem:$0x1FD80]  }
0x477: {  	v50 =	vld [tilespmem:$0x1FD90]  }
0x478: {  	v59 =	vld [tilespmem:$0x1FDA0]  }
0x479: {  	v57 =	vld [tilespmem:$0x1FDB0]  }
0x47a: {  	v51 =	vld [tilespmem:$0x1FDC0]  }
0x47b: {  	v18 =	vld [tilespmem:$0x1FDE0]  }
0x47c: {  	v26 =	vld [tilespmem:$0x1FDF0]  }
0x47d: {  	v48 =	vld [tilespmem:$0x1FE00]  }
0x47e: {  	v54 =	vld [tilespmem:$0x1FE10]  }
0x47f: {  	v42 =	vld [tilespmem:$0x1FE20]  }
0x480: {  	v43 =	vld [tilespmem:$0x1FE30]  }
0x481: {  	v5 =	vld [tilespmem:$0x1FE40]  }
0x482: {  	v49 =	vld [tilespmem:$0x1FE60]  }
0x483: {  	v12 =	vld [tilespmem:$0x1FE70]  }
0x484: {  	v55 =	vld [tilespmem:$0x1FE80]  }
0x485: {  	v33 =	vld [tilespmem:$0x1FE90]  }
0x486: {  	v53 =	vld [tilespmem:$0x1FEA0]  }
0x487: {  	v41 =	vld [tilespmem:$0x1FEB0]  }
0x488: {  	v45 =	vld [tilespmem:$0x1FEC0]  }
0x489: {  	v38 =	vld [tilespmem:$0x1FEE0]  }
0x48a: {  	v44 =	vld [tilespmem:$0x1FEF0]  }
0x48b: {  	v39 =	vld [tilespmem:$0x1FF00]  }
0x48c: {  	v11 =	vld [tilespmem:$0x1FF10]  }
0x48d: {  	v23 =	vld [tilespmem:$0x1FF20]  }
0x48e: {  	v52 =	vld [tilespmem:$0x1FF30]  }
0x48f: {  	v36 =	vld [tilespmem:$0x1FF40]  }
0x490: {  	v40 =	vld [tilespmem:$0x1FF50]  }
0x491: {  	v46 =	vld [tilespmem:$0x1FF60]  }
0x492: {  	v56 =	vld [tilespmem:$0x1FF70]  }
0x493: {  	s2 =	rddreg [dreg:$0x12];
	v30 =	vld [tilespmem:$0x1FF80]  }
0x494: {  	s31 =	rddreg [dreg:$0x11];
	v34 =	vld [tilespmem:$0x1FF90];
	s2 =	sadd.s32 $0x1, s2  }
0x495: {  	v21 =	vld [tilespmem:$0x1FFA0];
	p0 =	sne.s32 s2, s31  }
.Ltmp10:
0x496: {  	v58 =	vld [tilespmem:$0x1FFB0];
	(pc) =	sbr.rel @p0 .LBB2_1-.Ltmp10, $4  }
0x497: {  	v61 =	vld [tilespmem:$0x1FFC0]  }
0x498: {  	v17 =	vld [tilespmem:$0x1FFD0]  }
0x499: {  	[sflag:s1] =	ssyncset.done $0x0;
	v24 =	vld [tilespmem:$0x1FFE0]  }
0x49a: {  	v35 =	vld [tilespmem:$0x1FFF0];
	[sflag:s1] =	ssyncadd.s32 $0xFFFFE000  }
0x49b: {  	_ =	sfence.sel $0x180000  }
0x49c: {  	[bflag:$0x0] =	sbarrier.arrive $0xFFFF  }
0x49d: {  	_ =	strace $0x90000047  }
0x49e: {  	s0 =	stileid.u32;
	[bflag:$0x2] =	sbarrier.arrive $0xFFFF  }
0x49f: {  	p0 =	sne.s32 s0, $0x0;
	s0 =	rddreg [dreg:$0x2]  }
0x4a0: {  	s0 =	sadd.s32 @!p0 $0x100000, s0  }
0x4a1: {  	[sflag:s0] =	ssyncadd.tile.s32 @!p0 $0x1;
	_ =	shalt  }
.Lfunc_end2:
_tile_overlayer_lowered:
.L_overlay_start_2:
0x4a2: {  	(tag) =	ssettag $0x2  }
0x4a3: {  	s0 =	rddreg [dreg:$0x0];
	s2 =	stileid.u32  }
0x4a4: {  	s1 =	rddreg [dreg:$0x1];
	p0 =	sne.s32 s2, $0x0  }
0x4a5: {  	s3 =	rddreg [dreg:$0x2];
	[bflag:$0x3] =	sbarrier.arrive $0xFFFF;
	s2 =	simm.s32 @!p0 $0x1C09  }
0x4a6: {  	[timem:s3], [sflag:s2] =	dma.local @!p0 [hbm:s0], s1  }
0x4a7: {  	s0 =	simm.s32 @!p0 $0x9  }
0x4a8: {  	_ =	swait.ge @!p0 [sflag:s0], s1  }
0x4a9: {  	s1 =	ssub.s32 @!p0 $0x0, s1;
	[sflag:s0] =	ssyncset.done @!p0 $0x0  }
0x4aa: {  	[sflag:s0] =	ssyncadd.s32 @!p0 s1  }
0x4ab: {  	[bflag:$0x3] =	sbarrier.arrive $0xFFFF  }
0x4ac: {  	_ =	shalt  }

</sc_bundles>
